<compile_context>
chip_gen: v7x
topology: tpu7x:2x2x1
jax: 0.10.2.dev20260603
libtpu: 0.0.44.dev20260713+nightly
codegen_flags: <defaults>
</compile_context>

<pallas_src>
import functools

import jax
import jax.numpy as jnp
from jax import lax
from jax.experimental import pallas as pl
from jax.experimental.pallas import tpu as pltpu
from jax.experimental.pallas import tpu_sc as plsc

N = 7680
E = 122880
G = 256
ND = 128

_F32 = jnp.float32
_HI = lax.Precision.HIGHEST

_CHUNK = 128
_EPW = E // 16
_NCH = _EPW // _CHUNK
_RPS = N // 16

def _dot(a, b):
    return jnp.dot(a, b, precision=_HI, preferred_element_type=_F32)


def _r(x):
    return x.astype(jnp.bfloat16).astype(_F32)



@functools.cache
def _mesh():
    return plsc.VectorSubcoreMesh(core_axis_name="c", subcore_axis_name="s",
                                  num_cores=2, num_subcores=16)


@functools.cache
def _spmm_kernel():
  @functools.partial(
      pl.kernel,
      out_type=(jax.ShapeDtypeStruct((N, ND), _F32),
                jax.ShapeDtypeStruct((N, ND), _F32)),
      mesh=_mesh(),
      scratch_types=[
          pltpu.VMEM((_NCH, _CHUNK), jnp.int32),
          pltpu.VMEM((_NCH, _CHUNK), jnp.int32),
          pltpu.VMEM((_CHUNK, ND), _F32),
          pltpu.VMEM((_CHUNK, ND), _F32),
          pltpu.VMEM_SHARED((N, ND), _F32),
          pltpu.SemaphoreType.DMA,
          pltpu.SemaphoreType.DMA,
      ],
  )
  def _spmm(h_hbm, src2_hbm, dst2_hbm, zeros_hbm, p_hbm, q_hbm,
            gidx, sidx, buf0, buf1, acc, sem0, sem1):
    cid = lax.axis_index("c")
    sid = lax.axis_index("s")
    r0 = sid * _RPS
    pltpu.sync_copy(zeros_hbm.at[pl.ds(r0, _RPS)], acc.at[pl.ds(r0, _RPS)])
    plsc.subcore_barrier()
    bufs = (buf0, buf1)
    sems = (sem0, sem1)

    def run(g_hbm, s_hbm, out_hbm):
        pltpu.sync_copy(g_hbm.at[sid], gidx)
        pltpu.sync_copy(s_hbm.at[sid], sidx)
        pltpu.async_copy(h_hbm.at[gidx.at[0]], buf0, sem0)

        def body(k2, carry):
            for b in range(2):
                j = k2 * 2 + b
                pltpu.make_async_copy(h_hbm.at[gidx.at[j]], bufs[b], sems[b]).wait()

                @pl.when(j + 1 < _NCH)
                def _():
                    pltpu.async_copy(h_hbm.at[gidx.at[j + 1]], bufs[1 - b],
                                     sems[1 - b])
                pltpu.sync_copy(bufs[b], acc.at[sidx.at[j]], add=True)
            return carry
        lax.fori_loop(0, _NCH // 2, body, 0)
        plsc.subcore_barrier()
        pltpu.sync_copy(acc.at[pl.ds(r0, _RPS)], out_hbm.at[pl.ds(r0, _RPS)])

    @pl.when(cid == 0)
    def _():
        run(src2_hbm, dst2_hbm, p_hbm)

    @pl.when(cid == 1)
    def _():
        run(dst2_hbm, src2_hbm, q_hbm)

  return _spmm


def _spmm(h, src, dst, zeros_nd):
    src3 = src.reshape(16, _NCH, _CHUNK)
    dst3 = dst.reshape(16, _NCH, _CHUNK)
    return _spmm_kernel()(h, src3, dst3, zeros_nd)



def _embed_call(x3, emb16):
    def body(x_ref, emb_ref, o_ref, or_ref):
        xv = x_ref[0, 0, :]
        oh = (xv[:, None] == lax.broadcasted_iota(jnp.int32, (256, 16), 1))
        h = _dot(oh.astype(_F32), emb_ref[...])
        o_ref[...] = h
        or_ref[...] = _r(h)

    return pl.pallas_call(
        body,
        grid=(N // 256,),
        in_specs=[pl.BlockSpec((1, 1, 256), lambda i: (i, 0, 0)),
                  pl.BlockSpec((16, ND), lambda i: (0, 0))],
        out_specs=[pl.BlockSpec((256, ND), lambda i: (i, 0)),
                   pl.BlockSpec((256, ND), lambda i: (i, 0))],
        out_shape=[jax.ShapeDtypeStruct((N, ND), _F32),
                   jax.ShapeDtypeStruct((N, ND), _F32)],
    )(x3, emb16)


def _update_call(P, Q, h, hr, ind16, outd16, waT, wraT, wbT, wrbT, msgb,
                 msgrb, wihT, whhT, bih, bhh):
    R = 256

    def body(p_ref, q_ref, h_ref, hr_ref, ind_ref, outd_ref, waT_ref,
             wraT_ref, wbT_ref, wrbT_ref, msgb_ref, msgrb_ref, wihT_ref,
             whhT_ref, bih_ref, bhh_ref, o_ref, or_ref):
        hb = h_ref[...]
        hrb = hr_ref[...]
        ind = ind_ref[:, :1]
        outd = outd_ref[:, :1]
        aggr = (_dot(p_ref[...], waT_ref[...]) + _dot(q_ref[...], wraT_ref[...])
                + ind * _dot(hrb, wbT_ref[...]) + outd * _dot(hrb, wrbT_ref[...])
                + ind * msgb_ref[...] + outd * msgrb_ref[...])
        gi = _dot(_r(aggr), wihT_ref[...]) + bih_ref[...]
        gh = _dot(hrb, whhT_ref[...]) + bhh_ref[...]
        r = jax.nn.sigmoid(gi[:, :ND] + gh[:, :ND])
        z = jax.nn.sigmoid(gi[:, ND:2 * ND] + gh[:, ND:2 * ND])
        n = jnp.tanh(gi[:, 2 * ND:] + r * gh[:, 2 * ND:])
        h_new = (1.0 - z) * n + z * hb
        o_ref[...] = h_new
        or_ref[...] = _r(h_new)

    row = lambda shape: pl.BlockSpec(shape, lambda i: (i, 0))
    cst = lambda shape: pl.BlockSpec(shape, lambda i: (0, 0))
    return pl.pallas_call(
        body,
        grid=(N // R,),
        in_specs=[row((R, ND)), row((R, ND)), row((R, ND)), row((R, ND)),
                  row((R, 16)), row((R, 16)),
                  cst((ND, 2 * ND)), cst((ND, 2 * ND)),
                  cst((ND, 2 * ND)), cst((ND, 2 * ND)),
                  cst((1, 2 * ND)), cst((1, 2 * ND)),
                  cst((2 * ND, 3 * ND)), cst((ND, 3 * ND)),
                  cst((1, 3 * ND)), cst((1, 3 * ND))],
        out_specs=[row((R, ND)), row((R, ND))],
        out_shape=[jax.ShapeDtypeStruct((N, ND), _F32),
                   jax.ShapeDtypeStruct((N, ND), _F32)],
    )(P, Q, h, hr, ind16, outd16, waT, wraT, wbT, wrbT, msgb, msgrb,
      wihT, whhT, bih, bhh)


def _gated_call(h, hps8, S, batch3, fc1T8, fc1b8, fmWhT, fmWpT, fmb, gmWhT,
                gmWpT, gmb8):
    R = 240

    def body(h_ref, hp_ref, s_ref, b_ref, fc1T_ref, fc1b_ref, fmWhT_ref,
             fmWpT_ref, fmb_ref, gmWhT_ref, gmWpT_ref, gmb_ref, o_ref):
        hp = jax.nn.relu(_dot(hp_ref[...], fc1T_ref[...]) + fc1b_ref[...])
        rep = _r(_dot(s_ref[...], hp))
        hb = h_ref[...]
        hv = _dot(hb, fmWhT_ref[...]) + _dot(rep, fmWpT_ref[...]) + fmb_ref[...]
        gl = _dot(hb, gmWhT_ref[...]) + _dot(rep, gmWpT_ref[...]) + gmb_ref[...]
        gated = hv * jax.nn.sigmoid(gl[:, :1])
        bv = b_ref[0, 0, :]
        oh = (bv[:, None] == lax.broadcasted_iota(jnp.int32, (R, G), 1))
        contrib = lax.dot_general(oh.astype(_F32), gated,
                                  (((0,), (0,)), ((), ())),
                                  precision=_HI, preferred_element_type=_F32)
        i = pl.program_id(0)

        @pl.when(i == 0)
        def _():
            o_ref[...] = contrib

        @pl.when(i > 0)
        def _():
            o_ref[...] += contrib

    return pl.pallas_call(
        body,
        grid=(N // R,),
        in_specs=[pl.BlockSpec((R, ND), lambda i: (i, 0)),
                  pl.BlockSpec((8, 8), lambda i: (i, 0)),
                  pl.BlockSpec((R, 8), lambda i: (0, 0)),
                  pl.BlockSpec((1, 1, R), lambda i: (i, 0, 0)),
                  pl.BlockSpec((8, 8), lambda i: (0, 0)),
                  pl.BlockSpec((1, 8), lambda i: (0, 0)),
                  pl.BlockSpec((ND, 256), lambda i: (0, 0)),
                  pl.BlockSpec((8, 256), lambda i: (0, 0)),
                  pl.BlockSpec((1, 256), lambda i: (0, 0)),
                  pl.BlockSpec((ND, 8), lambda i: (0, 0)),
                  pl.BlockSpec((8, 8), lambda i: (0, 0)),
                  pl.BlockSpec((1, 8), lambda i: (0, 0))],
        out_specs=pl.BlockSpec((G, 256), lambda i: (0, 0)),
        out_shape=jax.ShapeDtypeStruct((G, 256), _F32),
    )(h, hps8, S, batch3, fc1T8, fc1b8, fmWhT, fmWpT, fmb, gmWhT, gmWpT, gmb8)


def _head_call(hG, w0T, b0, w1T, b1, w2T8, b28):
    def body(hg_ref, w0_ref, b0_ref, w1_ref, b1_ref, w2_ref, b2_ref, o_ref):
        o = jax.nn.relu(_dot(_r(hg_ref[...]), w0_ref[...]) + b0_ref[...])
        o = jax.nn.relu(_dot(_r(o), w1_ref[...]) + b1_ref[...])
        o_ref[...] = _dot(_r(o), w2_ref[...]) + b2_ref[...]

    return pl.pallas_call(
        body,
        out_shape=jax.ShapeDtypeStruct((G, 8), _F32),
    )(hG, w0T, b0, w1T, b1, w2T8, b28)



def kernel(x, edge_index, batch, hyperparameters, node_emb,
           msg_W0, msg_b0, msgr_W0, msgr_b0, gru_wih0, gru_whh0, gru_bih0, gru_bhh0,
           msg_W1, msg_b1, msgr_W1, msgr_b1, gru_wih1, gru_whh1, gru_bih1, gru_bhh1,
           msg_W2, msg_b2, msgr_W2, msgr_b2, gru_wih2, gru_whh2, gru_bih2, gru_bhh2,
           fc1_W, fc1_b, fm_W, fm_b, gm_W, gm_b,
           acc_W0, acc_b0, acc_W1, acc_b1, acc_W2, acc_b2):
    msg_W = [msg_W0, msg_W1, msg_W2]
    msg_b = [msg_b0, msg_b1, msg_b2]
    msgr_W = [msgr_W0, msgr_W1, msgr_W2]
    msgr_b = [msgr_b0, msgr_b1, msgr_b2]
    gru_wih = [gru_wih0, gru_wih1, gru_wih2]
    gru_whh = [gru_whh0, gru_whh1, gru_whh2]
    gru_bih = [gru_bih0, gru_bih1, gru_bih2]
    gru_bhh = [gru_bhh0, gru_bhh1, gru_bhh2]

    src = edge_index[0].astype(jnp.int32)
    dst = edge_index[1].astype(jnp.int32)

    x3 = x.astype(jnp.int32).reshape(N // 256, 1, 256)
    emb16 = jnp.zeros((16, ND), _F32).at[:11].set(node_emb)
    h, hr = _embed_call(x3, emb16)

    zeros_nd = jnp.zeros((N, ND), _F32)
    ones_nd = jnp.ones((N, ND), _F32)
    ind_full, outd_full = _spmm(ones_nd, src, dst, zeros_nd)
    ind16 = ind_full[:, :16]
    outd16 = outd_full[:, :16]

    for l in range(3):
        P, Q = _spmm(hr, src, dst, zeros_nd)
        h, hr = _update_call(
            P, Q, h, hr, ind16, outd16,
            _r(msg_W[l][:, :ND].T), _r(msgr_W[l][:, :ND].T),
            _r(msg_W[l][:, ND:].T), _r(msgr_W[l][:, ND:].T),
            msg_b[l].reshape(1, -1), msgr_b[l].reshape(1, -1),
            _r(gru_wih[l].T), _r(gru_whh[l].T),
            gru_bih[l].reshape(1, -1), gru_bhh[l].reshape(1, -1))

    hps8 = _r(jnp.zeros((G, 8), _F32).at[:, :5].set(hyperparameters.reshape(G, 5)))
    S = jnp.zeros((240, 8), _F32).at[jnp.arange(240), jnp.arange(240) // 30].set(1.0)
    fc1T8 = _r(jnp.zeros((8, 8), _F32).at[:5, :5].set(fc1_W.T))
    fc1b8 = jnp.zeros((1, 8), _F32).at[0, :5].set(fc1_b)
    fmWhT = _r(fm_W[:, :ND].T)
    fmWpT = _r(jnp.zeros((8, 256), _F32).at[:5].set(fm_W[:, ND:].T))
    fmb = fm_b.reshape(1, -1)
    gmWhT = _r(jnp.zeros((ND, 8), _F32).at[:, :1].set(gm_W[:, :ND].T))
    gmWpT = _r(jnp.zeros((8, 8), _F32).at[:5, :1].set(gm_W[:, ND:].T))
    gmb8 = jnp.zeros((1, 8), _F32).at[0, 0].set(gm_b[0])
    batch3 = batch.astype(jnp.int32).reshape(N // 240, 1, 240)
    hG = _gated_call(hr, hps8, S, batch3, fc1T8, fc1b8, fmWhT, fmWpT, fmb,
                     gmWhT, gmWpT, gmb8)

    w0T, b0 = _r(acc_W0.T), acc_b0.reshape(1, -1)
    w1T, b1 = _r(acc_W1.T), acc_b1.reshape(1, -1)
    w2T8 = _r(jnp.zeros((64, 8), _F32).at[:, :1].set(acc_W2.T))
    b28 = jnp.zeros((1, 8), _F32).at[0, 0].set(acc_b2[0])
    out8 = _head_call(hG, w0T, b0, w1T, b1, w2T8, b28)
    return out8[:, 0]

# --- scband reference (transcript-rebuilt; emitter-appended) ---
"""Pipeline reference for scband-gnnpred-56530359550357 (READ-ONLY COPY).

The authoritative reference and input builder live on the scoring server;
editing this copy changes nothing except your own understanding.
"""

import jax, jax.numpy as jnp
import numpy as np

N = 7680
E = 122880
G = 256
NDIM = 128
SDIM = 256
NUM_LAYERS = 3


def _lin(x, W, b):
    return x @ W.T + b


def _gru(x, h, wih, whh, bih, bhh):
    gi = x @ wih.T + bih
    gh = h @ whh.T + bhh
    i_r, i_z, i_n = jnp.split(gi, 3, axis=1)
    h_r, h_z, h_n = jnp.split(gh, 3, axis=1)
    r = jax.nn.sigmoid(i_r + h_r)
    z = jax.nn.sigmoid(i_z + h_z)
    n = jnp.tanh(i_n + r * h_n)
    return (1.0 - z) * n + z * h


def setup_inputs(seed=0):
    key = jax.random.key(seed)
    inp = {}
    inp["x"] = jax.random.randint(jax.random.fold_in(key, 0), (N,), 0, 11)
    inp["edge_index"] = jax.random.randint(jax.random.fold_in(key, 1), (2, E), 0, N)
    inp["batch"] = jnp.sort(jax.random.randint(jax.random.fold_in(key, 2), (N,), 0, G))
    inp["hyperparameters"] = jax.random.normal(jax.random.fold_in(key, 3), (G * 5,), dtype=jnp.float32)

    def w(k, shape, fan_in):
        return jax.random.normal(jax.random.fold_in(key, k), shape, dtype=jnp.float32) * (1.0 / np.sqrt(fan_in))

    inp["node_emb"] = w(10, (11, NDIM), NDIM)
    for l in range(NUM_LAYERS):
        inp[f"msg_W{l}"] = w(20 + l, (2 * NDIM, 2 * NDIM), 2 * NDIM)
        inp[f"msg_b{l}"] = jnp.zeros((2 * NDIM,), dtype=jnp.float32)
        inp[f"msgr_W{l}"] = w(30 + l, (2 * NDIM, 2 * NDIM), 2 * NDIM)
        inp[f"msgr_b{l}"] = jnp.zeros((2 * NDIM,), dtype=jnp.float32)
        inp[f"gru_wih{l}"] = w(40 + l, (3 * NDIM, 2 * NDIM), 2 * NDIM)
        inp[f"gru_whh{l}"] = w(50 + l, (3 * NDIM, NDIM), NDIM)
        inp[f"gru_bih{l}"] = jnp.zeros((3 * NDIM,), dtype=jnp.float32)
        inp[f"gru_bhh{l}"] = jnp.zeros((3 * NDIM,), dtype=jnp.float32)
    inp["fc1_W"] = w(60, (5, 5), 5)
    inp["fc1_b"] = jnp.zeros((5,), dtype=jnp.float32)
    inp["fm_W"] = w(61, (SDIM, NDIM + 5), NDIM + 5)
    inp["fm_b"] = jnp.zeros((SDIM,), dtype=jnp.float32)
    inp["gm_W"] = w(62, (1, NDIM + 5), NDIM + 5)
    inp["gm_b"] = jnp.zeros((1,), dtype=jnp.float32)
    dims = [SDIM, SDIM // 2, SDIM // 4, 1]
    for l in range(3):
        inp[f"acc_W{l}"] = w(70 + l, (dims[l + 1], dims[l]), dims[l])
        inp[f"acc_b{l}"] = jnp.zeros((dims[l + 1],), dtype=jnp.float32)
    return inp


def _forward(x, edge_index, batch, fl):
    # HypEmb
    hps = jnp.reshape(fl["hyperparameters"], (-1, 5))
    hps = jax.nn.relu(_lin(hps, fl["fc1_W"], fl["fc1_b"]))
    hyp_rep = jnp.repeat(hps, 30, axis=0)
    # NodeEmb: embedding lookup then GNN layers (dropout p is a no-op in eval)
    h = fl["node_emb"][x]
    ei = jnp.concatenate([edge_index, edge_index[::-1]], axis=1)
    src, dst = ei[0], ei[1]
    for l in range(NUM_LAYERS):
        m = jnp.concatenate([h[src], h[dst]], axis=1)
        half = m.shape[0] // 2
        a = jnp.concatenate(
            [_lin(m[:half], fl[f"msg_W{l}"], fl[f"msg_b{l}"]),
             _lin(m[half:], fl[f"msgr_W{l}"], fl[f"msgr_b{l}"])], axis=0)
        aggr = jax.ops.segment_sum(a, dst, num_segments=h.shape[0])
        h = _gru(aggr, h, fl[f"gru_wih{l}"], fl[f"gru_whh{l}"], fl[f"gru_bih{l}"], fl[f"gru_bhh{l}"])
    # GraphEmb (gsum)
    h = jnp.concatenate([h, hyp_rep], axis=1)
    h_vG = _lin(h, fl["fm_W"], fl["fm_b"])
    g_vG = jax.nn.sigmoid(_lin(h, fl["gm_W"], fl["gm_b"]))
    h_G = jax.ops.segment_sum(h_vG * g_vG, batch, num_segments=G)
    # GetAcc head (dropout p=0.0)
    out = jax.nn.relu(_lin(h_G, fl["acc_W0"], fl["acc_b0"]))
    out = jax.nn.relu(_lin(out, fl["acc_W1"], fl["acc_b1"]))
    out = _lin(out, fl["acc_W2"], fl["acc_b2"])
    return out.reshape(-1)


def reference(x, edge_index, batch, hyperparameters, node_emb,
              msg_W0, msg_b0, msgr_W0, msgr_b0, gru_wih0, gru_whh0, gru_bih0, gru_bhh0,
              msg_W1, msg_b1, msgr_W1, msgr_b1, gru_wih1, gru_whh1, gru_bih1, gru_bhh1,
              msg_W2, msg_b2, msgr_W2, msgr_b2, gru_wih2, gru_whh2, gru_bih2, gru_bhh2,
              fc1_W, fc1_b, fm_W, fm_b, gm_W, gm_b,
              acc_W0, acc_b0, acc_W1, acc_b1, acc_W2, acc_b2):
    fl = dict(locals())
    del fl["x"], fl["edge_index"], fl["batch"]
    return _forward(x, edge_index, batch, fl)

if __name__ == "__main__":
    import jax
    _d = setup_inputs()
    print(jax.jit(kernel)(*tuple(_d.values())))

</pallas_src>

<mosaic_0001>
#map = affine_map<(d0, d1) -> (0, 0)>
#map1 = affine_map<(d0, d1) -> (0, 0, 0)>
module attributes {stable_mosaic.version = 14 : i64} {
  func.func @_spmm(%arg0: i32, %arg1: i32, %arg2: memref<7680x128xf32, #tpu.memory_space<hbm>>, %arg3: memref<16x60x128xi32, #tpu.memory_space<hbm>>, %arg4: memref<16x60x128xi32, #tpu.memory_space<hbm>>, %arg5: memref<7680x128xf32, #tpu.memory_space<hbm>>, %arg6: memref<7680x128xf32, #tpu.memory_space<hbm>>, %arg7: memref<7680x128xf32, #tpu.memory_space<hbm>>, %arg8: memref<60x128xi32, #tpu.memory_space<vmem>>, %arg9: memref<60x128xi32, #tpu.memory_space<vmem>>, %arg10: memref<128x128xf32, #tpu.memory_space<vmem>>, %arg11: memref<128x128xf32, #tpu.memory_space<vmem>>, %arg12: memref<7680x128xf32, #tpu.memory_space<vmem_shared>>, %arg13: memref<!tpu.dma_semaphore, #tpu.memory_space<semaphore_mem>>, %arg14: memref<!tpu.dma_semaphore, #tpu.memory_space<semaphore_mem>>) attributes {dimension_semantics = [#tpu.dimension_semantics<core_parallel>, #tpu.dimension_semantics<subcore_parallel>], iteration_bounds = array<i64: 2, 16>, scalar_prefetch = 0 : i64, scratch_operands = 7 : i64, tpu.core_type = #tpu.core_type<sc_vector_subcore>, window_params = [{transform_indices = #map}, {transform_indices = #map1}, {transform_indices = #map1}, {transform_indices = #map}, {transform_indices = #map}, {transform_indices = #map}]} {
    %mul3A = arith.constant 480 : i32
    %mul3A_0 = arith.muli %arg1, %mul3A : i32
    "tpu.region"() ({
      %run_scoped3A = tpu.sem_alloc : memref<!tpu.dma_semaphore, #tpu.memory_space<semaphore_mem>>
      %dma_start3A = arith.constant 0 : i32
      %dma_start3A_8 = tpu.memref_slice %arg12[%mul3A_0, %dma_start3A] : memref<7680x128xf32, #tpu.memory_space<vmem_shared>> -> memref<480x128xf32, #tpu.memory_space<vmem_shared>>
      %dma_start3A_9 = arith.constant 0 : i32
      %dma_start3A_10 = tpu.memref_slice %arg5[%mul3A_0, %dma_start3A_9] : memref<7680x128xf32, #tpu.memory_space<hbm>> -> memref<480x128xf32, #tpu.memory_space<hbm>>
      tpu.enqueue_dma source(%dma_start3A_10 : memref<480x128xf32, #tpu.memory_space<hbm>>) target(%dma_start3A_8 : memref<480x128xf32, #tpu.memory_space<vmem_shared>>) target_semaphore(%run_scoped3A : memref<!tpu.dma_semaphore, #tpu.memory_space<semaphore_mem>>)
      %dma_wait3A = arith.constant 0 : i32
      %dma_wait3A_11 = tpu.memref_slice %arg12[%mul3A_0, %dma_wait3A] : memref<7680x128xf32, #tpu.memory_space<vmem_shared>> -> memref<480x128xf32, #tpu.memory_space<vmem_shared>>
      %dma_wait3A_12 = arith.constant 0 : i32
      %dma_wait3A_13 = tpu.memref_slice %arg5[%mul3A_0, %dma_wait3A_12] : memref<7680x128xf32, #tpu.memory_space<hbm>> -> memref<480x128xf32, #tpu.memory_space<hbm>>
      tpu.wait_dma2 semaphore(%run_scoped3A : memref<!tpu.dma_semaphore, #tpu.memory_space<semaphore_mem>>) src(%dma_wait3A_13 : memref<480x128xf32, #tpu.memory_space<hbm>>) dst(%dma_wait3A_11 : memref<480x128xf32, #tpu.memory_space<vmem_shared>>)
      tpu.yield
    }) : () -> ()
    %barrier3A = arith.constant 0 : index
    tpu.barrier barrier_id(%barrier3A)
    %eq3A = arith.constant 0 : i32
    %eq3A_1 = arith.cmpi eq, %arg0, %eq3A : i32
    %convert_element_type3A = arith.extui %eq3A_1 : i1 to i32
    %cond3A = arith.constant 0 : i32
    %cond3A_2 = arith.cmpi ne, %convert_element_type3A, %cond3A : i32
    scf.if %cond3A_2 {
      "tpu.region"() ({
        %run_scoped3A = tpu.sem_alloc : memref<!tpu.dma_semaphore, #tpu.memory_space<semaphore_mem>>
        %dma_start3A_20 = arith.constant 0 : i32
        %dma_start3A_21 = arith.constant 0 : i32
        %dma_start3A_22 = tpu.memref_slice %arg3[%arg1, %dma_start3A_20, %dma_start3A_21] : memref<16x60x128xi32, #tpu.memory_space<hbm>> -> memref<1x60x128xi32, #tpu.memory_space<hbm>>
        %dma_start3A_23 = tpu.memref_squeeze %dma_start3A_22 : memref<1x60x128xi32, #tpu.memory_space<hbm>> -> memref<60x128xi32, #tpu.memory_space<hbm>>
        %dma_start3A_24 = arith.constant 0 : i32
        %dma_start3A_25 = arith.constant 0 : i32
        %dma_start3A_26 = tpu.memref_slice %arg3[%arg1, %dma_start3A_24, %dma_start3A_25] : memref<16x60x128xi32, #tpu.memory_space<hbm>> -> memref<1x60x128xi32, #tpu.memory_space<hbm>>
        %dma_start3A_27 = tpu.memref_squeeze %dma_start3A_26 : memref<1x60x128xi32, #tpu.memory_space<hbm>> -> memref<60x128xi32, #tpu.memory_space<hbm>>
        tpu.enqueue_dma source(%dma_start3A_27 : memref<60x128xi32, #tpu.memory_space<hbm>>) target(%arg8 : memref<60x128xi32, #tpu.memory_space<vmem>>) target_semaphore(%run_scoped3A : memref<!tpu.dma_semaphore, #tpu.memory_space<semaphore_mem>>)
        %dma_wait3A = arith.constant 0 : i32
        %dma_wait3A_28 = arith.constant 0 : i32
        %dma_wait3A_29 = tpu.memref_slice %arg3[%arg1, %dma_wait3A, %dma_wait3A_28] : memref<16x60x128xi32, #tpu.memory_space<hbm>> -> memref<1x60x128xi32, #tpu.memory_space<hbm>>
        %dma_wait3A_30 = tpu.memref_squeeze %dma_wait3A_29 : memref<1x60x128xi32, #tpu.memory_space<hbm>> -> memref<60x128xi32, #tpu.memory_space<hbm>>
        %dma_wait3A_31 = arith.constant 0 : i32
        %dma_wait3A_32 = arith.constant 0 : i32
        %dma_wait3A_33 = tpu.memref_slice %arg3[%arg1, %dma_wait3A_31, %dma_wait3A_32] : memref<16x60x128xi32, #tpu.memory_space<hbm>> -> memref<1x60x128xi32, #tpu.memory_space<hbm>>
        %dma_wait3A_34 = tpu.memref_squeeze %dma_wait3A_33 : memref<1x60x128xi32, #tpu.memory_space<hbm>> -> memref<60x128xi32, #tpu.memory_space<hbm>>
        tpu.wait_dma2 semaphore(%run_scoped3A : memref<!tpu.dma_semaphore, #tpu.memory_space<semaphore_mem>>) src(%dma_wait3A_34 : memref<60x128xi32, #tpu.memory_space<hbm>>) dst(%arg8 : memref<60x128xi32, #tpu.memory_space<vmem>>)
        tpu.yield
      }) : () -> ()
      "tpu.region"() ({
        %run_scoped3A = tpu.sem_alloc : memref<!tpu.dma_semaphore, #tpu.memory_space<semaphore_mem>>
        %dma_start3A_20 = arith.constant 0 : i32
        %dma_start3A_21 = arith.constant 0 : i32
        %dma_start3A_22 = tpu.memref_slice %arg4[%arg1, %dma_start3A_20, %dma_start3A_21] : memref<16x60x128xi32, #tpu.memory_space<hbm>> -> memref<1x60x128xi32, #tpu.memory_space<hbm>>
        %dma_start3A_23 = tpu.memref_squeeze %dma_start3A_22 : memref<1x60x128xi32, #tpu.memory_space<hbm>> -> memref<60x128xi32, #tpu.memory_space<hbm>>
        %dma_start3A_24 = arith.constant 0 : i32
        %dma_start3A_25 = arith.constant 0 : i32
        %dma_start3A_26 = tpu.memref_slice %arg4[%arg1, %dma_start3A_24, %dma_start3A_25] : memref<16x60x128xi32, #tpu.memory_space<hbm>> -> memref<1x60x128xi32, #tpu.memory_space<hbm>>
        %dma_start3A_27 = tpu.memref_squeeze %dma_start3A_26 : memref<1x60x128xi32, #tpu.memory_space<hbm>> -> memref<60x128xi32, #tpu.memory_space<hbm>>
        tpu.enqueue_dma source(%dma_start3A_27 : memref<60x128xi32, #tpu.memory_space<hbm>>) target(%arg9 : memref<60x128xi32, #tpu.memory_space<vmem>>) target_semaphore(%run_scoped3A : memref<!tpu.dma_semaphore, #tpu.memory_space<semaphore_mem>>)
        %dma_wait3A = arith.constant 0 : i32
        %dma_wait3A_28 = arith.constant 0 : i32
        %dma_wait3A_29 = tpu.memref_slice %arg4[%arg1, %dma_wait3A, %dma_wait3A_28] : memref<16x60x128xi32, #tpu.memory_space<hbm>> -> memref<1x60x128xi32, #tpu.memory_space<hbm>>
        %dma_wait3A_30 = tpu.memref_squeeze %dma_wait3A_29 : memref<1x60x128xi32, #tpu.memory_space<hbm>> -> memref<60x128xi32, #tpu.memory_space<hbm>>
        %dma_wait3A_31 = arith.constant 0 : i32
        %dma_wait3A_32 = arith.constant 0 : i32
        %dma_wait3A_33 = tpu.memref_slice %arg4[%arg1, %dma_wait3A_31, %dma_wait3A_32] : memref<16x60x128xi32, #tpu.memory_space<hbm>> -> memref<1x60x128xi32, #tpu.memory_space<hbm>>
        %dma_wait3A_34 = tpu.memref_squeeze %dma_wait3A_33 : memref<1x60x128xi32, #tpu.memory_space<hbm>> -> memref<60x128xi32, #tpu.memory_space<hbm>>
        tpu.wait_dma2 semaphore(%run_scoped3A : memref<!tpu.dma_semaphore, #tpu.memory_space<semaphore_mem>>) src(%dma_wait3A_34 : memref<60x128xi32, #tpu.memory_space<hbm>>) dst(%arg9 : memref<60x128xi32, #tpu.memory_space<vmem>>)
        tpu.yield
      }) : () -> ()
      %dma_start3A = arith.constant 0 : i32
      %dma_start3A_8 = arith.constant 0 : i32
      %dma_start3A_9 = tpu.memref_slice %arg8[%dma_start3A, %dma_start3A_8] : memref<60x128xi32, #tpu.memory_space<vmem>> -> memref<1x128xi32, #tpu.memory_space<vmem>>
      %dma_start3A_10 = tpu.memref_squeeze %dma_start3A_9 : memref<1x128xi32, #tpu.memory_space<vmem>> -> memref<128xi32, #tpu.memory_space<vmem>>
      %dma_start3A_11 = arith.constant 0 : i32
      %dma_start3A_12 = arith.constant 0 : i32
      %dma_start3A_13 = tpu.memref_slice %arg2[%dma_start3A_11, %dma_start3A_12] : memref<7680x128xf32, #tpu.memory_space<hbm>> -> memref<7680x128xf32, #tpu.memory_space<hbm>>
      tpu.enqueue_indirect_dma source(%dma_start3A_13 : memref<7680x128xf32, #tpu.memory_space<hbm>>) target(%arg10 : memref<128x128xf32, #tpu.memory_space<vmem>>) offsets(%dma_start3A_10 : memref<128xi32, #tpu.memory_space<vmem>>) semaphore(%arg13 : memref<!tpu.dma_semaphore, #tpu.memory_space<semaphore_mem>>)
      %scan3A = arith.constant 0 : i32
      %scan3A_14 = arith.constant 0 : i32
      %scan3A_15 = arith.constant 30 : i32
      %scan3A_16 = arith.addi %scan3A_14, %scan3A_15 : i32
      %scan3A_17 = arith.constant 1 : i32
      scf.for %scan3A_20 = %scan3A_14 to %scan3A_16 step %scan3A_17  : i32 {
        %mul3A_21 = arith.constant 2 : i32
        %mul3A_22 = arith.muli %scan3A_20, %mul3A_21 : i32
        %add3A = arith.constant 0 : i32
        %add3A_23 = arith.addi %mul3A_22, %add3A : i32
        %dma_wait3A = arith.constant 0 : i32
        %dma_wait3A_24 = tpu.memref_slice %arg8[%add3A_23, %dma_wait3A] : memref<60x128xi32, #tpu.memory_space<vmem>> -> memref<1x128xi32, #tpu.memory_space<vmem>>
        %dma_wait3A_25 = tpu.memref_squeeze %dma_wait3A_24 : memref<1x128xi32, #tpu.memory_space<vmem>> -> memref<128xi32, #tpu.memory_space<vmem>>
        %dma_wait3A_26 = arith.constant 0 : i32
        %dma_wait3A_27 = arith.constant 0 : i32
        %dma_wait3A_28 = tpu.memref_slice %arg2[%dma_wait3A_26, %dma_wait3A_27] : memref<7680x128xf32, #tpu.memory_space<hbm>> -> memref<7680x128xf32, #tpu.memory_space<hbm>>
        tpu.wait_indirect_dma semaphore(%arg13 : memref<!tpu.dma_semaphore, #tpu.memory_space<semaphore_mem>>) src(%dma_wait3A_28 : memref<7680x128xf32, #tpu.memory_space<hbm>>) dst(%arg10 : memref<128x128xf32, #tpu.memory_space<vmem>>)
        %add3A_29 = arith.constant 1 : i32
        %add3A_30 = arith.addi %add3A_23, %add3A_29 : i32
        %lt3A = arith.constant 60 : i32
        %lt3A_31 = arith.cmpi slt, %add3A_30, %lt3A : i32
        %convert_element_type3A_32 = arith.extui %lt3A_31 : i1 to i32
        %cond3A_33 = arith.constant 0 : i32
        %cond3A_34 = arith.cmpi ne, %convert_element_type3A_32, %cond3A_33 : i32
        scf.if %cond3A_34 {
          %add3A_52 = arith.constant 1 : i32
          %add3A_53 = arith.addi %add3A_23, %add3A_52 : i32
          %dma_start3A_54 = arith.constant 0 : i32
          %dma_start3A_55 = tpu.memref_slice %arg8[%add3A_53, %dma_start3A_54] : memref<60x128xi32, #tpu.memory_space<vmem>> -> memref<1x128xi32, #tpu.memory_space<vmem>>
          %dma_start3A_56 = tpu.memref_squeeze %dma_start3A_55 : memref<1x128xi32, #tpu.memory_space<vmem>> -> memref<128xi32, #tpu.memory_space<vmem>>
          %dma_start3A_57 = arith.constant 0 : i32
          %dma_start3A_58 = arith.constant 0 : i32
          %dma_start3A_59 = tpu.memref_slice %arg2[%dma_start3A_57, %dma_start3A_58] : memref<7680x128xf32, #tpu.memory_space<hbm>> -> memref<7680x128xf32, #tpu.memory_space<hbm>>
          tpu.enqueue_indirect_dma source(%dma_start3A_59 : memref<7680x128xf32, #tpu.memory_space<hbm>>) target(%arg11 : memref<128x128xf32, #tpu.memory_space<vmem>>) offsets(%dma_start3A_56 : memref<128xi32, #tpu.memory_space<vmem>>) semaphore(%arg14 : memref<!tpu.dma_semaphore, #tpu.memory_space<semaphore_mem>>)
        } else {
        }
        "tpu.region"() ({
          %run_scoped3A = tpu.sem_alloc : memref<!tpu.dma_semaphore, #tpu.memory_space<semaphore_mem>>
          %dma_start3A_52 = arith.constant 0 : i32
          %dma_start3A_53 = tpu.memref_slice %arg9[%add3A_23, %dma_start3A_52] : memref<60x128xi32, #tpu.memory_space<vmem>> -> memref<1x128xi32, #tpu.memory_space<vmem>>
          %dma_start3A_54 = tpu.memref_squeeze %dma_start3A_53 : memref<1x128xi32, #tpu.memory_space<vmem>> -> memref<128xi32, #tpu.memory_space<vmem>>
          %dma_start3A_55 = arith.constant 0 : i32
          %dma_start3A_56 = arith.constant 0 : i32
          %dma_start3A_57 = tpu.memref_slice %arg12[%dma_start3A_55, %dma_start3A_56] : memref<7680x128xf32, #tpu.memory_space<vmem_shared>> -> memref<7680x128xf32, #tpu.memory_space<vmem_shared>>
          tpu.enqueue_indirect_dma source(%arg10 : memref<128x128xf32, #tpu.memory_space<vmem>>) target(%dma_start3A_57 : memref<7680x128xf32, #tpu.memory_space<vmem_shared>>) offsets(%dma_start3A_54 : memref<128xi32, #tpu.memory_space<vmem>>) semaphore(%run_scoped3A : memref<!tpu.dma_semaphore, #tpu.memory_space<semaphore_mem>>) {add = true}
          %dma_wait3A_58 = arith.constant 0 : i32
          %dma_wait3A_59 = tpu.memref_slice %arg9[%add3A_23, %dma_wait3A_58] : memref<60x128xi32, #tpu.memory_space<vmem>> -> memref<1x128xi32, #tpu.memory_space<vmem>>
          %dma_wait3A_60 = tpu.memref_squeeze %dma_wait3A_59 : memref<1x128xi32, #tpu.memory_space<vmem>> -> memref<128xi32, #tpu.memory_space<vmem>>
          %dma_wait3A_61 = arith.constant 0 : i32
          %dma_wait3A_62 = arith.constant 0 : i32
          %dma_wait3A_63 = tpu.memref_slice %arg12[%dma_wait3A_61, %dma_wait3A_62] : memref<7680x128xf32, #tpu.memory_space<vmem_shared>> -> memref<7680x128xf32, #tpu.memory_space<vmem_shared>>
          tpu.wait_indirect_dma semaphore(%run_scoped3A : memref<!tpu.dma_semaphore, #tpu.memory_space<semaphore_mem>>) src(%arg10 : memref<128x128xf32, #tpu.memory_space<vmem>>) dst(%dma_wait3A_63 : memref<7680x128xf32, #tpu.memory_space<vmem_shared>>)
          tpu.yield
        }) : () -> ()
        %mul3A_35 = arith.constant 2 : i32
        %mul3A_36 = arith.muli %scan3A_20, %mul3A_35 : i32
        %add3A_37 = arith.constant 1 : i32
        %add3A_38 = arith.addi %mul3A_36, %add3A_37 : i32
        %dma_wait3A_39 = arith.constant 0 : i32
        %dma_wait3A_40 = tpu.memref_slice %arg8[%add3A_38, %dma_wait3A_39] : memref<60x128xi32, #tpu.memory_space<vmem>> -> memref<1x128xi32, #tpu.memory_space<vmem>>
        %dma_wait3A_41 = tpu.memref_squeeze %dma_wait3A_40 : memref<1x128xi32, #tpu.memory_space<vmem>> -> memref<128xi32, #tpu.memory_space<vmem>>
        %dma_wait3A_42 = arith.constant 0 : i32
        %dma_wait3A_43 = arith.constant 0 : i32
        %dma_wait3A_44 = tpu.memref_slice %arg2[%dma_wait3A_42, %dma_wait3A_43] : memref<7680x128xf32, #tpu.memory_space<hbm>> -> memref<7680x128xf32, #tpu.memory_space<hbm>>
        tpu.wait_indirect_dma semaphore(%arg14 : memref<!tpu.dma_semaphore, #tpu.memory_space<semaphore_mem>>) src(%dma_wait3A_44 : memref<7680x128xf32, #tpu.memory_space<hbm>>) dst(%arg11 : memref<128x128xf32, #tpu.memory_space<vmem>>)
        %add3A_45 = arith.constant 1 : i32
        %add3A_46 = arith.addi %add3A_38, %add3A_45 : i32
        %lt3A_47 = arith.constant 60 : i32
        %lt3A_48 = arith.cmpi slt, %add3A_46, %lt3A_47 : i32
        %convert_element_type3A_49 = arith.extui %lt3A_48 : i1 to i32
        %cond3A_50 = arith.constant 0 : i32
        %cond3A_51 = arith.cmpi ne, %convert_element_type3A_49, %cond3A_50 : i32
        scf.if %cond3A_51 {
          %add3A_52 = arith.constant 1 : i32
          %add3A_53 = arith.addi %add3A_38, %add3A_52 : i32
          %dma_start3A_54 = arith.constant 0 : i32
          %dma_start3A_55 = tpu.memref_slice %arg8[%add3A_53, %dma_start3A_54] : memref<60x128xi32, #tpu.memory_space<vmem>> -> memref<1x128xi32, #tpu.memory_space<vmem>>
          %dma_start3A_56 = tpu.memref_squeeze %dma_start3A_55 : memref<1x128xi32, #tpu.memory_space<vmem>> -> memref<128xi32, #tpu.memory_space<vmem>>
          %dma_start3A_57 = arith.constant 0 : i32
          %dma_start3A_58 = arith.constant 0 : i32
          %dma_start3A_59 = tpu.memref_slice %arg2[%dma_start3A_57, %dma_start3A_58] : memref<7680x128xf32, #tpu.memory_space<hbm>> -> memref<7680x128xf32, #tpu.memory_space<hbm>>
          tpu.enqueue_indirect_dma source(%dma_start3A_59 : memref<7680x128xf32, #tpu.memory_space<hbm>>) target(%arg10 : memref<128x128xf32, #tpu.memory_space<vmem>>) offsets(%dma_start3A_56 : memref<128xi32, #tpu.memory_space<vmem>>) semaphore(%arg13 : memref<!tpu.dma_semaphore, #tpu.memory_space<semaphore_mem>>)
        } else {
        }
        "tpu.region"() ({
          %run_scoped3A = tpu.sem_alloc : memref<!tpu.dma_semaphore, #tpu.memory_space<semaphore_mem>>
          %dma_start3A_52 = arith.constant 0 : i32
          %dma_start3A_53 = tpu.memref_slice %arg9[%add3A_38, %dma_start3A_52] : memref<60x128xi32, #tpu.memory_space<vmem>> -> memref<1x128xi32, #tpu.memory_space<vmem>>
          %dma_start3A_54 = tpu.memref_squeeze %dma_start3A_53 : memref<1x128xi32, #tpu.memory_space<vmem>> -> memref<128xi32, #tpu.memory_space<vmem>>
          %dma_start3A_55 = arith.constant 0 : i32
          %dma_start3A_56 = arith.constant 0 : i32
          %dma_start3A_57 = tpu.memref_slice %arg12[%dma_start3A_55, %dma_start3A_56] : memref<7680x128xf32, #tpu.memory_space<vmem_shared>> -> memref<7680x128xf32, #tpu.memory_space<vmem_shared>>
          tpu.enqueue_indirect_dma source(%arg11 : memref<128x128xf32, #tpu.memory_space<vmem>>) target(%dma_start3A_57 : memref<7680x128xf32, #tpu.memory_space<vmem_shared>>) offsets(%dma_start3A_54 : memref<128xi32, #tpu.memory_space<vmem>>) semaphore(%run_scoped3A : memref<!tpu.dma_semaphore, #tpu.memory_space<semaphore_mem>>) {add = true}
          %dma_wait3A_58 = arith.constant 0 : i32
          %dma_wait3A_59 = tpu.memref_slice %arg9[%add3A_38, %dma_wait3A_58] : memref<60x128xi32, #tpu.memory_space<vmem>> -> memref<1x128xi32, #tpu.memory_space<vmem>>
          %dma_wait3A_60 = tpu.memref_squeeze %dma_wait3A_59 : memref<1x128xi32, #tpu.memory_space<vmem>> -> memref<128xi32, #tpu.memory_space<vmem>>
          %dma_wait3A_61 = arith.constant 0 : i32
          %dma_wait3A_62 = arith.constant 0 : i32
          %dma_wait3A_63 = tpu.memref_slice %arg12[%dma_wait3A_61, %dma_wait3A_62] : memref<7680x128xf32, #tpu.memory_space<vmem_shared>> -> memref<7680x128xf32, #tpu.memory_space<vmem_shared>>
          tpu.wait_indirect_dma semaphore(%run_scoped3A : memref<!tpu.dma_semaphore, #tpu.memory_space<semaphore_mem>>) src(%arg11 : memref<128x128xf32, #tpu.memory_space<vmem>>) dst(%dma_wait3A_63 : memref<7680x128xf32, #tpu.memory_space<vmem_shared>>)
          tpu.yield
        }) : () -> ()
      }
      %scan3A_18 = arith.constant 30 : i32
      %barrier3A_19 = arith.constant 0 : index
      tpu.barrier barrier_id(%barrier3A_19)
      "tpu.region"() ({
        %run_scoped3A = tpu.sem_alloc : memref<!tpu.dma_semaphore, #tpu.memory_space<semaphore_mem>>
        %dma_start3A_20 = arith.constant 0 : i32
        %dma_start3A_21 = tpu.memref_slice %arg6[%mul3A_0, %dma_start3A_20] : memref<7680x128xf32, #tpu.memory_space<hbm>> -> memref<480x128xf32, #tpu.memory_space<hbm>>
        %dma_start3A_22 = arith.constant 0 : i32
        %dma_start3A_23 = tpu.memref_slice %arg12[%mul3A_0, %dma_start3A_22] : memref<7680x128xf32, #tpu.memory_space<vmem_shared>> -> memref<480x128xf32, #tpu.memory_space<vmem_shared>>
        tpu.enqueue_dma source(%dma_start3A_23 : memref<480x128xf32, #tpu.memory_space<vmem_shared>>) target(%dma_start3A_21 : memref<480x128xf32, #tpu.memory_space<hbm>>) target_semaphore(%run_scoped3A : memref<!tpu.dma_semaphore, #tpu.memory_space<semaphore_mem>>)
        %dma_wait3A = arith.constant 0 : i32
        %dma_wait3A_24 = tpu.memref_slice %arg6[%mul3A_0, %dma_wait3A] : memref<7680x128xf32, #tpu.memory_space<hbm>> -> memref<480x128xf32, #tpu.memory_space<hbm>>
        %dma_wait3A_25 = arith.constant 0 : i32
        %dma_wait3A_26 = tpu.memref_slice %arg12[%mul3A_0, %dma_wait3A_25] : memref<7680x128xf32, #tpu.memory_space<vmem_shared>> -> memref<480x128xf32, #tpu.memory_space<vmem_shared>>
        tpu.wait_dma2 semaphore(%run_scoped3A : memref<!tpu.dma_semaphore, #tpu.memory_space<semaphore_mem>>) src(%dma_wait3A_26 : memref<480x128xf32, #tpu.memory_space<vmem_shared>>) dst(%dma_wait3A_24 : memref<480x128xf32, #tpu.memory_space<hbm>>)
        tpu.yield
      }) : () -> ()
    } else {
    }
    %eq3A_3 = arith.constant 1 : i32
    %eq3A_4 = arith.cmpi eq, %arg0, %eq3A_3 : i32
    %convert_element_type3A_5 = arith.extui %eq3A_4 : i1 to i32
    %cond3A_6 = arith.constant 0 : i32
    %cond3A_7 = arith.cmpi ne, %convert_element_type3A_5, %cond3A_6 : i32
    scf.if %cond3A_7 {
      "tpu.region"() ({
        %run_scoped3A = tpu.sem_alloc : memref<!tpu.dma_semaphore, #tpu.memory_space<semaphore_mem>>
        %dma_start3A_20 = arith.constant 0 : i32
        %dma_start3A_21 = arith.constant 0 : i32
        %dma_start3A_22 = tpu.memref_slice %arg4[%arg1, %dma_start3A_20, %dma_start3A_21] : memref<16x60x128xi32, #tpu.memory_space<hbm>> -> memref<1x60x128xi32, #tpu.memory_space<hbm>>
        %dma_start3A_23 = tpu.memref_squeeze %dma_start3A_22 : memref<1x60x128xi32, #tpu.memory_space<hbm>> -> memref<60x128xi32, #tpu.memory_space<hbm>>
        %dma_start3A_24 = arith.constant 0 : i32
        %dma_start3A_25 = arith.constant 0 : i32
        %dma_start3A_26 = tpu.memref_slice %arg4[%arg1, %dma_start3A_24, %dma_start3A_25] : memref<16x60x128xi32, #tpu.memory_space<hbm>> -> memref<1x60x128xi32, #tpu.memory_space<hbm>>
        %dma_start3A_27 = tpu.memref_squeeze %dma_start3A_26 : memref<1x60x128xi32, #tpu.memory_space<hbm>> -> memref<60x128xi32, #tpu.memory_space<hbm>>
        tpu.enqueue_dma source(%dma_start3A_27 : memref<60x128xi32, #tpu.memory_space<hbm>>) target(%arg8 : memref<60x128xi32, #tpu.memory_space<vmem>>) target_semaphore(%run_scoped3A : memref<!tpu.dma_semaphore, #tpu.memory_space<semaphore_mem>>)
        %dma_wait3A = arith.constant 0 : i32
        %dma_wait3A_28 = arith.constant 0 : i32
        %dma_wait3A_29 = tpu.memref_slice %arg4[%arg1, %dma_wait3A, %dma_wait3A_28] : memref<16x60x128xi32, #tpu.memory_space<hbm>> -> memref<1x60x128xi32, #tpu.memory_space<hbm>>
        %dma_wait3A_30 = tpu.memref_squeeze %dma_wait3A_29 : memref<1x60x128xi32, #tpu.memory_space<hbm>> -> memref<60x128xi32, #tpu.memory_space<hbm>>
        %dma_wait3A_31 = arith.constant 0 : i32
        %dma_wait3A_32 = arith.constant 0 : i32
        %dma_wait3A_33 = tpu.memref_slice %arg4[%arg1, %dma_wait3A_31, %dma_wait3A_32] : memref<16x60x128xi32, #tpu.memory_space<hbm>> -> memref<1x60x128xi32, #tpu.memory_space<hbm>>
        %dma_wait3A_34 = tpu.memref_squeeze %dma_wait3A_33 : memref<1x60x128xi32, #tpu.memory_space<hbm>> -> memref<60x128xi32, #tpu.memory_space<hbm>>
        tpu.wait_dma2 semaphore(%run_scoped3A : memref<!tpu.dma_semaphore, #tpu.memory_space<semaphore_mem>>) src(%dma_wait3A_34 : memref<60x128xi32, #tpu.memory_space<hbm>>) dst(%arg8 : memref<60x128xi32, #tpu.memory_space<vmem>>)
        tpu.yield
      }) : () -> ()
      "tpu.region"() ({
        %run_scoped3A = tpu.sem_alloc : memref<!tpu.dma_semaphore, #tpu.memory_space<semaphore_mem>>
        %dma_start3A_20 = arith.constant 0 : i32
        %dma_start3A_21 = arith.constant 0 : i32
        %dma_start3A_22 = tpu.memref_slice %arg3[%arg1, %dma_start3A_20, %dma_start3A_21] : memref<16x60x128xi32, #tpu.memory_space<hbm>> -> memref<1x60x128xi32, #tpu.memory_space<hbm>>
        %dma_start3A_23 = tpu.memref_squeeze %dma_start3A_22 : memref<1x60x128xi32, #tpu.memory_space<hbm>> -> memref<60x128xi32, #tpu.memory_space<hbm>>
        %dma_start3A_24 = arith.constant 0 : i32
        %dma_start3A_25 = arith.constant 0 : i32
        %dma_start3A_26 = tpu.memref_slice %arg3[%arg1, %dma_start3A_24, %dma_start3A_25] : memref<16x60x128xi32, #tpu.memory_space<hbm>> -> memref<1x60x128xi32, #tpu.memory_space<hbm>>
        %dma_start3A_27 = tpu.memref_squeeze %dma_start3A_26 : memref<1x60x128xi32, #tpu.memory_space<hbm>> -> memref<60x128xi32, #tpu.memory_space<hbm>>
        tpu.enqueue_dma source(%dma_start3A_27 : memref<60x128xi32, #tpu.memory_space<hbm>>) target(%arg9 : memref<60x128xi32, #tpu.memory_space<vmem>>) target_semaphore(%run_scoped3A : memref<!tpu.dma_semaphore, #tpu.memory_space<semaphore_mem>>)
        %dma_wait3A = arith.constant 0 : i32
        %dma_wait3A_28 = arith.constant 0 : i32
        %dma_wait3A_29 = tpu.memref_slice %arg3[%arg1, %dma_wait3A, %dma_wait3A_28] : memref<16x60x128xi32, #tpu.memory_space<hbm>> -> memref<1x60x128xi32, #tpu.memory_space<hbm>>
        %dma_wait3A_30 = tpu.memref_squeeze %dma_wait3A_29 : memref<1x60x128xi32, #tpu.memory_space<hbm>> -> memref<60x128xi32, #tpu.memory_space<hbm>>
        %dma_wait3A_31 = arith.constant 0 : i32
        %dma_wait3A_32 = arith.constant 0 : i32
        %dma_wait3A_33 = tpu.memref_slice %arg3[%arg1, %dma_wait3A_31, %dma_wait3A_32] : memref<16x60x128xi32, #tpu.memory_space<hbm>> -> memref<1x60x128xi32, #tpu.memory_space<hbm>>
        %dma_wait3A_34 = tpu.memref_squeeze %dma_wait3A_33 : memref<1x60x128xi32, #tpu.memory_space<hbm>> -> memref<60x128xi32, #tpu.memory_space<hbm>>
        tpu.wait_dma2 semaphore(%run_scoped3A : memref<!tpu.dma_semaphore, #tpu.memory_space<semaphore_mem>>) src(%dma_wait3A_34 : memref<60x128xi32, #tpu.memory_space<hbm>>) dst(%arg9 : memref<60x128xi32, #tpu.memory_space<vmem>>)
        tpu.yield
      }) : () -> ()
      %dma_start3A = arith.constant 0 : i32
      %dma_start3A_8 = arith.constant 0 : i32
      %dma_start3A_9 = tpu.memref_slice %arg8[%dma_start3A, %dma_start3A_8] : memref<60x128xi32, #tpu.memory_space<vmem>> -> memref<1x128xi32, #tpu.memory_space<vmem>>
      %dma_start3A_10 = tpu.memref_squeeze %dma_start3A_9 : memref<1x128xi32, #tpu.memory_space<vmem>> -> memref<128xi32, #tpu.memory_space<vmem>>
      %dma_start3A_11 = arith.constant 0 : i32
      %dma_start3A_12 = arith.constant 0 : i32
      %dma_start3A_13 = tpu.memref_slice %arg2[%dma_start3A_11, %dma_start3A_12] : memref<7680x128xf32, #tpu.memory_space<hbm>> -> memref<7680x128xf32, #tpu.memory_space<hbm>>
      tpu.enqueue_indirect_dma source(%dma_start3A_13 : memref<7680x128xf32, #tpu.memory_space<hbm>>) target(%arg10 : memref<128x128xf32, #tpu.memory_space<vmem>>) offsets(%dma_start3A_10 : memref<128xi32, #tpu.memory_space<vmem>>) semaphore(%arg13 : memref<!tpu.dma_semaphore, #tpu.memory_space<semaphore_mem>>)
      %scan3A = arith.constant 0 : i32
      %scan3A_14 = arith.constant 0 : i32
      %scan3A_15 = arith.constant 30 : i32
      %scan3A_16 = arith.addi %scan3A_14, %scan3A_15 : i32
      %scan3A_17 = arith.constant 1 : i32
      scf.for %scan3A_20 = %scan3A_14 to %scan3A_16 step %scan3A_17  : i32 {
        %mul3A_21 = arith.constant 2 : i32
        %mul3A_22 = arith.muli %scan3A_20, %mul3A_21 : i32
        %add3A = arith.constant 0 : i32
        %add3A_23 = arith.addi %mul3A_22, %add3A : i32
        %dma_wait3A = arith.constant 0 : i32
        %dma_wait3A_24 = tpu.memref_slice %arg8[%add3A_23, %dma_wait3A] : memref<60x128xi32, #tpu.memory_space<vmem>> -> memref<1x128xi32, #tpu.memory_space<vmem>>
        %dma_wait3A_25 = tpu.memref_squeeze %dma_wait3A_24 : memref<1x128xi32, #tpu.memory_space<vmem>> -> memref<128xi32, #tpu.memory_space<vmem>>
        %dma_wait3A_26 = arith.constant 0 : i32
        %dma_wait3A_27 = arith.constant 0 : i32
        %dma_wait3A_28 = tpu.memref_slice %arg2[%dma_wait3A_26, %dma_wait3A_27] : memref<7680x128xf32, #tpu.memory_space<hbm>> -> memref<7680x128xf32, #tpu.memory_space<hbm>>
        tpu.wait_indirect_dma semaphore(%arg13 : memref<!tpu.dma_semaphore, #tpu.memory_space<semaphore_mem>>) src(%dma_wait3A_28 : memref<7680x128xf32, #tpu.memory_space<hbm>>) dst(%arg10 : memref<128x128xf32, #tpu.memory_space<vmem>>)
        %add3A_29 = arith.constant 1 : i32
        %add3A_30 = arith.addi %add3A_23, %add3A_29 : i32
        %lt3A = arith.constant 60 : i32
        %lt3A_31 = arith.cmpi slt, %add3A_30, %lt3A : i32
        %convert_element_type3A_32 = arith.extui %lt3A_31 : i1 to i32
        %cond3A_33 = arith.constant 0 : i32
        %cond3A_34 = arith.cmpi ne, %convert_element_type3A_32, %cond3A_33 : i32
        scf.if %cond3A_34 {
          %add3A_52 = arith.constant 1 : i32
          %add3A_53 = arith.addi %add3A_23, %add3A_52 : i32
          %dma_start3A_54 = arith.constant 0 : i32
          %dma_start3A_55 = tpu.memref_slice %arg8[%add3A_53, %dma_start3A_54] : memref<60x128xi32, #tpu.memory_space<vmem>> -> memref<1x128xi32, #tpu.memory_space<vmem>>
          %dma_start3A_56 = tpu.memref_squeeze %dma_start3A_55 : memref<1x128xi32, #tpu.memory_space<vmem>> -> memref<128xi32, #tpu.memory_space<vmem>>
          %dma_start3A_57 = arith.constant 0 : i32
          %dma_start3A_58 = arith.constant 0 : i32
          %dma_start3A_59 = tpu.memref_slice %arg2[%dma_start3A_57, %dma_start3A_58] : memref<7680x128xf32, #tpu.memory_space<hbm>> -> memref<7680x128xf32, #tpu.memory_space<hbm>>
          tpu.enqueue_indirect_dma source(%dma_start3A_59 : memref<7680x128xf32, #tpu.memory_space<hbm>>) target(%arg11 : memref<128x128xf32, #tpu.memory_space<vmem>>) offsets(%dma_start3A_56 : memref<128xi32, #tpu.memory_space<vmem>>) semaphore(%arg14 : memref<!tpu.dma_semaphore, #tpu.memory_space<semaphore_mem>>)
        } else {
        }
        "tpu.region"() ({
          %run_scoped3A = tpu.sem_alloc : memref<!tpu.dma_semaphore, #tpu.memory_space<semaphore_mem>>
          %dma_start3A_52 = arith.constant 0 : i32
          %dma_start3A_53 = tpu.memref_slice %arg9[%add3A_23, %dma_start3A_52] : memref<60x128xi32, #tpu.memory_space<vmem>> -> memref<1x128xi32, #tpu.memory_space<vmem>>
          %dma_start3A_54 = tpu.memref_squeeze %dma_start3A_53 : memref<1x128xi32, #tpu.memory_space<vmem>> -> memref<128xi32, #tpu.memory_space<vmem>>
          %dma_start3A_55 = arith.constant 0 : i32
          %dma_start3A_56 = arith.constant 0 : i32
          %dma_start3A_57 = tpu.memref_slice %arg12[%dma_start3A_55, %dma_start3A_56] : memref<7680x128xf32, #tpu.memory_space<vmem_shared>> -> memref<7680x128xf32, #tpu.memory_space<vmem_shared>>
          tpu.enqueue_indirect_dma source(%arg10 : memref<128x128xf32, #tpu.memory_space<vmem>>) target(%dma_start3A_57 : memref<7680x128xf32, #tpu.memory_space<vmem_shared>>) offsets(%dma_start3A_54 : memref<128xi32, #tpu.memory_space<vmem>>) semaphore(%run_scoped3A : memref<!tpu.dma_semaphore, #tpu.memory_space<semaphore_mem>>) {add = true}
          %dma_wait3A_58 = arith.constant 0 : i32
          %dma_wait3A_59 = tpu.memref_slice %arg9[%add3A_23, %dma_wait3A_58] : memref<60x128xi32, #tpu.memory_space<vmem>> -> memref<1x128xi32, #tpu.memory_space<vmem>>
          %dma_wait3A_60 = tpu.memref_squeeze %dma_wait3A_59 : memref<1x128xi32, #tpu.memory_space<vmem>> -> memref<128xi32, #tpu.memory_space<vmem>>
          %dma_wait3A_61 = arith.constant 0 : i32
          %dma_wait3A_62 = arith.constant 0 : i32
          %dma_wait3A_63 = tpu.memref_slice %arg12[%dma_wait3A_61, %dma_wait3A_62] : memref<7680x128xf32, #tpu.memory_space<vmem_shared>> -> memref<7680x128xf32, #tpu.memory_space<vmem_shared>>
          tpu.wait_indirect_dma semaphore(%run_scoped3A : memref<!tpu.dma_semaphore, #tpu.memory_space<semaphore_mem>>) src(%arg10 : memref<128x128xf32, #tpu.memory_space<vmem>>) dst(%dma_wait3A_63 : memref<7680x128xf32, #tpu.memory_space<vmem_shared>>)
          tpu.yield
        }) : () -> ()
        %mul3A_35 = arith.constant 2 : i32
        %mul3A_36 = arith.muli %scan3A_20, %mul3A_35 : i32
        %add3A_37 = arith.constant 1 : i32
        %add3A_38 = arith.addi %mul3A_36, %add3A_37 : i32
        %dma_wait3A_39 = arith.constant 0 : i32
        %dma_wait3A_40 = tpu.memref_slice %arg8[%add3A_38, %dma_wait3A_39] : memref<60x128xi32, #tpu.memory_space<vmem>> -> memref<1x128xi32, #tpu.memory_space<vmem>>
        %dma_wait3A_41 = tpu.memref_squeeze %dma_wait3A_40 : memref<1x128xi32, #tpu.memory_space<vmem>> -> memref<128xi32, #tpu.memory_space<vmem>>
        %dma_wait3A_42 = arith.constant 0 : i32
        %dma_wait3A_43 = arith.constant 0 : i32
        %dma_wait3A_44 = tpu.memref_slice %arg2[%dma_wait3A_42, %dma_wait3A_43] : memref<7680x128xf32, #tpu.memory_space<hbm>> -> memref<7680x128xf32, #tpu.memory_space<hbm>>
        tpu.wait_indirect_dma semaphore(%arg14 : memref<!tpu.dma_semaphore, #tpu.memory_space<semaphore_mem>>) src(%dma_wait3A_44 : memref<7680x128xf32, #tpu.memory_space<hbm>>) dst(%arg11 : memref<128x128xf32, #tpu.memory_space<vmem>>)
        %add3A_45 = arith.constant 1 : i32
        %add3A_46 = arith.addi %add3A_38, %add3A_45 : i32
        %lt3A_47 = arith.constant 60 : i32
        %lt3A_48 = arith.cmpi slt, %add3A_46, %lt3A_47 : i32
        %convert_element_type3A_49 = arith.extui %lt3A_48 : i1 to i32
        %cond3A_50 = arith.constant 0 : i32
        %cond3A_51 = arith.cmpi ne, %convert_element_type3A_49, %cond3A_50 : i32
        scf.if %cond3A_51 {
          %add3A_52 = arith.constant 1 : i32
          %add3A_53 = arith.addi %add3A_38, %add3A_52 : i32
          %dma_start3A_54 = arith.constant 0 : i32
          %dma_start3A_55 = tpu.memref_slice %arg8[%add3A_53, %dma_start3A_54] : memref<60x128xi32, #tpu.memory_space<vmem>> -> memref<1x128xi32, #tpu.memory_space<vmem>>
          %dma_start3A_56 = tpu.memref_squeeze %dma_start3A_55 : memref<1x128xi32, #tpu.memory_space<vmem>> -> memref<128xi32, #tpu.memory_space<vmem>>
          %dma_start3A_57 = arith.constant 0 : i32
          %dma_start3A_58 = arith.constant 0 : i32
          %dma_start3A_59 = tpu.memref_slice %arg2[%dma_start3A_57, %dma_start3A_58] : memref<7680x128xf32, #tpu.memory_space<hbm>> -> memref<7680x128xf32, #tpu.memory_space<hbm>>
          tpu.enqueue_indirect_dma source(%dma_start3A_59 : memref<7680x128xf32, #tpu.memory_space<hbm>>) target(%arg10 : memref<128x128xf32, #tpu.memory_space<vmem>>) offsets(%dma_start3A_56 : memref<128xi32, #tpu.memory_space<vmem>>) semaphore(%arg13 : memref<!tpu.dma_semaphore, #tpu.memory_space<semaphore_mem>>)
        } else {
        }
        "tpu.region"() ({
          %run_scoped3A = tpu.sem_alloc : memref<!tpu.dma_semaphore, #tpu.memory_space<semaphore_mem>>
          %dma_start3A_52 = arith.constant 0 : i32
          %dma_start3A_53 = tpu.memref_slice %arg9[%add3A_38, %dma_start3A_52] : memref<60x128xi32, #tpu.memory_space<vmem>> -> memref<1x128xi32, #tpu.memory_space<vmem>>
          %dma_start3A_54 = tpu.memref_squeeze %dma_start3A_53 : memref<1x128xi32, #tpu.memory_space<vmem>> -> memref<128xi32, #tpu.memory_space<vmem>>
          %dma_start3A_55 = arith.constant 0 : i32
          %dma_start3A_56 = arith.constant 0 : i32
          %dma_start3A_57 = tpu.memref_slice %arg12[%dma_start3A_55, %dma_start3A_56] : memref<7680x128xf32, #tpu.memory_space<vmem_shared>> -> memref<7680x128xf32, #tpu.memory_space<vmem_shared>>
          tpu.enqueue_indirect_dma source(%arg11 : memref<128x128xf32, #tpu.memory_space<vmem>>) target(%dma_start3A_57 : memref<7680x128xf32, #tpu.memory_space<vmem_shared>>) offsets(%dma_start3A_54 : memref<128xi32, #tpu.memory_space<vmem>>) semaphore(%run_scoped3A : memref<!tpu.dma_semaphore, #tpu.memory_space<semaphore_mem>>) {add = true}
          %dma_wait3A_58 = arith.constant 0 : i32
          %dma_wait3A_59 = tpu.memref_slice %arg9[%add3A_38, %dma_wait3A_58] : memref<60x128xi32, #tpu.memory_space<vmem>> -> memref<1x128xi32, #tpu.memory_space<vmem>>
          %dma_wait3A_60 = tpu.memref_squeeze %dma_wait3A_59 : memref<1x128xi32, #tpu.memory_space<vmem>> -> memref<128xi32, #tpu.memory_space<vmem>>
          %dma_wait3A_61 = arith.constant 0 : i32
          %dma_wait3A_62 = arith.constant 0 : i32
          %dma_wait3A_63 = tpu.memref_slice %arg12[%dma_wait3A_61, %dma_wait3A_62] : memref<7680x128xf32, #tpu.memory_space<vmem_shared>> -> memref<7680x128xf32, #tpu.memory_space<vmem_shared>>
          tpu.wait_indirect_dma semaphore(%run_scoped3A : memref<!tpu.dma_semaphore, #tpu.memory_space<semaphore_mem>>) src(%arg11 : memref<128x128xf32, #tpu.memory_space<vmem>>) dst(%dma_wait3A_63 : memref<7680x128xf32, #tpu.memory_space<vmem_shared>>)
          tpu.yield
        }) : () -> ()
      }
      %scan3A_18 = arith.constant 30 : i32
      %barrier3A_19 = arith.constant 0 : index
      tpu.barrier barrier_id(%barrier3A_19)
      "tpu.region"() ({
        %run_scoped3A = tpu.sem_alloc : memref<!tpu.dma_semaphore, #tpu.memory_space<semaphore_mem>>
        %dma_start3A_20 = arith.constant 0 : i32
        %dma_start3A_21 = tpu.memref_slice %arg7[%mul3A_0, %dma_start3A_20] : memref<7680x128xf32, #tpu.memory_space<hbm>> -> memref<480x128xf32, #tpu.memory_space<hbm>>
        %dma_start3A_22 = arith.constant 0 : i32
        %dma_start3A_23 = tpu.memref_slice %arg12[%mul3A_0, %dma_start3A_22] : memref<7680x128xf32, #tpu.memory_space<vmem_shared>> -> memref<480x128xf32, #tpu.memory_space<vmem_shared>>
        tpu.enqueue_dma source(%dma_start3A_23 : memref<480x128xf32, #tpu.memory_space<vmem_shared>>) target(%dma_start3A_21 : memref<480x128xf32, #tpu.memory_space<hbm>>) target_semaphore(%run_scoped3A : memref<!tpu.dma_semaphore, #tpu.memory_space<semaphore_mem>>)
        %dma_wait3A = arith.constant 0 : i32
        %dma_wait3A_24 = tpu.memref_slice %arg7[%mul3A_0, %dma_wait3A] : memref<7680x128xf32, #tpu.memory_space<hbm>> -> memref<480x128xf32, #tpu.memory_space<hbm>>
        %dma_wait3A_25 = arith.constant 0 : i32
        %dma_wait3A_26 = tpu.memref_slice %arg12[%mul3A_0, %dma_wait3A_25] : memref<7680x128xf32, #tpu.memory_space<vmem_shared>> -> memref<480x128xf32, #tpu.memory_space<vmem_shared>>
        tpu.wait_dma2 semaphore(%run_scoped3A : memref<!tpu.dma_semaphore, #tpu.memory_space<semaphore_mem>>) src(%dma_wait3A_26 : memref<480x128xf32, #tpu.memory_space<vmem_shared>>) dst(%dma_wait3A_24 : memref<480x128xf32, #tpu.memory_space<hbm>>)
        tpu.yield
      }) : () -> ()
    } else {
    }
    return
  }
}

#map = affine_map<(d0, d1) -> (0, 0)>
#map1 = affine_map<(d0, d1) -> (0, 0, 0)>
module attributes {stable_mosaic.version = 14 : i64} {
  func.func @_spmm(%arg0: i32, %arg1: i32, %arg2: memref<7680x128xf32, #tpu.memory_space<hbm>>, %arg3: memref<16x60x128xi32, #tpu.memory_space<hbm>>, %arg4: memref<16x60x128xi32, #tpu.memory_space<hbm>>, %arg5: memref<7680x128xf32, #tpu.memory_space<hbm>>, %arg6: memref<7680x128xf32, #tpu.memory_space<hbm>>, %arg7: memref<7680x128xf32, #tpu.memory_space<hbm>>, %arg8: memref<60x128xi32, #tpu.memory_space<vmem>>, %arg9: memref<60x128xi32, #tpu.memory_space<vmem>>, %arg10: memref<128x128xf32, #tpu.memory_space<vmem>>, %arg11: memref<128x128xf32, #tpu.memory_space<vmem>>, %arg12: memref<7680x128xf32, #tpu.memory_space<vmem_shared>>, %arg13: memref<!tpu.dma_semaphore, #tpu.memory_space<semaphore_mem>>, %arg14: memref<!tpu.dma_semaphore, #tpu.memory_space<semaphore_mem>>) attributes {dimension_semantics = [#tpu.dimension_semantics<core_parallel>, #tpu.dimension_semantics<subcore_parallel>], iteration_bounds = array<i64: 2, 16>, scalar_prefetch = 0 : i64, scratch_operands = 7 : i64, tpu.core_type = #tpu.core_type<sc_vector_subcore>, window_params = [{transform_indices = #map}, {transform_indices = #map1}, {transform_indices = #map1}, {transform_indices = #map}, {transform_indices = #map}, {transform_indices = #map}]} {
    %mul3A = arith.constant 480 : i32
    %mul3A_0 = arith.muli %arg1, %mul3A : i32
    "tpu.region"() ({
      %run_scoped3A = tpu.sem_alloc : memref<!tpu.dma_semaphore, #tpu.memory_space<semaphore_mem>>
      %dma_start3A = arith.constant 0 : i32
      %dma_start3A_8 = tpu.memref_slice %arg12[%mul3A_0, %dma_start3A] : memref<7680x128xf32, #tpu.memory_space<vmem_shared>> -> memref<480x128xf32, #tpu.memory_space<vmem_shared>>
      %dma_start3A_9 = arith.constant 0 : i32
      %dma_start3A_10 = tpu.memref_slice %arg5[%mul3A_0, %dma_start3A_9] : memref<7680x128xf32, #tpu.memory_space<hbm>> -> memref<480x128xf32, #tpu.memory_space<hbm>>
      tpu.enqueue_dma source(%dma_start3A_10 : memref<480x128xf32, #tpu.memory_space<hbm>>) target(%dma_start3A_8 : memref<480x128xf32, #tpu.memory_space<vmem_shared>>) target_semaphore(%run_scoped3A : memref<!tpu.dma_semaphore, #tpu.memory_space<semaphore_mem>>)
      %dma_wait3A = arith.constant 0 : i32
      %dma_wait3A_11 = tpu.memref_slice %arg12[%mul3A_0, %dma_wait3A] : memref<7680x128xf32, #tpu.memory_space<vmem_shared>> -> memref<480x128xf32, #tpu.memory_space<vmem_shared>>
      %dma_wait3A_12 = arith.constant 0 : i32
      %dma_wait3A_13 = tpu.memref_slice %arg5[%mul3A_0, %dma_wait3A_12] : memref<7680x128xf32, #tpu.memory_space<hbm>> -> memref<480x128xf32, #tpu.memory_space<hbm>>
      tpu.wait_dma2 semaphore(%run_scoped3A : memref<!tpu.dma_semaphore, #tpu.memory_space<semaphore_mem>>) src(%dma_wait3A_13 : memref<480x128xf32, #tpu.memory_space<hbm>>) dst(%dma_wait3A_11 : memref<480x128xf32, #tpu.memory_space<vmem_shared>>)
      tpu.yield
    }) : () -> ()
    %barrier3A = arith.constant 0 : index
    tpu.barrier barrier_id(%barrier3A)
    %eq3A = arith.constant 0 : i32
    %eq3A_1 = arith.cmpi eq, %arg0, %eq3A : i32
    %convert_element_type3A = arith.extui %eq3A_1 : i1 to i32
    %cond3A = arith.constant 0 : i32
    %cond3A_2 = arith.cmpi ne, %convert_element_type3A, %cond3A : i32
    scf.if %cond3A_2 {
      "tpu.region"() ({
        %run_scoped3A = tpu.sem_alloc : memref<!tpu.dma_semaphore, #tpu.memory_space<semaphore_mem>>
        %dma_start3A_20 = arith.constant 0 : i32
        %dma_start3A_21 = arith.constant 0 : i32
        %dma_start3A_22 = tpu.memref_slice %arg3[%arg1, %dma_start3A_20, %dma_start3A_21] : memref<16x60x128xi32, #tpu.memory_space<hbm>> -> memref<1x60x128xi32, #tpu.memory_space<hbm>>
        %dma_start3A_23 = tpu.memref_squeeze %dma_start3A_22 : memref<1x60x128xi32, #tpu.memory_space<hbm>> -> memref<60x128xi32, #tpu.memory_space<hbm>>
        %dma_start3A_24 = arith.constant 0 : i32
        %dma_start3A_25 = arith.constant 0 : i32
        %dma_start3A_26 = tpu.memref_slice %arg3[%arg1, %dma_start3A_24, %dma_start3A_25] : memref<16x60x128xi32, #tpu.memory_space<hbm>> -> memref<1x60x128xi32, #tpu.memory_space<hbm>>
        %dma_start3A_27 = tpu.memref_squeeze %dma_start3A_26 : memref<1x60x128xi32, #tpu.memory_space<hbm>> -> memref<60x128xi32, #tpu.memory_space<hbm>>
        tpu.enqueue_dma source(%dma_start3A_27 : memref<60x128xi32, #tpu.memory_space<hbm>>) target(%arg8 : memref<60x128xi32, #tpu.memory_space<vmem>>) target_semaphore(%run_scoped3A : memref<!tpu.dma_semaphore, #tpu.memory_space<semaphore_mem>>)
        %dma_wait3A = arith.constant 0 : i32
        %dma_wait3A_28 = arith.constant 0 : i32
        %dma_wait3A_29 = tpu.memref_slice %arg3[%arg1, %dma_wait3A, %dma_wait3A_28] : memref<16x60x128xi32, #tpu.memory_space<hbm>> -> memref<1x60x128xi32, #tpu.memory_space<hbm>>
        %dma_wait3A_30 = tpu.memref_squeeze %dma_wait3A_29 : memref<1x60x128xi32, #tpu.memory_space<hbm>> -> memref<60x128xi32, #tpu.memory_space<hbm>>
        %dma_wait3A_31 = arith.constant 0 : i32
        %dma_wait3A_32 = arith.constant 0 : i32
        %dma_wait3A_33 = tpu.memref_slice %arg3[%arg1, %dma_wait3A_31, %dma_wait3A_32] : memref<16x60x128xi32, #tpu.memory_space<hbm>> -> memref<1x60x128xi32, #tpu.memory_space<hbm>>
        %dma_wait3A_34 = tpu.memref_squeeze %dma_wait3A_33 : memref<1x60x128xi32, #tpu.memory_space<hbm>> -> memref<60x128xi32, #tpu.memory_space<hbm>>
        tpu.wait_dma2 semaphore(%run_scoped3A : memref<!tpu.dma_semaphore, #tpu.memory_space<semaphore_mem>>) src(%dma_wait3A_34 : memref<60x128xi32, #tpu.memory_space<hbm>>) dst(%arg8 : memref<60x128xi32, #tpu.memory_space<vmem>>)
        tpu.yield
      }) : () -> ()
      "tpu.region"() ({
        %run_scoped3A = tpu.sem_alloc : memref<!tpu.dma_semaphore, #tpu.memory_space<semaphore_mem>>
        %dma_start3A_20 = arith.constant 0 : i32
        %dma_start3A_21 = arith.constant 0 : i32
        %dma_start3A_22 = tpu.memref_slice %arg4[%arg1, %dma_start3A_20, %dma_start3A_21] : memref<16x60x128xi32, #tpu.memory_space<hbm>> -> memref<1x60x128xi32, #tpu.memory_space<hbm>>
        %dma_start3A_23 = tpu.memref_squeeze %dma_start3A_22 : memref<1x60x128xi32, #tpu.memory_space<hbm>> -> memref<60x128xi32, #tpu.memory_space<hbm>>
        %dma_start3A_24 = arith.constant 0 : i32
        %dma_start3A_25 = arith.constant 0 : i32
        %dma_start3A_26 = tpu.memref_slice %arg4[%arg1, %dma_start3A_24, %dma_start3A_25] : memref<16x60x128xi32, #tpu.memory_space<hbm>> -> memref<1x60x128xi32, #tpu.memory_space<hbm>>
        %dma_start3A_27 = tpu.memref_squeeze %dma_start3A_26 : memref<1x60x128xi32, #tpu.memory_space<hbm>> -> memref<60x128xi32, #tpu.memory_space<hbm>>
        tpu.enqueue_dma source(%dma_start3A_27 : memref<60x128xi32, #tpu.memory_space<hbm>>) target(%arg9 : memref<60x128xi32, #tpu.memory_space<vmem>>) target_semaphore(%run_scoped3A : memref<!tpu.dma_semaphore, #tpu.memory_space<semaphore_mem>>)
        %dma_wait3A = arith.constant 0 : i32
        %dma_wait3A_28 = arith.constant 0 : i32
        %dma_wait3A_29 = tpu.memref_slice %arg4[%arg1, %dma_wait3A, %dma_wait3A_28] : memref<16x60x128xi32, #tpu.memory_space<hbm>> -> memref<1x60x128xi32, #tpu.memory_space<hbm>>
        %dma_wait3A_30 = tpu.memref_squeeze %dma_wait3A_29 : memref<1x60x128xi32, #tpu.memory_space<hbm>> -> memref<60x128xi32, #tpu.memory_space<hbm>>
        %dma_wait3A_31 = arith.constant 0 : i32
        %dma_wait3A_32 = arith.constant 0 : i32
        %dma_wait3A_33 = tpu.memref_slice %arg4[%arg1, %dma_wait3A_31, %dma_wait3A_32] : memref<16x60x128xi32, #tpu.memory_space<hbm>> -> memref<1x60x128xi32, #tpu.memory_space<hbm>>
        %dma_wait3A_34 = tpu.memref_squeeze %dma_wait3A_33 : memref<1x60x128xi32, #tpu.memory_space<hbm>> -> memref<60x128xi32, #tpu.memory_space<hbm>>
        tpu.wait_dma2 semaphore(%run_scoped3A : memref<!tpu.dma_semaphore, #tpu.memory_space<semaphore_mem>>) src(%dma_wait3A_34 : memref<60x128xi32, #tpu.memory_space<hbm>>) dst(%arg9 : memref<60x128xi32, #tpu.memory_space<vmem>>)
        tpu.yield
      }) : () -> ()
      %dma_start3A = arith.constant 0 : i32
      %dma_start3A_8 = arith.constant 0 : i32
      %dma_start3A_9 = tpu.memref_slice %arg8[%dma_start3A, %dma_start3A_8] : memref<60x128xi32, #tpu.memory_space<vmem>> -> memref<1x128xi32, #tpu.memory_space<vmem>>
      %dma_start3A_10 = tpu.memref_squeeze %dma_start3A_9 : memref<1x128xi32, #tpu.memory_space<vmem>> -> memref<128xi32, #tpu.memory_space<vmem>>
      %dma_start3A_11 = arith.constant 0 : i32
      %dma_start3A_12 = arith.constant 0 : i32
      %dma_start3A_13 = tpu.memref_slice %arg2[%dma_start3A_11, %dma_start3A_12] : memref<7680x128xf32, #tpu.memory_space<hbm>> -> memref<7680x128xf32, #tpu.memory_space<hbm>>
      tpu.enqueue_indirect_dma source(%dma_start3A_13 : memref<7680x128xf32, #tpu.memory_space<hbm>>) target(%arg10 : memref<128x128xf32, #tpu.memory_space<vmem>>) offsets(%dma_start3A_10 : memref<128xi32, #tpu.memory_space<vmem>>) semaphore(%arg13 : memref<!tpu.dma_semaphore, #tpu.memory_space<semaphore_mem>>)
      %scan3A = arith.constant 0 : i32
      %scan3A_14 = arith.constant 0 : i32
      %scan3A_15 = arith.constant 30 : i32
      %scan3A_16 = arith.addi %scan3A_14, %scan3A_15 : i32
      %scan3A_17 = arith.constant 1 : i32
      scf.for %scan3A_20 = %scan3A_14 to %scan3A_16 step %scan3A_17  : i32 {
        %mul3A_21 = arith.constant 2 : i32
        %mul3A_22 = arith.muli %scan3A_20, %mul3A_21 : i32
        %add3A = arith.constant 0 : i32
        %add3A_23 = arith.addi %mul3A_22, %add3A : i32
        %dma_wait3A = arith.constant 0 : i32
        %dma_wait3A_24 = tpu.memref_slice %arg8[%add3A_23, %dma_wait3A] : memref<60x128xi32, #tpu.memory_space<vmem>> -> memref<1x128xi32, #tpu.memory_space<vmem>>
        %dma_wait3A_25 = tpu.memref_squeeze %dma_wait3A_24 : memref<1x128xi32, #tpu.memory_space<vmem>> -> memref<128xi32, #tpu.memory_space<vmem>>
        %dma_wait3A_26 = arith.constant 0 : i32
        %dma_wait3A_27 = arith.constant 0 : i32
        %dma_wait3A_28 = tpu.memref_slice %arg2[%dma_wait3A_26, %dma_wait3A_27] : memref<7680x128xf32, #tpu.memory_space<hbm>> -> memref<7680x128xf32, #tpu.memory_space<hbm>>
        tpu.wait_indirect_dma semaphore(%arg13 : memref<!tpu.dma_semaphore, #tpu.memory_space<semaphore_mem>>) src(%dma_wait3A_28 : memref<7680x128xf32, #tpu.memory_space<hbm>>) dst(%arg10 : memref<128x128xf32, #tpu.memory_space<vmem>>)
        %add3A_29 = arith.constant 1 : i32
        %add3A_30 = arith.addi %add3A_23, %add3A_29 : i32
        %lt3A = arith.constant 60 : i32
        %lt3A_31 = arith.cmpi slt, %add3A_30, %lt3A : i32
        %convert_element_type3A_32 = arith.extui %lt3A_31 : i1 to i32
        %cond3A_33 = arith.constant 0 : i32
        %cond3A_34 = arith.cmpi ne, %convert_element_type3A_32, %cond3A_33 : i32
        scf.if %cond3A_34 {
          %add3A_52 = arith.constant 1 : i32
          %add3A_53 = arith.addi %add3A_23, %add3A_52 : i32
          %dma_start3A_54 = arith.constant 0 : i32
          %dma_start3A_55 = tpu.memref_slice %arg8[%add3A_53, %dma_start3A_54] : memref<60x128xi32, #tpu.memory_space<vmem>> -> memref<1x128xi32, #tpu.memory_space<vmem>>
          %dma_start3A_56 = tpu.memref_squeeze %dma_start3A_55 : memref<1x128xi32, #tpu.memory_space<vmem>> -> memref<128xi32, #tpu.memory_space<vmem>>
          %dma_start3A_57 = arith.constant 0 : i32
          %dma_start3A_58 = arith.constant 0 : i32
          %dma_start3A_59 = tpu.memref_slice %arg2[%dma_start3A_57, %dma_start3A_58] : memref<7680x128xf32, #tpu.memory_space<hbm>> -> memref<7680x128xf32, #tpu.memory_space<hbm>>
          tpu.enqueue_indirect_dma source(%dma_start3A_59 : memref<7680x128xf32, #tpu.memory_space<hbm>>) target(%arg11 : memref<128x128xf32, #tpu.memory_space<vmem>>) offsets(%dma_start3A_56 : memref<128xi32, #tpu.memory_space<vmem>>) semaphore(%arg14 : memref<!tpu.dma_semaphore, #tpu.memory_space<semaphore_mem>>)
        } else {
        }
        "tpu.region"() ({
          %run_scoped3A = tpu.sem_alloc : memref<!tpu.dma_semaphore, #tpu.memory_space<semaphore_mem>>
          %dma_start3A_52 = arith.constant 0 : i32
          %dma_start3A_53 = tpu.memref_slice %arg9[%add3A_23, %dma_start3A_52] : memref<60x128xi32, #tpu.memory_space<vmem>> -> memref<1x128xi32, #tpu.memory_space<vmem>>
          %dma_start3A_54 = tpu.memref_squeeze %dma_start3A_53 : memref<1x128xi32, #tpu.memory_space<vmem>> -> memref<128xi32, #tpu.memory_space<vmem>>
          %dma_start3A_55 = arith.constant 0 : i32
          %dma_start3A_56 = arith.constant 0 : i32
          %dma_start3A_57 = tpu.memref_slice %arg12[%dma_start3A_55, %dma_start3A_56] : memref<7680x128xf32, #tpu.memory_space<vmem_shared>> -> memref<7680x128xf32, #tpu.memory_space<vmem_shared>>
          tpu.enqueue_indirect_dma source(%arg10 : memref<128x128xf32, #tpu.memory_space<vmem>>) target(%dma_start3A_57 : memref<7680x128xf32, #tpu.memory_space<vmem_shared>>) offsets(%dma_start3A_54 : memref<128xi32, #tpu.memory_space<vmem>>) semaphore(%run_scoped3A : memref<!tpu.dma_semaphore, #tpu.memory_space<semaphore_mem>>) {add = true}
          %dma_wait3A_58 = arith.constant 0 : i32
          %dma_wait3A_59 = tpu.memref_slice %arg9[%add3A_23, %dma_wait3A_58] : memref<60x128xi32, #tpu.memory_space<vmem>> -> memref<1x128xi32, #tpu.memory_space<vmem>>
          %dma_wait3A_60 = tpu.memref_squeeze %dma_wait3A_59 : memref<1x128xi32, #tpu.memory_space<vmem>> -> memref<128xi32, #tpu.memory_space<vmem>>
          %dma_wait3A_61 = arith.constant 0 : i32
          %dma_wait3A_62 = arith.constant 0 : i32
          %dma_wait3A_63 = tpu.memref_slice %arg12[%dma_wait3A_61, %dma_wait3A_62] : memref<7680x128xf32, #tpu.memory_space<vmem_shared>> -> memref<7680x128xf32, #tpu.memory_space<vmem_shared>>
          tpu.wait_indirect_dma semaphore(%run_scoped3A : memref<!tpu.dma_semaphore, #tpu.memory_space<semaphore_mem>>) src(%arg10 : memref<128x128xf32, #tpu.memory_space<vmem>>) dst(%dma_wait3A_63 : memref<7680x128xf32, #tpu.memory_space<vmem_shared>>)
          tpu.yield
        }) : () -> ()
        %mul3A_35 = arith.constant 2 : i32
        %mul3A_36 = arith.muli %scan3A_20, %mul3A_35 : i32
        %add3A_37 = arith.constant 1 : i32
        %add3A_38 = arith.addi %mul3A_36, %add3A_37 : i32
        %dma_wait3A_39 = arith.constant 0 : i32
        %dma_wait3A_40 = tpu.memref_slice %arg8[%add3A_38, %dma_wait3A_39] : memref<60x128xi32, #tpu.memory_space<vmem>> -> memref<1x128xi32, #tpu.memory_space<vmem>>
        %dma_wait3A_41 = tpu.memref_squeeze %dma_wait3A_40 : memref<1x128xi32, #tpu.memory_space<vmem>> -> memref<128xi32, #tpu.memory_space<vmem>>
        %dma_wait3A_42 = arith.constant 0 : i32
        %dma_wait3A_43 = arith.constant 0 : i32
        %dma_wait3A_44 = tpu.memref_slice %arg2[%dma_wait3A_42, %dma_wait3A_43] : memref<7680x128xf32, #tpu.memory_space<hbm>> -> memref<7680x128xf32, #tpu.memory_space<hbm>>
        tpu.wait_indirect_dma semaphore(%arg14 : memref<!tpu.dma_semaphore, #tpu.memory_space<semaphore_mem>>) src(%dma_wait3A_44 : memref<7680x128xf32, #tpu.memory_space<hbm>>) dst(%arg11 : memref<128x128xf32, #tpu.memory_space<vmem>>)
        %add3A_45 = arith.constant 1 : i32
        %add3A_46 = arith.addi %add3A_38, %add3A_45 : i32
        %lt3A_47 = arith.constant 60 : i32
        %lt3A_48 = arith.cmpi slt, %add3A_46, %lt3A_47 : i32
        %convert_element_type3A_49 = arith.extui %lt3A_48 : i1 to i32
        %cond3A_50 = arith.constant 0 : i32
        %cond3A_51 = arith.cmpi ne, %convert_element_type3A_49, %cond3A_50 : i32
        scf.if %cond3A_51 {
          %add3A_52 = arith.constant 1 : i32
          %add3A_53 = arith.addi %add3A_38, %add3A_52 : i32
          %dma_start3A_54 = arith.constant 0 : i32
          %dma_start3A_55 = tpu.memref_slice %arg8[%add3A_53, %dma_start3A_54] : memref<60x128xi32, #tpu.memory_space<vmem>> -> memref<1x128xi32, #tpu.memory_space<vmem>>
          %dma_start3A_56 = tpu.memref_squeeze %dma_start3A_55 : memref<1x128xi32, #tpu.memory_space<vmem>> -> memref<128xi32, #tpu.memory_space<vmem>>
          %dma_start3A_57 = arith.constant 0 : i32
          %dma_start3A_58 = arith.constant 0 : i32
          %dma_start3A_59 = tpu.memref_slice %arg2[%dma_start3A_57, %dma_start3A_58] : memref<7680x128xf32, #tpu.memory_space<hbm>> -> memref<7680x128xf32, #tpu.memory_space<hbm>>
          tpu.enqueue_indirect_dma source(%dma_start3A_59 : memref<7680x128xf32, #tpu.memory_space<hbm>>) target(%arg10 : memref<128x128xf32, #tpu.memory_space<vmem>>) offsets(%dma_start3A_56 : memref<128xi32, #tpu.memory_space<vmem>>) semaphore(%arg13 : memref<!tpu.dma_semaphore, #tpu.memory_space<semaphore_mem>>)
        } else {
        }
        "tpu.region"() ({
          %run_scoped3A = tpu.sem_alloc : memref<!tpu.dma_semaphore, #tpu.memory_space<semaphore_mem>>
          %dma_start3A_52 = arith.constant 0 : i32
          %dma_start3A_53 = tpu.memref_slice %arg9[%add3A_38, %dma_start3A_52] : memref<60x128xi32, #tpu.memory_space<vmem>> -> memref<1x128xi32, #tpu.memory_space<vmem>>
          %dma_start3A_54 = tpu.memref_squeeze %dma_start3A_53 : memref<1x128xi32, #tpu.memory_space<vmem>> -> memref<128xi32, #tpu.memory_space<vmem>>
          %dma_start3A_55 = arith.constant 0 : i32
          %dma_start3A_56 = arith.constant 0 : i32
          %dma_start3A_57 = tpu.memref_slice %arg12[%dma_start3A_55, %dma_start3A_56] : memref<7680x128xf32, #tpu.memory_space<vmem_shared>> -> memref<7680x128xf32, #tpu.memory_space<vmem_shared>>
          tpu.enqueue_indirect_dma source(%arg11 : memref<128x128xf32, #tpu.memory_space<vmem>>) target(%dma_start3A_57 : memref<7680x128xf32, #tpu.memory_space<vmem_shared>>) offsets(%dma_start3A_54 : memref<128xi32, #tpu.memory_space<vmem>>) semaphore(%run_scoped3A : memref<!tpu.dma_semaphore, #tpu.memory_space<semaphore_mem>>) {add = true}
          %dma_wait3A_58 = arith.constant 0 : i32
          %dma_wait3A_59 = tpu.memref_slice %arg9[%add3A_38, %dma_wait3A_58] : memref<60x128xi32, #tpu.memory_space<vmem>> -> memref<1x128xi32, #tpu.memory_space<vmem>>
          %dma_wait3A_60 = tpu.memref_squeeze %dma_wait3A_59 : memref<1x128xi32, #tpu.memory_space<vmem>> -> memref<128xi32, #tpu.memory_space<vmem>>
          %dma_wait3A_61 = arith.constant 0 : i32
          %dma_wait3A_62 = arith.constant 0 : i32
          %dma_wait3A_63 = tpu.memref_slice %arg12[%dma_wait3A_61, %dma_wait3A_62] : memref<7680x128xf32, #tpu.memory_space<vmem_shared>> -> memref<7680x128xf32, #tpu.memory_space<vmem_shared>>
          tpu.wait_indirect_dma semaphore(%run_scoped3A : memref<!tpu.dma_semaphore, #tpu.memory_space<semaphore_mem>>) src(%arg11 : memref<128x128xf32, #tpu.memory_space<vmem>>) dst(%dma_wait3A_63 : memref<7680x128xf32, #tpu.memory_space<vmem_shared>>)
          tpu.yield
        }) : () -> ()
      }
      %scan3A_18 = arith.constant 30 : i32
      %barrier3A_19 = arith.constant 0 : index
      tpu.barrier barrier_id(%barrier3A_19)
      "tpu.region"() ({
        %run_scoped3A = tpu.sem_alloc : memref<!tpu.dma_semaphore, #tpu.memory_space<semaphore_mem>>
        %dma_start3A_20 = arith.constant 0 : i32
        %dma_start3A_21 = tpu.memref_slice %arg6[%mul3A_0, %dma_start3A_20] : memref<7680x128xf32, #tpu.memory_space<hbm>> -> memref<480x128xf32, #tpu.memory_space<hbm>>
        %dma_start3A_22 = arith.constant 0 : i32
        %dma_start3A_23 = tpu.memref_slice %arg12[%mul3A_0, %dma_start3A_22] : memref<7680x128xf32, #tpu.memory_space<vmem_shared>> -> memref<480x128xf32, #tpu.memory_space<vmem_shared>>
        tpu.enqueue_dma source(%dma_start3A_23 : memref<480x128xf32, #tpu.memory_space<vmem_shared>>) target(%dma_start3A_21 : memref<480x128xf32, #tpu.memory_space<hbm>>) target_semaphore(%run_scoped3A : memref<!tpu.dma_semaphore, #tpu.memory_space<semaphore_mem>>)
        %dma_wait3A = arith.constant 0 : i32
        %dma_wait3A_24 = tpu.memref_slice %arg6[%mul3A_0, %dma_wait3A] : memref<7680x128xf32, #tpu.memory_space<hbm>> -> memref<480x128xf32, #tpu.memory_space<hbm>>
        %dma_wait3A_25 = arith.constant 0 : i32
        %dma_wait3A_26 = tpu.memref_slice %arg12[%mul3A_0, %dma_wait3A_25] : memref<7680x128xf32, #tpu.memory_space<vmem_shared>> -> memref<480x128xf32, #tpu.memory_space<vmem_shared>>
        tpu.wait_dma2 semaphore(%run_scoped3A : memref<!tpu.dma_semaphore, #tpu.memory_space<semaphore_mem>>) src(%dma_wait3A_26 : memref<480x128xf32, #tpu.memory_space<vmem_shared>>) dst(%dma_wait3A_24 : memref<480x128xf32, #tpu.memory_space<hbm>>)
        tpu.yield
      }) : () -> ()
    } else {
    }
    %eq3A_3 = arith.constant 1 : i32
    %eq3A_4 = arith.cmpi eq, %arg0, %eq3A_3 : i32
    %convert_element_type3A_5 = arith.extui %eq3A_4 : i1 to i32
    %cond3A_6 = arith.constant 0 : i32
    %cond3A_7 = arith.cmpi ne, %convert_element_type3A_5, %cond3A_6 : i32
    scf.if %cond3A_7 {
      "tpu.region"() ({
        %run_scoped3A = tpu.sem_alloc : memref<!tpu.dma_semaphore, #tpu.memory_space<semaphore_mem>>
        %dma_start3A_20 = arith.constant 0 : i32
        %dma_start3A_21 = arith.constant 0 : i32
        %dma_start3A_22 = tpu.memref_slice %arg4[%arg1, %dma_start3A_20, %dma_start3A_21] : memref<16x60x128xi32, #tpu.memory_space<hbm>> -> memref<1x60x128xi32, #tpu.memory_space<hbm>>
        %dma_start3A_23 = tpu.memref_squeeze %dma_start3A_22 : memref<1x60x128xi32, #tpu.memory_space<hbm>> -> memref<60x128xi32, #tpu.memory_space<hbm>>
        %dma_start3A_24 = arith.constant 0 : i32
        %dma_start3A_25 = arith.constant 0 : i32
        %dma_start3A_26 = tpu.memref_slice %arg4[%arg1, %dma_start3A_24, %dma_start3A_25] : memref<16x60x128xi32, #tpu.memory_space<hbm>> -> memref<1x60x128xi32, #tpu.memory_space<hbm>>
        %dma_start3A_27 = tpu.memref_squeeze %dma_start3A_26 : memref<1x60x128xi32, #tpu.memory_space<hbm>> -> memref<60x128xi32, #tpu.memory_space<hbm>>
        tpu.enqueue_dma source(%dma_start3A_27 : memref<60x128xi32, #tpu.memory_space<hbm>>) target(%arg8 : memref<60x128xi32, #tpu.memory_space<vmem>>) target_semaphore(%run_scoped3A : memref<!tpu.dma_semaphore, #tpu.memory_space<semaphore_mem>>)
        %dma_wait3A = arith.constant 0 : i32
        %dma_wait3A_28 = arith.constant 0 : i32
        %dma_wait3A_29 = tpu.memref_slice %arg4[%arg1, %dma_wait3A, %dma_wait3A_28] : memref<16x60x128xi32, #tpu.memory_space<hbm>> -> memref<1x60x128xi32, #tpu.memory_space<hbm>>
        %dma_wait3A_30 = tpu.memref_squeeze %dma_wait3A_29 : memref<1x60x128xi32, #tpu.memory_space<hbm>> -> memref<60x128xi32, #tpu.memory_space<hbm>>
        %dma_wait3A_31 = arith.constant 0 : i32
        %dma_wait3A_32 = arith.constant 0 : i32
        %dma_wait3A_33 = tpu.memref_slice %arg4[%arg1, %dma_wait3A_31, %dma_wait3A_32] : memref<16x60x128xi32, #tpu.memory_space<hbm>> -> memref<1x60x128xi32, #tpu.memory_space<hbm>>
        %dma_wait3A_34 = tpu.memref_squeeze %dma_wait3A_33 : memref<1x60x128xi32, #tpu.memory_space<hbm>> -> memref<60x128xi32, #tpu.memory_space<hbm>>
        tpu.wait_dma2 semaphore(%run_scoped3A : memref<!tpu.dma_semaphore, #tpu.memory_space<semaphore_mem>>) src(%dma_wait3A_34 : memref<60x128xi32, #tpu.memory_space<hbm>>) dst(%arg8 : memref<60x128xi32, #tpu.memory_space<vmem>>)
        tpu.yield
      }) : () -> ()
      "tpu.region"() ({
        %run_scoped3A = tpu.sem_alloc : memref<!tpu.dma_semaphore, #tpu.memory_space<semaphore_mem>>
        %dma_start3A_20 = arith.constant 0 : i32
        %dma_start3A_21 = arith.constant 0 : i32
        %dma_start3A_22 = tpu.memref_slice %arg3[%arg1, %dma_start3A_20, %dma_start3A_21] : memref<16x60x128xi32, #tpu.memory_space<hbm>> -> memref<1x60x128xi32, #tpu.memory_space<hbm>>
        %dma_start3A_23 = tpu.memref_squeeze %dma_start3A_22 : memref<1x60x128xi32, #tpu.memory_space<hbm>> -> memref<60x128xi32, #tpu.memory_space<hbm>>
        %dma_start3A_24 = arith.constant 0 : i32
        %dma_start3A_25 = arith.constant 0 : i32
        %dma_start3A_26 = tpu.memref_slice %arg3[%arg1, %dma_start3A_24, %dma_start3A_25] : memref<16x60x128xi32, #tpu.memory_space<hbm>> -> memref<1x60x128xi32, #tpu.memory_space<hbm>>
        %dma_start3A_27 = tpu.memref_squeeze %dma_start3A_26 : memref<1x60x128xi32, #tpu.memory_space<hbm>> -> memref<60x128xi32, #tpu.memory_space<hbm>>
        tpu.enqueue_dma source(%dma_start3A_27 : memref<60x128xi32, #tpu.memory_space<hbm>>) target(%arg9 : memref<60x128xi32, #tpu.memory_space<vmem>>) target_semaphore(%run_scoped3A : memref<!tpu.dma_semaphore, #tpu.memory_space<semaphore_mem>>)
        %dma_wait3A = arith.constant 0 : i32
        %dma_wait3A_28 = arith.constant 0 : i32
        %dma_wait3A_29 = tpu.memref_slice %arg3[%arg1, %dma_wait3A, %dma_wait3A_28] : memref<16x60x128xi32, #tpu.memory_space<hbm>> -> memref<1x60x128xi32, #tpu.memory_space<hbm>>
        %dma_wait3A_30 = tpu.memref_squeeze %dma_wait3A_29 : memref<1x60x128xi32, #tpu.memory_space<hbm>> -> memref<60x128xi32, #tpu.memory_space<hbm>>
        %dma_wait3A_31 = arith.constant 0 : i32
        %dma_wait3A_32 = arith.constant 0 : i32
        %dma_wait3A_33 = tpu.memref_slice %arg3[%arg1, %dma_wait3A_31, %dma_wait3A_32] : memref<16x60x128xi32, #tpu.memory_space<hbm>> -> memref<1x60x128xi32, #tpu.memory_space<hbm>>
        %dma_wait3A_34 = tpu.memref_squeeze %dma_wait3A_33 : memref<1x60x128xi32, #tpu.memory_space<hbm>> -> memref<60x128xi32, #tpu.memory_space<hbm>>
        tpu.wait_dma2 semaphore(%run_scoped3A : memref<!tpu.dma_semaphore, #tpu.memory_space<semaphore_mem>>) src(%dma_wait3A_34 : memref<60x128xi32, #tpu.memory_space<hbm>>) dst(%arg9 : memref<60x128xi32, #tpu.memory_space<vmem>>)
        tpu.yield
      }) : () -> ()
      %dma_start3A = arith.constant 0 : i32
      %dma_start3A_8 = arith.constant 0 : i32
      %dma_start3A_9 = tpu.memref_slice %arg8[%dma_start3A, %dma_start3A_8] : memref<60x128xi32, #tpu.memory_space<vmem>> -> memref<1x128xi32, #tpu.memory_space<vmem>>
      %dma_start3A_10 = tpu.memref_squeeze %dma_start3A_9 : memref<1x128xi32, #tpu.memory_space<vmem>> -> memref<128xi32, #tpu.memory_space<vmem>>
      %dma_start3A_11 = arith.constant 0 : i32
      %dma_start3A_12 = arith.constant 0 : i32
      %dma_start3A_13 = tpu.memref_slice %arg2[%dma_start3A_11, %dma_start3A_12] : memref<7680x128xf32, #tpu.memory_space<hbm>> -> memref<7680x128xf32, #tpu.memory_space<hbm>>
      tpu.enqueue_indirect_dma source(%dma_start3A_13 : memref<7680x128xf32, #tpu.memory_space<hbm>>) target(%arg10 : memref<128x128xf32, #tpu.memory_space<vmem>>) offsets(%dma_start3A_10 : memref<128xi32, #tpu.memory_space<vmem>>) semaphore(%arg13 : memref<!tpu.dma_semaphore, #tpu.memory_space<semaphore_mem>>)
      %scan3A = arith.constant 0 : i32
      %scan3A_14 = arith.constant 0 : i32
      %scan3A_15 = arith.constant 30 : i32
      %scan3A_16 = arith.addi %scan3A_14, %scan3A_15 : i32
      %scan3A_17 = arith.constant 1 : i32
      scf.for %scan3A_20 = %scan3A_14 to %scan3A_16 step %scan3A_17  : i32 {
        %mul3A_21 = arith.constant 2 : i32
        %mul3A_22 = arith.muli %scan3A_20, %mul3A_21 : i32
        %add3A = arith.constant 0 : i32
        %add3A_23 = arith.addi %mul3A_22, %add3A : i32
        %dma_wait3A = arith.constant 0 : i32
        %dma_wait3A_24 = tpu.memref_slice %arg8[%add3A_23, %dma_wait3A] : memref<60x128xi32, #tpu.memory_space<vmem>> -> memref<1x128xi32, #tpu.memory_space<vmem>>
        %dma_wait3A_25 = tpu.memref_squeeze %dma_wait3A_24 : memref<1x128xi32, #tpu.memory_space<vmem>> -> memref<128xi32, #tpu.memory_space<vmem>>
        %dma_wait3A_26 = arith.constant 0 : i32
        %dma_wait3A_27 = arith.constant 0 : i32
        %dma_wait3A_28 = tpu.memref_slice %arg2[%dma_wait3A_26, %dma_wait3A_27] : memref<7680x128xf32, #tpu.memory_space<hbm>> -> memref<7680x128xf32, #tpu.memory_space<hbm>>
        tpu.wait_indirect_dma semaphore(%arg13 : memref<!tpu.dma_semaphore, #tpu.memory_space<semaphore_mem>>) src(%dma_wait3A_28 : memref<7680x128xf32, #tpu.memory_space<hbm>>) dst(%arg10 : memref<128x128xf32, #tpu.memory_space<vmem>>)
        %add3A_29 = arith.constant 1 : i32
        %add3A_30 = arith.addi %add3A_23, %add3A_29 : i32
        %lt3A = arith.constant 60 : i32
        %lt3A_31 = arith.cmpi slt, %add3A_30, %lt3A : i32
        %convert_element_type3A_32 = arith.extui %lt3A_31 : i1 to i32
        %cond3A_33 = arith.constant 0 : i32
        %cond3A_34 = arith.cmpi ne, %convert_element_type3A_32, %cond3A_33 : i32
        scf.if %cond3A_34 {
          %add3A_52 = arith.constant 1 : i32
          %add3A_53 = arith.addi %add3A_23, %add3A_52 : i32
          %dma_start3A_54 = arith.constant 0 : i32
          %dma_start3A_55 = tpu.memref_slice %arg8[%add3A_53, %dma_start3A_54] : memref<60x128xi32, #tpu.memory_space<vmem>> -> memref<1x128xi32, #tpu.memory_space<vmem>>
          %dma_start3A_56 = tpu.memref_squeeze %dma_start3A_55 : memref<1x128xi32, #tpu.memory_space<vmem>> -> memref<128xi32, #tpu.memory_space<vmem>>
          %dma_start3A_57 = arith.constant 0 : i32
          %dma_start3A_58 = arith.constant 0 : i32
          %dma_start3A_59 = tpu.memref_slice %arg2[%dma_start3A_57, %dma_start3A_58] : memref<7680x128xf32, #tpu.memory_space<hbm>> -> memref<7680x128xf32, #tpu.memory_space<hbm>>
          tpu.enqueue_indirect_dma source(%dma_start3A_59 : memref<7680x128xf32, #tpu.memory_space<hbm>>) target(%arg11 : memref<128x128xf32, #tpu.memory_space<vmem>>) offsets(%dma_start3A_56 : memref<128xi32, #tpu.memory_space<vmem>>) semaphore(%arg14 : memref<!tpu.dma_semaphore, #tpu.memory_space<semaphore_mem>>)
        } else {
        }
        "tpu.region"() ({
          %run_scoped3A = tpu.sem_alloc : memref<!tpu.dma_semaphore, #tpu.memory_space<semaphore_mem>>
          %dma_start3A_52 = arith.constant 0 : i32
          %dma_start3A_53 = tpu.memref_slice %arg9[%add3A_23, %dma_start3A_52] : memref<60x128xi32, #tpu.memory_space<vmem>> -> memref<1x128xi32, #tpu.memory_space<vmem>>
          %dma_start3A_54 = tpu.memref_squeeze %dma_start3A_53 : memref<1x128xi32, #tpu.memory_space<vmem>> -> memref<128xi32, #tpu.memory_space<vmem>>
          %dma_start3A_55 = arith.constant 0 : i32
          %dma_start3A_56 = arith.constant 0 : i32
          %dma_start3A_57 = tpu.memref_slice %arg12[%dma_start3A_55, %dma_start3A_56] : memref<7680x128xf32, #tpu.memory_space<vmem_shared>> -> memref<7680x128xf32, #tpu.memory_space<vmem_shared>>
          tpu.enqueue_indirect_dma source(%arg10 : memref<128x128xf32, #tpu.memory_space<vmem>>) target(%dma_start3A_57 : memref<7680x128xf32, #tpu.memory_space<vmem_shared>>) offsets(%dma_start3A_54 : memref<128xi32, #tpu.memory_space<vmem>>) semaphore(%run_scoped3A : memref<!tpu.dma_semaphore, #tpu.memory_space<semaphore_mem>>) {add = true}
          %dma_wait3A_58 = arith.constant 0 : i32
          %dma_wait3A_59 = tpu.memref_slice %arg9[%add3A_23, %dma_wait3A_58] : memref<60x128xi32, #tpu.memory_space<vmem>> -> memref<1x128xi32, #tpu.memory_space<vmem>>
          %dma_wait3A_60 = tpu.memref_squeeze %dma_wait3A_59 : memref<1x128xi32, #tpu.memory_space<vmem>> -> memref<128xi32, #tpu.memory_space<vmem>>
          %dma_wait3A_61 = arith.constant 0 : i32
          %dma_wait3A_62 = arith.constant 0 : i32
          %dma_wait3A_63 = tpu.memref_slice %arg12[%dma_wait3A_61, %dma_wait3A_62] : memref<7680x128xf32, #tpu.memory_space<vmem_shared>> -> memref<7680x128xf32, #tpu.memory_space<vmem_shared>>
          tpu.wait_indirect_dma semaphore(%run_scoped3A : memref<!tpu.dma_semaphore, #tpu.memory_space<semaphore_mem>>) src(%arg10 : memref<128x128xf32, #tpu.memory_space<vmem>>) dst(%dma_wait3A_63 : memref<7680x128xf32, #tpu.memory_space<vmem_shared>>)
          tpu.yield
        }) : () -> ()
        %mul3A_35 = arith.constant 2 : i32
        %mul3A_36 = arith.muli %scan3A_20, %mul3A_35 : i32
        %add3A_37 = arith.constant 1 : i32
        %add3A_38 = arith.addi %mul3A_36, %add3A_37 : i32
        %dma_wait3A_39 = arith.constant 0 : i32
        %dma_wait3A_40 = tpu.memref_slice %arg8[%add3A_38, %dma_wait3A_39] : memref<60x128xi32, #tpu.memory_space<vmem>> -> memref<1x128xi32, #tpu.memory_space<vmem>>
        %dma_wait3A_41 = tpu.memref_squeeze %dma_wait3A_40 : memref<1x128xi32, #tpu.memory_space<vmem>> -> memref<128xi32, #tpu.memory_space<vmem>>
        %dma_wait3A_42 = arith.constant 0 : i32
        %dma_wait3A_43 = arith.constant 0 : i32
        %dma_wait3A_44 = tpu.memref_slice %arg2[%dma_wait3A_42, %dma_wait3A_43] : memref<7680x128xf32, #tpu.memory_space<hbm>> -> memref<7680x128xf32, #tpu.memory_space<hbm>>
        tpu.wait_indirect_dma semaphore(%arg14 : memref<!tpu.dma_semaphore, #tpu.memory_space<semaphore_mem>>) src(%dma_wait3A_44 : memref<7680x128xf32, #tpu.memory_space<hbm>>) dst(%arg11 : memref<128x128xf32, #tpu.memory_space<vmem>>)
        %add3A_45 = arith.constant 1 : i32
        %add3A_46 = arith.addi %add3A_38, %add3A_45 : i32
        %lt3A_47 = arith.constant 60 : i32
        %lt3A_48 = arith.cmpi slt, %add3A_46, %lt3A_47 : i32
        %convert_element_type3A_49 = arith.extui %lt3A_48 : i1 to i32
        %cond3A_50 = arith.constant 0 : i32
        %cond3A_51 = arith.cmpi ne, %convert_element_type3A_49, %cond3A_50 : i32
        scf.if %cond3A_51 {
          %add3A_52 = arith.constant 1 : i32
          %add3A_53 = arith.addi %add3A_38, %add3A_52 : i32
          %dma_start3A_54 = arith.constant 0 : i32
          %dma_start3A_55 = tpu.memref_slice %arg8[%add3A_53, %dma_start3A_54] : memref<60x128xi32, #tpu.memory_space<vmem>> -> memref<1x128xi32, #tpu.memory_space<vmem>>
          %dma_start3A_56 = tpu.memref_squeeze %dma_start3A_55 : memref<1x128xi32, #tpu.memory_space<vmem>> -> memref<128xi32, #tpu.memory_space<vmem>>
          %dma_start3A_57 = arith.constant 0 : i32
          %dma_start3A_58 = arith.constant 0 : i32
          %dma_start3A_59 = tpu.memref_slice %arg2[%dma_start3A_57, %dma_start3A_58] : memref<7680x128xf32, #tpu.memory_space<hbm>> -> memref<7680x128xf32, #tpu.memory_space<hbm>>
          tpu.enqueue_indirect_dma source(%dma_start3A_59 : memref<7680x128xf32, #tpu.memory_space<hbm>>) target(%arg10 : memref<128x128xf32, #tpu.memory_space<vmem>>) offsets(%dma_start3A_56 : memref<128xi32, #tpu.memory_space<vmem>>) semaphore(%arg13 : memref<!tpu.dma_semaphore, #tpu.memory_space<semaphore_mem>>)
        } else {
        }
        "tpu.region"() ({
          %run_scoped3A = tpu.sem_alloc : memref<!tpu.dma_semaphore, #tpu.memory_space<semaphore_mem>>
          %dma_start3A_52 = arith.constant 0 : i32
          %dma_start3A_53 = tpu.memref_slice %arg9[%add3A_38, %dma_start3A_52] : memref<60x128xi32, #tpu.memory_space<vmem>> -> memref<1x128xi32, #tpu.memory_space<vmem>>
          %dma_start3A_54 = tpu.memref_squeeze %dma_start3A_53 : memref<1x128xi32, #tpu.memory_space<vmem>> -> memref<128xi32, #tpu.memory_space<vmem>>
          %dma_start3A_55 = arith.constant 0 : i32
          %dma_start3A_56 = arith.constant 0 : i32
          %dma_start3A_57 = tpu.memref_slice %arg12[%dma_start3A_55, %dma_start3A_56] : memref<7680x128xf32, #tpu.memory_space<vmem_shared>> -> memref<7680x128xf32, #tpu.memory_space<vmem_shared>>
          tpu.enqueue_indirect_dma source(%arg11 : memref<128x128xf32, #tpu.memory_space<vmem>>) target(%dma_start3A_57 : memref<7680x128xf32, #tpu.memory_space<vmem_shared>>) offsets(%dma_start3A_54 : memref<128xi32, #tpu.memory_space<vmem>>) semaphore(%run_scoped3A : memref<!tpu.dma_semaphore, #tpu.memory_space<semaphore_mem>>) {add = true}
          %dma_wait3A_58 = arith.constant 0 : i32
          %dma_wait3A_59 = tpu.memref_slice %arg9[%add3A_38, %dma_wait3A_58] : memref<60x128xi32, #tpu.memory_space<vmem>> -> memref<1x128xi32, #tpu.memory_space<vmem>>
          %dma_wait3A_60 = tpu.memref_squeeze %dma_wait3A_59 : memref<1x128xi32, #tpu.memory_space<vmem>> -> memref<128xi32, #tpu.memory_space<vmem>>
          %dma_wait3A_61 = arith.constant 0 : i32
          %dma_wait3A_62 = arith.constant 0 : i32
          %dma_wait3A_63 = tpu.memref_slice %arg12[%dma_wait3A_61, %dma_wait3A_62] : memref<7680x128xf32, #tpu.memory_space<vmem_shared>> -> memref<7680x128xf32, #tpu.memory_space<vmem_shared>>
          tpu.wait_indirect_dma semaphore(%run_scoped3A : memref<!tpu.dma_semaphore, #tpu.memory_space<semaphore_mem>>) src(%arg11 : memref<128x128xf32, #tpu.memory_space<vmem>>) dst(%dma_wait3A_63 : memref<7680x128xf32, #tpu.memory_space<vmem_shared>>)
          tpu.yield
        }) : () -> ()
      }
      %scan3A_18 = arith.constant 30 : i32
      %barrier3A_19 = arith.constant 0 : index
      tpu.barrier barrier_id(%barrier3A_19)
      "tpu.region"() ({
        %run_scoped3A = tpu.sem_alloc : memref<!tpu.dma_semaphore, #tpu.memory_space<semaphore_mem>>
        %dma_start3A_20 = arith.constant 0 : i32
        %dma_start3A_21 = tpu.memref_slice %arg7[%mul3A_0, %dma_start3A_20] : memref<7680x128xf32, #tpu.memory_space<hbm>> -> memref<480x128xf32, #tpu.memory_space<hbm>>
        %dma_start3A_22 = arith.constant 0 : i32
        %dma_start3A_23 = tpu.memref_slice %arg12[%mul3A_0, %dma_start3A_22] : memref<7680x128xf32, #tpu.memory_space<vmem_shared>> -> memref<480x128xf32, #tpu.memory_space<vmem_shared>>
        tpu.enqueue_dma source(%dma_start3A_23 : memref<480x128xf32, #tpu.memory_space<vmem_shared>>) target(%dma_start3A_21 : memref<480x128xf32, #tpu.memory_space<hbm>>) target_semaphore(%run_scoped3A : memref<!tpu.dma_semaphore, #tpu.memory_space<semaphore_mem>>)
        %dma_wait3A = arith.constant 0 : i32
        %dma_wait3A_24 = tpu.memref_slice %arg7[%mul3A_0, %dma_wait3A] : memref<7680x128xf32, #tpu.memory_space<hbm>> -> memref<480x128xf32, #tpu.memory_space<hbm>>
        %dma_wait3A_25 = arith.constant 0 : i32
        %dma_wait3A_26 = tpu.memref_slice %arg12[%mul3A_0, %dma_wait3A_25] : memref<7680x128xf32, #tpu.memory_space<vmem_shared>> -> memref<480x128xf32, #tpu.memory_space<vmem_shared>>
        tpu.wait_dma2 semaphore(%run_scoped3A : memref<!tpu.dma_semaphore, #tpu.memory_space<semaphore_mem>>) src(%dma_wait3A_26 : memref<480x128xf32, #tpu.memory_space<vmem_shared>>) dst(%dma_wait3A_24 : memref<480x128xf32, #tpu.memory_space<hbm>>)
        tpu.yield
      }) : () -> ()
    } else {
    }
    return
  }
}

#map = affine_map<(d0, d1) -> (0, 0)>
#map1 = affine_map<(d0, d1) -> (0, 0, 0)>
module attributes {stable_mosaic.version = 14 : i64} {
  func.func @_spmm(%arg0: i32, %arg1: i32, %arg2: memref<7680x128xf32, #tpu.memory_space<hbm>>, %arg3: memref<16x60x128xi32, #tpu.memory_space<hbm>>, %arg4: memref<16x60x128xi32, #tpu.memory_space<hbm>>, %arg5: memref<7680x128xf32, #tpu.memory_space<hbm>>, %arg6: memref<7680x128xf32, #tpu.memory_space<hbm>>, %arg7: memref<7680x128xf32, #tpu.memory_space<hbm>>, %arg8: memref<60x128xi32, #tpu.memory_space<vmem>>, %arg9: memref<60x128xi32, #tpu.memory_space<vmem>>, %arg10: memref<128x128xf32, #tpu.memory_space<vmem>>, %arg11: memref<128x128xf32, #tpu.memory_space<vmem>>, %arg12: memref<7680x128xf32, #tpu.memory_space<vmem_shared>>, %arg13: memref<!tpu.dma_semaphore, #tpu.memory_space<semaphore_mem>>, %arg14: memref<!tpu.dma_semaphore, #tpu.memory_space<semaphore_mem>>) attributes {dimension_semantics = [#tpu.dimension_semantics<core_parallel>, #tpu.dimension_semantics<subcore_parallel>], iteration_bounds = array<i64: 2, 16>, scalar_prefetch = 0 : i64, scratch_operands = 7 : i64, tpu.core_type = #tpu.core_type<sc_vector_subcore>, window_params = [{transform_indices = #map}, {transform_indices = #map1}, {transform_indices = #map1}, {transform_indices = #map}, {transform_indices = #map}, {transform_indices = #map}]} {
    %mul3A = arith.constant 480 : i32
    %mul3A_0 = arith.muli %arg1, %mul3A : i32
    "tpu.region"() ({
      %run_scoped3A = tpu.sem_alloc : memref<!tpu.dma_semaphore, #tpu.memory_space<semaphore_mem>>
      %dma_start3A = arith.constant 0 : i32
      %dma_start3A_8 = tpu.memref_slice %arg12[%mul3A_0, %dma_start3A] : memref<7680x128xf32, #tpu.memory_space<vmem_shared>> -> memref<480x128xf32, #tpu.memory_space<vmem_shared>>
      %dma_start3A_9 = arith.constant 0 : i32
      %dma_start3A_10 = tpu.memref_slice %arg5[%mul3A_0, %dma_start3A_9] : memref<7680x128xf32, #tpu.memory_space<hbm>> -> memref<480x128xf32, #tpu.memory_space<hbm>>
      tpu.enqueue_dma source(%dma_start3A_10 : memref<480x128xf32, #tpu.memory_space<hbm>>) target(%dma_start3A_8 : memref<480x128xf32, #tpu.memory_space<vmem_shared>>) target_semaphore(%run_scoped3A : memref<!tpu.dma_semaphore, #tpu.memory_space<semaphore_mem>>)
      %dma_wait3A = arith.constant 0 : i32
      %dma_wait3A_11 = tpu.memref_slice %arg12[%mul3A_0, %dma_wait3A] : memref<7680x128xf32, #tpu.memory_space<vmem_shared>> -> memref<480x128xf32, #tpu.memory_space<vmem_shared>>
      %dma_wait3A_12 = arith.constant 0 : i32
      %dma_wait3A_13 = tpu.memref_slice %arg5[%mul3A_0, %dma_wait3A_12] : memref<7680x128xf32, #tpu.memory_space<hbm>> -> memref<480x128xf32, #tpu.memory_space<hbm>>
      tpu.wait_dma2 semaphore(%run_scoped3A : memref<!tpu.dma_semaphore, #tpu.memory_space<semaphore_mem>>) src(%dma_wait3A_13 : memref<480x128xf32, #tpu.memory_space<hbm>>) dst(%dma_wait3A_11 : memref<480x128xf32, #tpu.memory_space<vmem_shared>>)
      tpu.yield
    }) : () -> ()
    %barrier3A = arith.constant 0 : index
    tpu.barrier barrier_id(%barrier3A)
    %eq3A = arith.constant 0 : i32
    %eq3A_1 = arith.cmpi eq, %arg0, %eq3A : i32
    %convert_element_type3A = arith.extui %eq3A_1 : i1 to i32
    %cond3A = arith.constant 0 : i32
    %cond3A_2 = arith.cmpi ne, %convert_element_type3A, %cond3A : i32
    scf.if %cond3A_2 {
      "tpu.region"() ({
        %run_scoped3A = tpu.sem_alloc : memref<!tpu.dma_semaphore, #tpu.memory_space<semaphore_mem>>
        %dma_start3A_20 = arith.constant 0 : i32
        %dma_start3A_21 = arith.constant 0 : i32
        %dma_start3A_22 = tpu.memref_slice %arg3[%arg1, %dma_start3A_20, %dma_start3A_21] : memref<16x60x128xi32, #tpu.memory_space<hbm>> -> memref<1x60x128xi32, #tpu.memory_space<hbm>>
        %dma_start3A_23 = tpu.memref_squeeze %dma_start3A_22 : memref<1x60x128xi32, #tpu.memory_space<hbm>> -> memref<60x128xi32, #tpu.memory_space<hbm>>
        %dma_start3A_24 = arith.constant 0 : i32
        %dma_start3A_25 = arith.constant 0 : i32
        %dma_start3A_26 = tpu.memref_slice %arg3[%arg1, %dma_start3A_24, %dma_start3A_25] : memref<16x60x128xi32, #tpu.memory_space<hbm>> -> memref<1x60x128xi32, #tpu.memory_space<hbm>>
        %dma_start3A_27 = tpu.memref_squeeze %dma_start3A_26 : memref<1x60x128xi32, #tpu.memory_space<hbm>> -> memref<60x128xi32, #tpu.memory_space<hbm>>
        tpu.enqueue_dma source(%dma_start3A_27 : memref<60x128xi32, #tpu.memory_space<hbm>>) target(%arg8 : memref<60x128xi32, #tpu.memory_space<vmem>>) target_semaphore(%run_scoped3A : memref<!tpu.dma_semaphore, #tpu.memory_space<semaphore_mem>>)
        %dma_wait3A = arith.constant 0 : i32
        %dma_wait3A_28 = arith.constant 0 : i32
        %dma_wait3A_29 = tpu.memref_slice %arg3[%arg1, %dma_wait3A, %dma_wait3A_28] : memref<16x60x128xi32, #tpu.memory_space<hbm>> -> memref<1x60x128xi32, #tpu.memory_space<hbm>>
        %dma_wait3A_30 = tpu.memref_squeeze %dma_wait3A_29 : memref<1x60x128xi32, #tpu.memory_space<hbm>> -> memref<60x128xi32, #tpu.memory_space<hbm>>
        %dma_wait3A_31 = arith.constant 0 : i32
        %dma_wait3A_32 = arith.constant 0 : i32
        %dma_wait3A_33 = tpu.memref_slice %arg3[%arg1, %dma_wait3A_31, %dma_wait3A_32] : memref<16x60x128xi32, #tpu.memory_space<hbm>> -> memref<1x60x128xi32, #tpu.memory_space<hbm>>
        %dma_wait3A_34 = tpu.memref_squeeze %dma_wait3A_33 : memref<1x60x128xi32, #tpu.memory_space<hbm>> -> memref<60x128xi32, #tpu.memory_space<hbm>>
        tpu.wait_dma2 semaphore(%run_scoped3A : memref<!tpu.dma_semaphore, #tpu.memory_space<semaphore_mem>>) src(%dma_wait3A_34 : memref<60x128xi32, #tpu.memory_space<hbm>>) dst(%arg8 : memref<60x128xi32, #tpu.memory_space<vmem>>)
        tpu.yield
      }) : () -> ()
      "tpu.region"() ({
        %run_scoped3A = tpu.sem_alloc : memref<!tpu.dma_semaphore, #tpu.memory_space<semaphore_mem>>
        %dma_start3A_20 = arith.constant 0 : i32
        %dma_start3A_21 = arith.constant 0 : i32
        %dma_start3A_22 = tpu.memref_slice %arg4[%arg1, %dma_start3A_20, %dma_start3A_21] : memref<16x60x128xi32, #tpu.memory_space<hbm>> -> memref<1x60x128xi32, #tpu.memory_space<hbm>>
        %dma_start3A_23 = tpu.memref_squeeze %dma_start3A_22 : memref<1x60x128xi32, #tpu.memory_space<hbm>> -> memref<60x128xi32, #tpu.memory_space<hbm>>
        %dma_start3A_24 = arith.constant 0 : i32
        %dma_start3A_25 = arith.constant 0 : i32
        %dma_start3A_26 = tpu.memref_slice %arg4[%arg1, %dma_start3A_24, %dma_start3A_25] : memref<16x60x128xi32, #tpu.memory_space<hbm>> -> memref<1x60x128xi32, #tpu.memory_space<hbm>>
        %dma_start3A_27 = tpu.memref_squeeze %dma_start3A_26 : memref<1x60x128xi32, #tpu.memory_space<hbm>> -> memref<60x128xi32, #tpu.memory_space<hbm>>
        tpu.enqueue_dma source(%dma_start3A_27 : memref<60x128xi32, #tpu.memory_space<hbm>>) target(%arg9 : memref<60x128xi32, #tpu.memory_space<vmem>>) target_semaphore(%run_scoped3A : memref<!tpu.dma_semaphore, #tpu.memory_space<semaphore_mem>>)
        %dma_wait3A = arith.constant 0 : i32
        %dma_wait3A_28 = arith.constant 0 : i32
        %dma_wait3A_29 = tpu.memref_slice %arg4[%arg1, %dma_wait3A, %dma_wait3A_28] : memref<16x60x128xi32, #tpu.memory_space<hbm>> -> memref<1x60x128xi32, #tpu.memory_space<hbm>>
        %dma_wait3A_30 = tpu.memref_squeeze %dma_wait3A_29 : memref<1x60x128xi32, #tpu.memory_space<hbm>> -> memref<60x128xi32, #tpu.memory_space<hbm>>
        %dma_wait3A_31 = arith.constant 0 : i32
        %dma_wait3A_32 = arith.constant 0 : i32
        %dma_wait3A_33 = tpu.memref_slice %arg4[%arg1, %dma_wait3A_31, %dma_wait3A_32] : memref<16x60x128xi32, #tpu.memory_space<hbm>> -> memref<1x60x128xi32, #tpu.memory_space<hbm>>
        %dma_wait3A_34 = tpu.memref_squeeze %dma_wait3A_33 : memref<1x60x128xi32, #tpu.memory_space<hbm>> -> memref<60x128xi32, #tpu.memory_space<hbm>>
        tpu.wait_dma2 semaphore(%run_scoped3A : memref<!tpu.dma_semaphore, #tpu.memory_space<semaphore_mem>>) src(%dma_wait3A_34 : memref<60x128xi32, #tpu.memory_space<hbm>>) dst(%arg9 : memref<60x128xi32, #tpu.memory_space<vmem>>)
        tpu.yield
      }) : () -> ()
      %dma_start3A = arith.constant 0 : i32
      %dma_start3A_8 = arith.constant 0 : i32
      %dma_start3A_9 = tpu.memref_slice %arg8[%dma_start3A, %dma_start3A_8] : memref<60x128xi32, #tpu.memory_space<vmem>> -> memref<1x128xi32, #tpu.memory_space<vmem>>
      %dma_start3A_10 = tpu.memref_squeeze %dma_start3A_9 : memref<1x128xi32, #tpu.memory_space<vmem>> -> memref<128xi32, #tpu.memory_space<vmem>>
      %dma_start3A_11 = arith.constant 0 : i32
      %dma_start3A_12 = arith.constant 0 : i32
      %dma_start3A_13 = tpu.memref_slice %arg2[%dma_start3A_11, %dma_start3A_12] : memref<7680x128xf32, #tpu.memory_space<hbm>> -> memref<7680x128xf32, #tpu.memory_space<hbm>>
      tpu.enqueue_indirect_dma source(%dma_start3A_13 : memref<7680x128xf32, #tpu.memory_space<hbm>>) target(%arg10 : memref<128x128xf32, #tpu.memory_space<vmem>>) offsets(%dma_start3A_10 : memref<128xi32, #tpu.memory_space<vmem>>) semaphore(%arg13 : memref<!tpu.dma_semaphore, #tpu.memory_space<semaphore_mem>>)
      %scan3A = arith.constant 0 : i32
      %scan3A_14 = arith.constant 0 : i32
      %scan3A_15 = arith.constant 30 : i32
      %scan3A_16 = arith.addi %scan3A_14, %scan3A_15 : i32
      %scan3A_17 = arith.constant 1 : i32
      scf.for %scan3A_20 = %scan3A_14 to %scan3A_16 step %scan3A_17  : i32 {
        %mul3A_21 = arith.constant 2 : i32
        %mul3A_22 = arith.muli %scan3A_20, %mul3A_21 : i32
        %add3A = arith.constant 0 : i32
        %add3A_23 = arith.addi %mul3A_22, %add3A : i32
        %dma_wait3A = arith.constant 0 : i32
        %dma_wait3A_24 = tpu.memref_slice %arg8[%add3A_23, %dma_wait3A] : memref<60x128xi32, #tpu.memory_space<vmem>> -> memref<1x128xi32, #tpu.memory_space<vmem>>
        %dma_wait3A_25 = tpu.memref_squeeze %dma_wait3A_24 : memref<1x128xi32, #tpu.memory_space<vmem>> -> memref<128xi32, #tpu.memory_space<vmem>>
        %dma_wait3A_26 = arith.constant 0 : i32
        %dma_wait3A_27 = arith.constant 0 : i32
        %dma_wait3A_28 = tpu.memref_slice %arg2[%dma_wait3A_26, %dma_wait3A_27] : memref<7680x128xf32, #tpu.memory_space<hbm>> -> memref<7680x128xf32, #tpu.memory_space<hbm>>
        tpu.wait_indirect_dma semaphore(%arg13 : memref<!tpu.dma_semaphore, #tpu.memory_space<semaphore_mem>>) src(%dma_wait3A_28 : memref<7680x128xf32, #tpu.memory_space<hbm>>) dst(%arg10 : memref<128x128xf32, #tpu.memory_space<vmem>>)
        %add3A_29 = arith.constant 1 : i32
        %add3A_30 = arith.addi %add3A_23, %add3A_29 : i32
        %lt3A = arith.constant 60 : i32
        %lt3A_31 = arith.cmpi slt, %add3A_30, %lt3A : i32
        %convert_element_type3A_32 = arith.extui %lt3A_31 : i1 to i32
        %cond3A_33 = arith.constant 0 : i32
        %cond3A_34 = arith.cmpi ne, %convert_element_type3A_32, %cond3A_33 : i32
        scf.if %cond3A_34 {
          %add3A_52 = arith.constant 1 : i32
          %add3A_53 = arith.addi %add3A_23, %add3A_52 : i32
          %dma_start3A_54 = arith.constant 0 : i32
          %dma_start3A_55 = tpu.memref_slice %arg8[%add3A_53, %dma_start3A_54] : memref<60x128xi32, #tpu.memory_space<vmem>> -> memref<1x128xi32, #tpu.memory_space<vmem>>
          %dma_start3A_56 = tpu.memref_squeeze %dma_start3A_55 : memref<1x128xi32, #tpu.memory_space<vmem>> -> memref<128xi32, #tpu.memory_space<vmem>>
          %dma_start3A_57 = arith.constant 0 : i32
          %dma_start3A_58 = arith.constant 0 : i32
          %dma_start3A_59 = tpu.memref_slice %arg2[%dma_start3A_57, %dma_start3A_58] : memref<7680x128xf32, #tpu.memory_space<hbm>> -> memref<7680x128xf32, #tpu.memory_space<hbm>>
          tpu.enqueue_indirect_dma source(%dma_start3A_59 : memref<7680x128xf32, #tpu.memory_space<hbm>>) target(%arg11 : memref<128x128xf32, #tpu.memory_space<vmem>>) offsets(%dma_start3A_56 : memref<128xi32, #tpu.memory_space<vmem>>) semaphore(%arg14 : memref<!tpu.dma_semaphore, #tpu.memory_space<semaphore_mem>>)
        } else {
        }
        "tpu.region"() ({
          %run_scoped3A = tpu.sem_alloc : memref<!tpu.dma_semaphore, #tpu.memory_space<semaphore_mem>>
          %dma_start3A_52 = arith.constant 0 : i32
          %dma_start3A_53 = tpu.memref_slice %arg9[%add3A_23, %dma_start3A_52] : memref<60x128xi32, #tpu.memory_space<vmem>> -> memref<1x128xi32, #tpu.memory_space<vmem>>
          %dma_start3A_54 = tpu.memref_squeeze %dma_start3A_53 : memref<1x128xi32, #tpu.memory_space<vmem>> -> memref<128xi32, #tpu.memory_space<vmem>>
          %dma_start3A_55 = arith.constant 0 : i32
          %dma_start3A_56 = arith.constant 0 : i32
          %dma_start3A_57 = tpu.memref_slice %arg12[%dma_start3A_55, %dma_start3A_56] : memref<7680x128xf32, #tpu.memory_space<vmem_shared>> -> memref<7680x128xf32, #tpu.memory_space<vmem_shared>>
          tpu.enqueue_indirect_dma source(%arg10 : memref<128x128xf32, #tpu.memory_space<vmem>>) target(%dma_start3A_57 : memref<7680x128xf32, #tpu.memory_space<vmem_shared>>) offsets(%dma_start3A_54 : memref<128xi32, #tpu.memory_space<vmem>>) semaphore(%run_scoped3A : memref<!tpu.dma_semaphore, #tpu.memory_space<semaphore_mem>>) {add = true}
          %dma_wait3A_58 = arith.constant 0 : i32
          %dma_wait3A_59 = tpu.memref_slice %arg9[%add3A_23, %dma_wait3A_58] : memref<60x128xi32, #tpu.memory_space<vmem>> -> memref<1x128xi32, #tpu.memory_space<vmem>>
          %dma_wait3A_60 = tpu.memref_squeeze %dma_wait3A_59 : memref<1x128xi32, #tpu.memory_space<vmem>> -> memref<128xi32, #tpu.memory_space<vmem>>
          %dma_wait3A_61 = arith.constant 0 : i32
          %dma_wait3A_62 = arith.constant 0 : i32
          %dma_wait3A_63 = tpu.memref_slice %arg12[%dma_wait3A_61, %dma_wait3A_62] : memref<7680x128xf32, #tpu.memory_space<vmem_shared>> -> memref<7680x128xf32, #tpu.memory_space<vmem_shared>>
          tpu.wait_indirect_dma semaphore(%run_scoped3A : memref<!tpu.dma_semaphore, #tpu.memory_space<semaphore_mem>>) src(%arg10 : memref<128x128xf32, #tpu.memory_space<vmem>>) dst(%dma_wait3A_63 : memref<7680x128xf32, #tpu.memory_space<vmem_shared>>)
          tpu.yield
        }) : () -> ()
        %mul3A_35 = arith.constant 2 : i32
        %mul3A_36 = arith.muli %scan3A_20, %mul3A_35 : i32
        %add3A_37 = arith.constant 1 : i32
        %add3A_38 = arith.addi %mul3A_36, %add3A_37 : i32
        %dma_wait3A_39 = arith.constant 0 : i32
        %dma_wait3A_40 = tpu.memref_slice %arg8[%add3A_38, %dma_wait3A_39] : memref<60x128xi32, #tpu.memory_space<vmem>> -> memref<1x128xi32, #tpu.memory_space<vmem>>
        %dma_wait3A_41 = tpu.memref_squeeze %dma_wait3A_40 : memref<1x128xi32, #tpu.memory_space<vmem>> -> memref<128xi32, #tpu.memory_space<vmem>>
        %dma_wait3A_42 = arith.constant 0 : i32
        %dma_wait3A_43 = arith.constant 0 : i32
        %dma_wait3A_44 = tpu.memref_slice %arg2[%dma_wait3A_42, %dma_wait3A_43] : memref<7680x128xf32, #tpu.memory_space<hbm>> -> memref<7680x128xf32, #tpu.memory_space<hbm>>
        tpu.wait_indirect_dma semaphore(%arg14 : memref<!tpu.dma_semaphore, #tpu.memory_space<semaphore_mem>>) src(%dma_wait3A_44 : memref<7680x128xf32, #tpu.memory_space<hbm>>) dst(%arg11 : memref<128x128xf32, #tpu.memory_space<vmem>>)
        %add3A_45 = arith.constant 1 : i32
        %add3A_46 = arith.addi %add3A_38, %add3A_45 : i32
        %lt3A_47 = arith.constant 60 : i32
        %lt3A_48 = arith.cmpi slt, %add3A_46, %lt3A_47 : i32
        %convert_element_type3A_49 = arith.extui %lt3A_48 : i1 to i32
        %cond3A_50 = arith.constant 0 : i32
        %cond3A_51 = arith.cmpi ne, %convert_element_type3A_49, %cond3A_50 : i32
        scf.if %cond3A_51 {
          %add3A_52 = arith.constant 1 : i32
          %add3A_53 = arith.addi %add3A_38, %add3A_52 : i32
          %dma_start3A_54 = arith.constant 0 : i32
          %dma_start3A_55 = tpu.memref_slice %arg8[%add3A_53, %dma_start3A_54] : memref<60x128xi32, #tpu.memory_space<vmem>> -> memref<1x128xi32, #tpu.memory_space<vmem>>
          %dma_start3A_56 = tpu.memref_squeeze %dma_start3A_55 : memref<1x128xi32, #tpu.memory_space<vmem>> -> memref<128xi32, #tpu.memory_space<vmem>>
          %dma_start3A_57 = arith.constant 0 : i32
          %dma_start3A_58 = arith.constant 0 : i32
          %dma_start3A_59 = tpu.memref_slice %arg2[%dma_start3A_57, %dma_start3A_58] : memref<7680x128xf32, #tpu.memory_space<hbm>> -> memref<7680x128xf32, #tpu.memory_space<hbm>>
          tpu.enqueue_indirect_dma source(%dma_start3A_59 : memref<7680x128xf32, #tpu.memory_space<hbm>>) target(%arg10 : memref<128x128xf32, #tpu.memory_space<vmem>>) offsets(%dma_start3A_56 : memref<128xi32, #tpu.memory_space<vmem>>) semaphore(%arg13 : memref<!tpu.dma_semaphore, #tpu.memory_space<semaphore_mem>>)
        } else {
        }
        "tpu.region"() ({
          %run_scoped3A = tpu.sem_alloc : memref<!tpu.dma_semaphore, #tpu.memory_space<semaphore_mem>>
          %dma_start3A_52 = arith.constant 0 : i32
          %dma_start3A_53 = tpu.memref_slice %arg9[%add3A_38, %dma_start3A_52] : memref<60x128xi32, #tpu.memory_space<vmem>> -> memref<1x128xi32, #tpu.memory_space<vmem>>
          %dma_start3A_54 = tpu.memref_squeeze %dma_start3A_53 : memref<1x128xi32, #tpu.memory_space<vmem>> -> memref<128xi32, #tpu.memory_space<vmem>>
          %dma_start3A_55 = arith.constant 0 : i32
          %dma_start3A_56 = arith.constant 0 : i32
          %dma_start3A_57 = tpu.memref_slice %arg12[%dma_start3A_55, %dma_start3A_56] : memref<7680x128xf32, #tpu.memory_space<vmem_shared>> -> memref<7680x128xf32, #tpu.memory_space<vmem_shared>>
          tpu.enqueue_indirect_dma source(%arg11 : memref<128x128xf32, #tpu.memory_space<vmem>>) target(%dma_start3A_57 : memref<7680x128xf32, #tpu.memory_space<vmem_shared>>) offsets(%dma_start3A_54 : memref<128xi32, #tpu.memory_space<vmem>>) semaphore(%run_scoped3A : memref<!tpu.dma_semaphore, #tpu.memory_space<semaphore_mem>>) {add = true}
          %dma_wait3A_58 = arith.constant 0 : i32
          %dma_wait3A_59 = tpu.memref_slice %arg9[%add3A_38, %dma_wait3A_58] : memref<60x128xi32, #tpu.memory_space<vmem>> -> memref<1x128xi32, #tpu.memory_space<vmem>>
          %dma_wait3A_60 = tpu.memref_squeeze %dma_wait3A_59 : memref<1x128xi32, #tpu.memory_space<vmem>> -> memref<128xi32, #tpu.memory_space<vmem>>
          %dma_wait3A_61 = arith.constant 0 : i32
          %dma_wait3A_62 = arith.constant 0 : i32
          %dma_wait3A_63 = tpu.memref_slice %arg12[%dma_wait3A_61, %dma_wait3A_62] : memref<7680x128xf32, #tpu.memory_space<vmem_shared>> -> memref<7680x128xf32, #tpu.memory_space<vmem_shared>>
          tpu.wait_indirect_dma semaphore(%run_scoped3A : memref<!tpu.dma_semaphore, #tpu.memory_space<semaphore_mem>>) src(%arg11 : memref<128x128xf32, #tpu.memory_space<vmem>>) dst(%dma_wait3A_63 : memref<7680x128xf32, #tpu.memory_space<vmem_shared>>)
          tpu.yield
        }) : () -> ()
      }
      %scan3A_18 = arith.constant 30 : i32
      %barrier3A_19 = arith.constant 0 : index
      tpu.barrier barrier_id(%barrier3A_19)
      "tpu.region"() ({
        %run_scoped3A = tpu.sem_alloc : memref<!tpu.dma_semaphore, #tpu.memory_space<semaphore_mem>>
        %dma_start3A_20 = arith.constant 0 : i32
        %dma_start3A_21 = tpu.memref_slice %arg6[%mul3A_0, %dma_start3A_20] : memref<7680x128xf32, #tpu.memory_space<hbm>> -> memref<480x128xf32, #tpu.memory_space<hbm>>
        %dma_start3A_22 = arith.constant 0 : i32
        %dma_start3A_23 = tpu.memref_slice %arg12[%mul3A_0, %dma_start3A_22] : memref<7680x128xf32, #tpu.memory_space<vmem_shared>> -> memref<480x128xf32, #tpu.memory_space<vmem_shared>>
        tpu.enqueue_dma source(%dma_start3A_23 : memref<480x128xf32, #tpu.memory_space<vmem_shared>>) target(%dma_start3A_21 : memref<480x128xf32, #tpu.memory_space<hbm>>) target_semaphore(%run_scoped3A : memref<!tpu.dma_semaphore, #tpu.memory_space<semaphore_mem>>)
        %dma_wait3A = arith.constant 0 : i32
        %dma_wait3A_24 = tpu.memref_slice %arg6[%mul3A_0, %dma_wait3A] : memref<7680x128xf32, #tpu.memory_space<hbm>> -> memref<480x128xf32, #tpu.memory_space<hbm>>
        %dma_wait3A_25 = arith.constant 0 : i32
        %dma_wait3A_26 = tpu.memref_slice %arg12[%mul3A_0, %dma_wait3A_25] : memref<7680x128xf32, #tpu.memory_space<vmem_shared>> -> memref<480x128xf32, #tpu.memory_space<vmem_shared>>
        tpu.wait_dma2 semaphore(%run_scoped3A : memref<!tpu.dma_semaphore, #tpu.memory_space<semaphore_mem>>) src(%dma_wait3A_26 : memref<480x128xf32, #tpu.memory_space<vmem_shared>>) dst(%dma_wait3A_24 : memref<480x128xf32, #tpu.memory_space<hbm>>)
        tpu.yield
      }) : () -> ()
    } else {
    }
    %eq3A_3 = arith.constant 1 : i32
    %eq3A_4 = arith.cmpi eq, %arg0, %eq3A_3 : i32
    %convert_element_type3A_5 = arith.extui %eq3A_4 : i1 to i32
    %cond3A_6 = arith.constant 0 : i32
    %cond3A_7 = arith.cmpi ne, %convert_element_type3A_5, %cond3A_6 : i32
    scf.if %cond3A_7 {
      "tpu.region"() ({
        %run_scoped3A = tpu.sem_alloc : memref<!tpu.dma_semaphore, #tpu.memory_space<semaphore_mem>>
        %dma_start3A_20 = arith.constant 0 : i32
        %dma_start3A_21 = arith.constant 0 : i32
        %dma_start3A_22 = tpu.memref_slice %arg4[%arg1, %dma_start3A_20, %dma_start3A_21] : memref<16x60x128xi32, #tpu.memory_space<hbm>> -> memref<1x60x128xi32, #tpu.memory_space<hbm>>
        %dma_start3A_23 = tpu.memref_squeeze %dma_start3A_22 : memref<1x60x128xi32, #tpu.memory_space<hbm>> -> memref<60x128xi32, #tpu.memory_space<hbm>>
        %dma_start3A_24 = arith.constant 0 : i32
        %dma_start3A_25 = arith.constant 0 : i32
        %dma_start3A_26 = tpu.memref_slice %arg4[%arg1, %dma_start3A_24, %dma_start3A_25] : memref<16x60x128xi32, #tpu.memory_space<hbm>> -> memref<1x60x128xi32, #tpu.memory_space<hbm>>
        %dma_start3A_27 = tpu.memref_squeeze %dma_start3A_26 : memref<1x60x128xi32, #tpu.memory_space<hbm>> -> memref<60x128xi32, #tpu.memory_space<hbm>>
        tpu.enqueue_dma source(%dma_start3A_27 : memref<60x128xi32, #tpu.memory_space<hbm>>) target(%arg8 : memref<60x128xi32, #tpu.memory_space<vmem>>) target_semaphore(%run_scoped3A : memref<!tpu.dma_semaphore, #tpu.memory_space<semaphore_mem>>)
        %dma_wait3A = arith.constant 0 : i32
        %dma_wait3A_28 = arith.constant 0 : i32
        %dma_wait3A_29 = tpu.memref_slice %arg4[%arg1, %dma_wait3A, %dma_wait3A_28] : memref<16x60x128xi32, #tpu.memory_space<hbm>> -> memref<1x60x128xi32, #tpu.memory_space<hbm>>
        %dma_wait3A_30 = tpu.memref_squeeze %dma_wait3A_29 : memref<1x60x128xi32, #tpu.memory_space<hbm>> -> memref<60x128xi32, #tpu.memory_space<hbm>>
        %dma_wait3A_31 = arith.constant 0 : i32
        %dma_wait3A_32 = arith.constant 0 : i32
        %dma_wait3A_33 = tpu.memref_slice %arg4[%arg1, %dma_wait3A_31, %dma_wait3A_32] : memref<16x60x128xi32, #tpu.memory_space<hbm>> -> memref<1x60x128xi32, #tpu.memory_space<hbm>>
        %dma_wait3A_34 = tpu.memref_squeeze %dma_wait3A_33 : memref<1x60x128xi32, #tpu.memory_space<hbm>> -> memref<60x128xi32, #tpu.memory_space<hbm>>
        tpu.wait_dma2 semaphore(%run_scoped3A : memref<!tpu.dma_semaphore, #tpu.memory_space<semaphore_mem>>) src(%dma_wait3A_34 : memref<60x128xi32, #tpu.memory_space<hbm>>) dst(%arg8 : memref<60x128xi32, #tpu.memory_space<vmem>>)
        tpu.yield
      }) : () -> ()
      "tpu.region"() ({
        %run_scoped3A = tpu.sem_alloc : memref<!tpu.dma_semaphore, #tpu.memory_space<semaphore_mem>>
        %dma_start3A_20 = arith.constant 0 : i32
        %dma_start3A_21 = arith.constant 0 : i32
        %dma_start3A_22 = tpu.memref_slice %arg3[%arg1, %dma_start3A_20, %dma_start3A_21] : memref<16x60x128xi32, #tpu.memory_space<hbm>> -> memref<1x60x128xi32, #tpu.memory_space<hbm>>
        %dma_start3A_23 = tpu.memref_squeeze %dma_start3A_22 : memref<1x60x128xi32, #tpu.memory_space<hbm>> -> memref<60x128xi32, #tpu.memory_space<hbm>>
        %dma_start3A_24 = arith.constant 0 : i32
        %dma_start3A_25 = arith.constant 0 : i32
        %dma_start3A_26 = tpu.memref_slice %arg3[%arg1, %dma_start3A_24, %dma_start3A_25] : memref<16x60x128xi32, #tpu.memory_space<hbm>> -> memref<1x60x128xi32, #tpu.memory_space<hbm>>
        %dma_start3A_27 = tpu.memref_squeeze %dma_start3A_26 : memref<1x60x128xi32, #tpu.memory_space<hbm>> -> memref<60x128xi32, #tpu.memory_space<hbm>>
        tpu.enqueue_dma source(%dma_start3A_27 : memref<60x128xi32, #tpu.memory_space<hbm>>) target(%arg9 : memref<60x128xi32, #tpu.memory_space<vmem>>) target_semaphore(%run_scoped3A : memref<!tpu.dma_semaphore, #tpu.memory_space<semaphore_mem>>)
        %dma_wait3A = arith.constant 0 : i32
        %dma_wait3A_28 = arith.constant 0 : i32
        %dma_wait3A_29 = tpu.memref_slice %arg3[%arg1, %dma_wait3A, %dma_wait3A_28] : memref<16x60x128xi32, #tpu.memory_space<hbm>> -> memref<1x60x128xi32, #tpu.memory_space<hbm>>
        %dma_wait3A_30 = tpu.memref_squeeze %dma_wait3A_29 : memref<1x60x128xi32, #tpu.memory_space<hbm>> -> memref<60x128xi32, #tpu.memory_space<hbm>>
        %dma_wait3A_31 = arith.constant 0 : i32
        %dma_wait3A_32 = arith.constant 0 : i32
        %dma_wait3A_33 = tpu.memref_slice %arg3[%arg1, %dma_wait3A_31, %dma_wait3A_32] : memref<16x60x128xi32, #tpu.memory_space<hbm>> -> memref<1x60x128xi32, #tpu.memory_space<hbm>>
        %dma_wait3A_34 = tpu.memref_squeeze %dma_wait3A_33 : memref<1x60x128xi32, #tpu.memory_space<hbm>> -> memref<60x128xi32, #tpu.memory_space<hbm>>
        tpu.wait_dma2 semaphore(%run_scoped3A : memref<!tpu.dma_semaphore, #tpu.memory_space<semaphore_mem>>) src(%dma_wait3A_34 : memref<60x128xi32, #tpu.memory_space<hbm>>) dst(%arg9 : memref<60x128xi32, #tpu.memory_space<vmem>>)
        tpu.yield
      }) : () -> ()
      %dma_start3A = arith.constant 0 : i32
      %dma_start3A_8 = arith.constant 0 : i32
      %dma_start3A_9 = tpu.memref_slice %arg8[%dma_start3A, %dma_start3A_8] : memref<60x128xi32, #tpu.memory_space<vmem>> -> memref<1x128xi32, #tpu.memory_space<vmem>>
      %dma_start3A_10 = tpu.memref_squeeze %dma_start3A_9 : memref<1x128xi32, #tpu.memory_space<vmem>> -> memref<128xi32, #tpu.memory_space<vmem>>
      %dma_start3A_11 = arith.constant 0 : i32
      %dma_start3A_12 = arith.constant 0 : i32
      %dma_start3A_13 = tpu.memref_slice %arg2[%dma_start3A_11, %dma_start3A_12] : memref<7680x128xf32, #tpu.memory_space<hbm>> -> memref<7680x128xf32, #tpu.memory_space<hbm>>
      tpu.enqueue_indirect_dma source(%dma_start3A_13 : memref<7680x128xf32, #tpu.memory_space<hbm>>) target(%arg10 : memref<128x128xf32, #tpu.memory_space<vmem>>) offsets(%dma_start3A_10 : memref<128xi32, #tpu.memory_space<vmem>>) semaphore(%arg13 : memref<!tpu.dma_semaphore, #tpu.memory_space<semaphore_mem>>)
      %scan3A = arith.constant 0 : i32
      %scan3A_14 = arith.constant 0 : i32
      %scan3A_15 = arith.constant 30 : i32
      %scan3A_16 = arith.addi %scan3A_14, %scan3A_15 : i32
      %scan3A_17 = arith.constant 1 : i32
      scf.for %scan3A_20 = %scan3A_14 to %scan3A_16 step %scan3A_17  : i32 {
        %mul3A_21 = arith.constant 2 : i32
        %mul3A_22 = arith.muli %scan3A_20, %mul3A_21 : i32
        %add3A = arith.constant 0 : i32
        %add3A_23 = arith.addi %mul3A_22, %add3A : i32
        %dma_wait3A = arith.constant 0 : i32
        %dma_wait3A_24 = tpu.memref_slice %arg8[%add3A_23, %dma_wait3A] : memref<60x128xi32, #tpu.memory_space<vmem>> -> memref<1x128xi32, #tpu.memory_space<vmem>>
        %dma_wait3A_25 = tpu.memref_squeeze %dma_wait3A_24 : memref<1x128xi32, #tpu.memory_space<vmem>> -> memref<128xi32, #tpu.memory_space<vmem>>
        %dma_wait3A_26 = arith.constant 0 : i32
        %dma_wait3A_27 = arith.constant 0 : i32
        %dma_wait3A_28 = tpu.memref_slice %arg2[%dma_wait3A_26, %dma_wait3A_27] : memref<7680x128xf32, #tpu.memory_space<hbm>> -> memref<7680x128xf32, #tpu.memory_space<hbm>>
        tpu.wait_indirect_dma semaphore(%arg13 : memref<!tpu.dma_semaphore, #tpu.memory_space<semaphore_mem>>) src(%dma_wait3A_28 : memref<7680x128xf32, #tpu.memory_space<hbm>>) dst(%arg10 : memref<128x128xf32, #tpu.memory_space<vmem>>)
        %add3A_29 = arith.constant 1 : i32
        %add3A_30 = arith.addi %add3A_23, %add3A_29 : i32
        %lt3A = arith.constant 60 : i32
        %lt3A_31 = arith.cmpi slt, %add3A_30, %lt3A : i32
        %convert_element_type3A_32 = arith.extui %lt3A_31 : i1 to i32
        %cond3A_33 = arith.constant 0 : i32
        %cond3A_34 = arith.cmpi ne, %convert_element_type3A_32, %cond3A_33 : i32
        scf.if %cond3A_34 {
          %add3A_52 = arith.constant 1 : i32
          %add3A_53 = arith.addi %add3A_23, %add3A_52 : i32
          %dma_start3A_54 = arith.constant 0 : i32
          %dma_start3A_55 = tpu.memref_slice %arg8[%add3A_53, %dma_start3A_54] : memref<60x128xi32, #tpu.memory_space<vmem>> -> memref<1x128xi32, #tpu.memory_space<vmem>>
          %dma_start3A_56 = tpu.memref_squeeze %dma_start3A_55 : memref<1x128xi32, #tpu.memory_space<vmem>> -> memref<128xi32, #tpu.memory_space<vmem>>
          %dma_start3A_57 = arith.constant 0 : i32
          %dma_start3A_58 = arith.constant 0 : i32
          %dma_start3A_59 = tpu.memref_slice %arg2[%dma_start3A_57, %dma_start3A_58] : memref<7680x128xf32, #tpu.memory_space<hbm>> -> memref<7680x128xf32, #tpu.memory_space<hbm>>
          tpu.enqueue_indirect_dma source(%dma_start3A_59 : memref<7680x128xf32, #tpu.memory_space<hbm>>) target(%arg11 : memref<128x128xf32, #tpu.memory_space<vmem>>) offsets(%dma_start3A_56 : memref<128xi32, #tpu.memory_space<vmem>>) semaphore(%arg14 : memref<!tpu.dma_semaphore, #tpu.memory_space<semaphore_mem>>)
        } else {
        }
        "tpu.region"() ({
          %run_scoped3A = tpu.sem_alloc : memref<!tpu.dma_semaphore, #tpu.memory_space<semaphore_mem>>
          %dma_start3A_52 = arith.constant 0 : i32
          %dma_start3A_53 = tpu.memref_slice %arg9[%add3A_23, %dma_start3A_52] : memref<60x128xi32, #tpu.memory_space<vmem>> -> memref<1x128xi32, #tpu.memory_space<vmem>>
          %dma_start3A_54 = tpu.memref_squeeze %dma_start3A_53 : memref<1x128xi32, #tpu.memory_space<vmem>> -> memref<128xi32, #tpu.memory_space<vmem>>
          %dma_start3A_55 = arith.constant 0 : i32
          %dma_start3A_56 = arith.constant 0 : i32
          %dma_start3A_57 = tpu.memref_slice %arg12[%dma_start3A_55, %dma_start3A_56] : memref<7680x128xf32, #tpu.memory_space<vmem_shared>> -> memref<7680x128xf32, #tpu.memory_space<vmem_shared>>
          tpu.enqueue_indirect_dma source(%arg10 : memref<128x128xf32, #tpu.memory_space<vmem>>) target(%dma_start3A_57 : memref<7680x128xf32, #tpu.memory_space<vmem_shared>>) offsets(%dma_start3A_54 : memref<128xi32, #tpu.memory_space<vmem>>) semaphore(%run_scoped3A : memref<!tpu.dma_semaphore, #tpu.memory_space<semaphore_mem>>) {add = true}
          %dma_wait3A_58 = arith.constant 0 : i32
          %dma_wait3A_59 = tpu.memref_slice %arg9[%add3A_23, %dma_wait3A_58] : memref<60x128xi32, #tpu.memory_space<vmem>> -> memref<1x128xi32, #tpu.memory_space<vmem>>
          %dma_wait3A_60 = tpu.memref_squeeze %dma_wait3A_59 : memref<1x128xi32, #tpu.memory_space<vmem>> -> memref<128xi32, #tpu.memory_space<vmem>>
          %dma_wait3A_61 = arith.constant 0 : i32
          %dma_wait3A_62 = arith.constant 0 : i32
          %dma_wait3A_63 = tpu.memref_slice %arg12[%dma_wait3A_61, %dma_wait3A_62] : memref<7680x128xf32, #tpu.memory_space<vmem_shared>> -> memref<7680x128xf32, #tpu.memory_space<vmem_shared>>
          tpu.wait_indirect_dma semaphore(%run_scoped3A : memref<!tpu.dma_semaphore, #tpu.memory_space<semaphore_mem>>) src(%arg10 : memref<128x128xf32, #tpu.memory_space<vmem>>) dst(%dma_wait3A_63 : memref<7680x128xf32, #tpu.memory_space<vmem_shared>>)
          tpu.yield
        }) : () -> ()
        %mul3A_35 = arith.constant 2 : i32
        %mul3A_36 = arith.muli %scan3A_20, %mul3A_35 : i32
        %add3A_37 = arith.constant 1 : i32
        %add3A_38 = arith.addi %mul3A_36, %add3A_37 : i32
        %dma_wait3A_39 = arith.constant 0 : i32
        %dma_wait3A_40 = tpu.memref_slice %arg8[%add3A_38, %dma_wait3A_39] : memref<60x128xi32, #tpu.memory_space<vmem>> -> memref<1x128xi32, #tpu.memory_space<vmem>>
        %dma_wait3A_41 = tpu.memref_squeeze %dma_wait3A_40 : memref<1x128xi32, #tpu.memory_space<vmem>> -> memref<128xi32, #tpu.memory_space<vmem>>
        %dma_wait3A_42 = arith.constant 0 : i32
        %dma_wait3A_43 = arith.constant 0 : i32
        %dma_wait3A_44 = tpu.memref_slice %arg2[%dma_wait3A_42, %dma_wait3A_43] : memref<7680x128xf32, #tpu.memory_space<hbm>> -> memref<7680x128xf32, #tpu.memory_space<hbm>>
        tpu.wait_indirect_dma semaphore(%arg14 : memref<!tpu.dma_semaphore, #tpu.memory_space<semaphore_mem>>) src(%dma_wait3A_44 : memref<7680x128xf32, #tpu.memory_space<hbm>>) dst(%arg11 : memref<128x128xf32, #tpu.memory_space<vmem>>)
        %add3A_45 = arith.constant 1 : i32
        %add3A_46 = arith.addi %add3A_38, %add3A_45 : i32
        %lt3A_47 = arith.constant 60 : i32
        %lt3A_48 = arith.cmpi slt, %add3A_46, %lt3A_47 : i32
        %convert_element_type3A_49 = arith.extui %lt3A_48 : i1 to i32
        %cond3A_50 = arith.constant 0 : i32
        %cond3A_51 = arith.cmpi ne, %convert_element_type3A_49, %cond3A_50 : i32
        scf.if %cond3A_51 {
          %add3A_52 = arith.constant 1 : i32
          %add3A_53 = arith.addi %add3A_38, %add3A_52 : i32
          %dma_start3A_54 = arith.constant 0 : i32
          %dma_start3A_55 = tpu.memref_slice %arg8[%add3A_53, %dma_start3A_54] : memref<60x128xi32, #tpu.memory_space<vmem>> -> memref<1x128xi32, #tpu.memory_space<vmem>>
          %dma_start3A_56 = tpu.memref_squeeze %dma_start3A_55 : memref<1x128xi32, #tpu.memory_space<vmem>> -> memref<128xi32, #tpu.memory_space<vmem>>
          %dma_start3A_57 = arith.constant 0 : i32
          %dma_start3A_58 = arith.constant 0 : i32
          %dma_start3A_59 = tpu.memref_slice %arg2[%dma_start3A_57, %dma_start3A_58] : memref<7680x128xf32, #tpu.memory_space<hbm>> -> memref<7680x128xf32, #tpu.memory_space<hbm>>
          tpu.enqueue_indirect_dma source(%dma_start3A_59 : memref<7680x128xf32, #tpu.memory_space<hbm>>) target(%arg10 : memref<128x128xf32, #tpu.memory_space<vmem>>) offsets(%dma_start3A_56 : memref<128xi32, #tpu.memory_space<vmem>>) semaphore(%arg13 : memref<!tpu.dma_semaphore, #tpu.memory_space<semaphore_mem>>)
        } else {
        }
        "tpu.region"() ({
          %run_scoped3A = tpu.sem_alloc : memref<!tpu.dma_semaphore, #tpu.memory_space<semaphore_mem>>
          %dma_start3A_52 = arith.constant 0 : i32
          %dma_start3A_53 = tpu.memref_slice %arg9[%add3A_38, %dma_start3A_52] : memref<60x128xi32, #tpu.memory_space<vmem>> -> memref<1x128xi32, #tpu.memory_space<vmem>>
          %dma_start3A_54 = tpu.memref_squeeze %dma_start3A_53 : memref<1x128xi32, #tpu.memory_space<vmem>> -> memref<128xi32, #tpu.memory_space<vmem>>
          %dma_start3A_55 = arith.constant 0 : i32
          %dma_start3A_56 = arith.constant 0 : i32
          %dma_start3A_57 = tpu.memref_slice %arg12[%dma_start3A_55, %dma_start3A_56] : memref<7680x128xf32, #tpu.memory_space<vmem_shared>> -> memref<7680x128xf32, #tpu.memory_space<vmem_shared>>
          tpu.enqueue_indirect_dma source(%arg11 : memref<128x128xf32, #tpu.memory_space<vmem>>) target(%dma_start3A_57 : memref<7680x128xf32, #tpu.memory_space<vmem_shared>>) offsets(%dma_start3A_54 : memref<128xi32, #tpu.memory_space<vmem>>) semaphore(%run_scoped3A : memref<!tpu.dma_semaphore, #tpu.memory_space<semaphore_mem>>) {add = true}
          %dma_wait3A_58 = arith.constant 0 : i32
          %dma_wait3A_59 = tpu.memref_slice %arg9[%add3A_38, %dma_wait3A_58] : memref<60x128xi32, #tpu.memory_space<vmem>> -> memref<1x128xi32, #tpu.memory_space<vmem>>
          %dma_wait3A_60 = tpu.memref_squeeze %dma_wait3A_59 : memref<1x128xi32, #tpu.memory_space<vmem>> -> memref<128xi32, #tpu.memory_space<vmem>>
          %dma_wait3A_61 = arith.constant 0 : i32
          %dma_wait3A_62 = arith.constant 0 : i32
          %dma_wait3A_63 = tpu.memref_slice %arg12[%dma_wait3A_61, %dma_wait3A_62] : memref<7680x128xf32, #tpu.memory_space<vmem_shared>> -> memref<7680x128xf32, #tpu.memory_space<vmem_shared>>
          tpu.wait_indirect_dma semaphore(%run_scoped3A : memref<!tpu.dma_semaphore, #tpu.memory_space<semaphore_mem>>) src(%arg11 : memref<128x128xf32, #tpu.memory_space<vmem>>) dst(%dma_wait3A_63 : memref<7680x128xf32, #tpu.memory_space<vmem_shared>>)
          tpu.yield
        }) : () -> ()
      }
      %scan3A_18 = arith.constant 30 : i32
      %barrier3A_19 = arith.constant 0 : index
      tpu.barrier barrier_id(%barrier3A_19)
      "tpu.region"() ({
        %run_scoped3A = tpu.sem_alloc : memref<!tpu.dma_semaphore, #tpu.memory_space<semaphore_mem>>
        %dma_start3A_20 = arith.constant 0 : i32
        %dma_start3A_21 = tpu.memref_slice %arg7[%mul3A_0, %dma_start3A_20] : memref<7680x128xf32, #tpu.memory_space<hbm>> -> memref<480x128xf32, #tpu.memory_space<hbm>>
        %dma_start3A_22 = arith.constant 0 : i32
        %dma_start3A_23 = tpu.memref_slice %arg12[%mul3A_0, %dma_start3A_22] : memref<7680x128xf32, #tpu.memory_space<vmem_shared>> -> memref<480x128xf32, #tpu.memory_space<vmem_shared>>
        tpu.enqueue_dma source(%dma_start3A_23 : memref<480x128xf32, #tpu.memory_space<vmem_shared>>) target(%dma_start3A_21 : memref<480x128xf32, #tpu.memory_space<hbm>>) target_semaphore(%run_scoped3A : memref<!tpu.dma_semaphore, #tpu.memory_space<semaphore_mem>>)
        %dma_wait3A = arith.constant 0 : i32
        %dma_wait3A_24 = tpu.memref_slice %arg7[%mul3A_0, %dma_wait3A] : memref<7680x128xf32, #tpu.memory_space<hbm>> -> memref<480x128xf32, #tpu.memory_space<hbm>>
        %dma_wait3A_25 = arith.constant 0 : i32
        %dma_wait3A_26 = tpu.memref_slice %arg12[%mul3A_0, %dma_wait3A_25] : memref<7680x128xf32, #tpu.memory_space<vmem_shared>> -> memref<480x128xf32, #tpu.memory_space<vmem_shared>>
        tpu.wait_dma2 semaphore(%run_scoped3A : memref<!tpu.dma_semaphore, #tpu.memory_space<semaphore_mem>>) src(%dma_wait3A_26 : memref<480x128xf32, #tpu.memory_space<vmem_shared>>) dst(%dma_wait3A_24 : memref<480x128xf32, #tpu.memory_space<hbm>>)
        tpu.yield
      }) : () -> ()
    } else {
    }
    return
  }
}

#map = affine_map<(d0, d1) -> (0, 0)>
#map1 = affine_map<(d0, d1) -> (0, 0, 0)>
module attributes {stable_mosaic.version = 14 : i64} {
  func.func @_spmm(%arg0: i32, %arg1: i32, %arg2: memref<7680x128xf32, #tpu.memory_space<hbm>>, %arg3: memref<16x60x128xi32, #tpu.memory_space<hbm>>, %arg4: memref<16x60x128xi32, #tpu.memory_space<hbm>>, %arg5: memref<7680x128xf32, #tpu.memory_space<hbm>>, %arg6: memref<7680x128xf32, #tpu.memory_space<hbm>>, %arg7: memref<7680x128xf32, #tpu.memory_space<hbm>>, %arg8: memref<60x128xi32, #tpu.memory_space<vmem>>, %arg9: memref<60x128xi32, #tpu.memory_space<vmem>>, %arg10: memref<128x128xf32, #tpu.memory_space<vmem>>, %arg11: memref<128x128xf32, #tpu.memory_space<vmem>>, %arg12: memref<7680x128xf32, #tpu.memory_space<vmem_shared>>, %arg13: memref<!tpu.dma_semaphore, #tpu.memory_space<semaphore_mem>>, %arg14: memref<!tpu.dma_semaphore, #tpu.memory_space<semaphore_mem>>) attributes {dimension_semantics = [#tpu.dimension_semantics<core_parallel>, #tpu.dimension_semantics<subcore_parallel>], iteration_bounds = array<i64: 2, 16>, scalar_prefetch = 0 : i64, scratch_operands = 7 : i64, tpu.core_type = #tpu.core_type<sc_vector_subcore>, window_params = [{transform_indices = #map}, {transform_indices = #map1}, {transform_indices = #map1}, {transform_indices = #map}, {transform_indices = #map}, {transform_indices = #map}]} {
    %mul3A = arith.constant 480 : i32
    %mul3A_0 = arith.muli %arg1, %mul3A : i32
    "tpu.region"() ({
      %run_scoped3A = tpu.sem_alloc : memref<!tpu.dma_semaphore, #tpu.memory_space<semaphore_mem>>
      %dma_start3A = arith.constant 0 : i32
      %dma_start3A_8 = tpu.memref_slice %arg12[%mul3A_0, %dma_start3A] : memref<7680x128xf32, #tpu.memory_space<vmem_shared>> -> memref<480x128xf32, #tpu.memory_space<vmem_shared>>
      %dma_start3A_9 = arith.constant 0 : i32
      %dma_start3A_10 = tpu.memref_slice %arg5[%mul3A_0, %dma_start3A_9] : memref<7680x128xf32, #tpu.memory_space<hbm>> -> memref<480x128xf32, #tpu.memory_space<hbm>>
      tpu.enqueue_dma source(%dma_start3A_10 : memref<480x128xf32, #tpu.memory_space<hbm>>) target(%dma_start3A_8 : memref<480x128xf32, #tpu.memory_space<vmem_shared>>) target_semaphore(%run_scoped3A : memref<!tpu.dma_semaphore, #tpu.memory_space<semaphore_mem>>)
      %dma_wait3A = arith.constant 0 : i32
      %dma_wait3A_11 = tpu.memref_slice %arg12[%mul3A_0, %dma_wait3A] : memref<7680x128xf32, #tpu.memory_space<vmem_shared>> -> memref<480x128xf32, #tpu.memory_space<vmem_shared>>
      %dma_wait3A_12 = arith.constant 0 : i32
      %dma_wait3A_13 = tpu.memref_slice %arg5[%mul3A_0, %dma_wait3A_12] : memref<7680x128xf32, #tpu.memory_space<hbm>> -> memref<480x128xf32, #tpu.memory_space<hbm>>
      tpu.wait_dma2 semaphore(%run_scoped3A : memref<!tpu.dma_semaphore, #tpu.memory_space<semaphore_mem>>) src(%dma_wait3A_13 : memref<480x128xf32, #tpu.memory_space<hbm>>) dst(%dma_wait3A_11 : memref<480x128xf32, #tpu.memory_space<vmem_shared>>)
      tpu.yield
    }) : () -> ()
    %barrier3A = arith.constant 0 : index
    tpu.barrier barrier_id(%barrier3A)
    %eq3A = arith.constant 0 : i32
    %eq3A_1 = arith.cmpi eq, %arg0, %eq3A : i32
    %convert_element_type3A = arith.extui %eq3A_1 : i1 to i32
    %cond3A = arith.constant 0 : i32
    %cond3A_2 = arith.cmpi ne, %convert_element_type3A, %cond3A : i32
    scf.if %cond3A_2 {
      "tpu.region"() ({
        %run_scoped3A = tpu.sem_alloc : memref<!tpu.dma_semaphore, #tpu.memory_space<semaphore_mem>>
        %dma_start3A_20 = arith.constant 0 : i32
        %dma_start3A_21 = arith.constant 0 : i32
        %dma_start3A_22 = tpu.memref_slice %arg3[%arg1, %dma_start3A_20, %dma_start3A_21] : memref<16x60x128xi32, #tpu.memory_space<hbm>> -> memref<1x60x128xi32, #tpu.memory_space<hbm>>
        %dma_start3A_23 = tpu.memref_squeeze %dma_start3A_22 : memref<1x60x128xi32, #tpu.memory_space<hbm>> -> memref<60x128xi32, #tpu.memory_space<hbm>>
        %dma_start3A_24 = arith.constant 0 : i32
        %dma_start3A_25 = arith.constant 0 : i32
        %dma_start3A_26 = tpu.memref_slice %arg3[%arg1, %dma_start3A_24, %dma_start3A_25] : memref<16x60x128xi32, #tpu.memory_space<hbm>> -> memref<1x60x128xi32, #tpu.memory_space<hbm>>
        %dma_start3A_27 = tpu.memref_squeeze %dma_start3A_26 : memref<1x60x128xi32, #tpu.memory_space<hbm>> -> memref<60x128xi32, #tpu.memory_space<hbm>>
        tpu.enqueue_dma source(%dma_start3A_27 : memref<60x128xi32, #tpu.memory_space<hbm>>) target(%arg8 : memref<60x128xi32, #tpu.memory_space<vmem>>) target_semaphore(%run_scoped3A : memref<!tpu.dma_semaphore, #tpu.memory_space<semaphore_mem>>)
        %dma_wait3A = arith.constant 0 : i32
        %dma_wait3A_28 = arith.constant 0 : i32
        %dma_wait3A_29 = tpu.memref_slice %arg3[%arg1, %dma_wait3A, %dma_wait3A_28] : memref<16x60x128xi32, #tpu.memory_space<hbm>> -> memref<1x60x128xi32, #tpu.memory_space<hbm>>
        %dma_wait3A_30 = tpu.memref_squeeze %dma_wait3A_29 : memref<1x60x128xi32, #tpu.memory_space<hbm>> -> memref<60x128xi32, #tpu.memory_space<hbm>>
        %dma_wait3A_31 = arith.constant 0 : i32
        %dma_wait3A_32 = arith.constant 0 : i32
        %dma_wait3A_33 = tpu.memref_slice %arg3[%arg1, %dma_wait3A_31, %dma_wait3A_32] : memref<16x60x128xi32, #tpu.memory_space<hbm>> -> memref<1x60x128xi32, #tpu.memory_space<hbm>>
        %dma_wait3A_34 = tpu.memref_squeeze %dma_wait3A_33 : memref<1x60x128xi32, #tpu.memory_space<hbm>> -> memref<60x128xi32, #tpu.memory_space<hbm>>
        tpu.wait_dma2 semaphore(%run_scoped3A : memref<!tpu.dma_semaphore, #tpu.memory_space<semaphore_mem>>) src(%dma_wait3A_34 : memref<60x128xi32, #tpu.memory_space<hbm>>) dst(%arg8 : memref<60x128xi32, #tpu.memory_space<vmem>>)
        tpu.yield
      }) : () -> ()
      "tpu.region"() ({
        %run_scoped3A = tpu.sem_alloc : memref<!tpu.dma_semaphore, #tpu.memory_space<semaphore_mem>>
        %dma_start3A_20 = arith.constant 0 : i32
        %dma_start3A_21 = arith.constant 0 : i32
        %dma_start3A_22 = tpu.memref_slice %arg4[%arg1, %dma_start3A_20, %dma_start3A_21] : memref<16x60x128xi32, #tpu.memory_space<hbm>> -> memref<1x60x128xi32, #tpu.memory_space<hbm>>
        %dma_start3A_23 = tpu.memref_squeeze %dma_start3A_22 : memref<1x60x128xi32, #tpu.memory_space<hbm>> -> memref<60x128xi32, #tpu.memory_space<hbm>>
        %dma_start3A_24 = arith.constant 0 : i32
        %dma_start3A_25 = arith.constant 0 : i32
        %dma_start3A_26 = tpu.memref_slice %arg4[%arg1, %dma_start3A_24, %dma_start3A_25] : memref<16x60x128xi32, #tpu.memory_space<hbm>> -> memref<1x60x128xi32, #tpu.memory_space<hbm>>
        %dma_start3A_27 = tpu.memref_squeeze %dma_start3A_26 : memref<1x60x128xi32, #tpu.memory_space<hbm>> -> memref<60x128xi32, #tpu.memory_space<hbm>>
        tpu.enqueue_dma source(%dma_start3A_27 : memref<60x128xi32, #tpu.memory_space<hbm>>) target(%arg9 : memref<60x128xi32, #tpu.memory_space<vmem>>) target_semaphore(%run_scoped3A : memref<!tpu.dma_semaphore, #tpu.memory_space<semaphore_mem>>)
        %dma_wait3A = arith.constant 0 : i32
        %dma_wait3A_28 = arith.constant 0 : i32
        %dma_wait3A_29 = tpu.memref_slice %arg4[%arg1, %dma_wait3A, %dma_wait3A_28] : memref<16x60x128xi32, #tpu.memory_space<hbm>> -> memref<1x60x128xi32, #tpu.memory_space<hbm>>
        %dma_wait3A_30 = tpu.memref_squeeze %dma_wait3A_29 : memref<1x60x128xi32, #tpu.memory_space<hbm>> -> memref<60x128xi32, #tpu.memory_space<hbm>>
        %dma_wait3A_31 = arith.constant 0 : i32
        %dma_wait3A_32 = arith.constant 0 : i32
        %dma_wait3A_33 = tpu.memref_slice %arg4[%arg1, %dma_wait3A_31, %dma_wait3A_32] : memref<16x60x128xi32, #tpu.memory_space<hbm>> -> memref<1x60x128xi32, #tpu.memory_space<hbm>>
        %dma_wait3A_34 = tpu.memref_squeeze %dma_wait3A_33 : memref<1x60x128xi32, #tpu.memory_space<hbm>> -> memref<60x128xi32, #tpu.memory_space<hbm>>
        tpu.wait_dma2 semaphore(%run_scoped3A : memref<!tpu.dma_semaphore, #tpu.memory_space<semaphore_mem>>) src(%dma_wait3A_34 : memref<60x128xi32, #tpu.memory_space<hbm>>) dst(%arg9 : memref<60x128xi32, #tpu.memory_space<vmem>>)
        tpu.yield
      }) : () -> ()
      %dma_start3A = arith.constant 0 : i32
      %dma_start3A_8 = arith.constant 0 : i32
      %dma_start3A_9 = tpu.memref_slice %arg8[%dma_start3A, %dma_start3A_8] : memref<60x128xi32, #tpu.memory_space<vmem>> -> memref<1x128xi32, #tpu.memory_space<vmem>>
      %dma_start3A_10 = tpu.memref_squeeze %dma_start3A_9 : memref<1x128xi32, #tpu.memory_space<vmem>> -> memref<128xi32, #tpu.memory_space<vmem>>
      %dma_start3A_11 = arith.constant 0 : i32
      %dma_start3A_12 = arith.constant 0 : i32
      %dma_start3A_13 = tpu.memref_slice %arg2[%dma_start3A_11, %dma_start3A_12] : memref<7680x128xf32, #tpu.memory_space<hbm>> -> memref<7680x128xf32, #tpu.memory_space<hbm>>
      tpu.enqueue_indirect_dma source(%dma_start3A_13 : memref<7680x128xf32, #tpu.memory_space<hbm>>) target(%arg10 : memref<128x128xf32, #tpu.memory_space<vmem>>) offsets(%dma_start3A_10 : memref<128xi32, #tpu.memory_space<vmem>>) semaphore(%arg13 : memref<!tpu.dma_semaphore, #tpu.memory_space<semaphore_mem>>)
      %scan3A = arith.constant 0 : i32
      %scan3A_14 = arith.constant 0 : i32
      %scan3A_15 = arith.constant 30 : i32
      %scan3A_16 = arith.addi %scan3A_14, %scan3A_15 : i32
      %scan3A_17 = arith.constant 1 : i32
      scf.for %scan3A_20 = %scan3A_14 to %scan3A_16 step %scan3A_17  : i32 {
        %mul3A_21 = arith.constant 2 : i32
        %mul3A_22 = arith.muli %scan3A_20, %mul3A_21 : i32
        %add3A = arith.constant 0 : i32
        %add3A_23 = arith.addi %mul3A_22, %add3A : i32
        %dma_wait3A = arith.constant 0 : i32
        %dma_wait3A_24 = tpu.memref_slice %arg8[%add3A_23, %dma_wait3A] : memref<60x128xi32, #tpu.memory_space<vmem>> -> memref<1x128xi32, #tpu.memory_space<vmem>>
        %dma_wait3A_25 = tpu.memref_squeeze %dma_wait3A_24 : memref<1x128xi32, #tpu.memory_space<vmem>> -> memref<128xi32, #tpu.memory_space<vmem>>
        %dma_wait3A_26 = arith.constant 0 : i32
        %dma_wait3A_27 = arith.constant 0 : i32
        %dma_wait3A_28 = tpu.memref_slice %arg2[%dma_wait3A_26, %dma_wait3A_27] : memref<7680x128xf32, #tpu.memory_space<hbm>> -> memref<7680x128xf32, #tpu.memory_space<hbm>>
        tpu.wait_indirect_dma semaphore(%arg13 : memref<!tpu.dma_semaphore, #tpu.memory_space<semaphore_mem>>) src(%dma_wait3A_28 : memref<7680x128xf32, #tpu.memory_space<hbm>>) dst(%arg10 : memref<128x128xf32, #tpu.memory_space<vmem>>)
        %add3A_29 = arith.constant 1 : i32
        %add3A_30 = arith.addi %add3A_23, %add3A_29 : i32
        %lt3A = arith.constant 60 : i32
        %lt3A_31 = arith.cmpi slt, %add3A_30, %lt3A : i32
        %convert_element_type3A_32 = arith.extui %lt3A_31 : i1 to i32
        %cond3A_33 = arith.constant 0 : i32
        %cond3A_34 = arith.cmpi ne, %convert_element_type3A_32, %cond3A_33 : i32
        scf.if %cond3A_34 {
          %add3A_52 = arith.constant 1 : i32
          %add3A_53 = arith.addi %add3A_23, %add3A_52 : i32
          %dma_start3A_54 = arith.constant 0 : i32
          %dma_start3A_55 = tpu.memref_slice %arg8[%add3A_53, %dma_start3A_54] : memref<60x128xi32, #tpu.memory_space<vmem>> -> memref<1x128xi32, #tpu.memory_space<vmem>>
          %dma_start3A_56 = tpu.memref_squeeze %dma_start3A_55 : memref<1x128xi32, #tpu.memory_space<vmem>> -> memref<128xi32, #tpu.memory_space<vmem>>
          %dma_start3A_57 = arith.constant 0 : i32
          %dma_start3A_58 = arith.constant 0 : i32
          %dma_start3A_59 = tpu.memref_slice %arg2[%dma_start3A_57, %dma_start3A_58] : memref<7680x128xf32, #tpu.memory_space<hbm>> -> memref<7680x128xf32, #tpu.memory_space<hbm>>
          tpu.enqueue_indirect_dma source(%dma_start3A_59 : memref<7680x128xf32, #tpu.memory_space<hbm>>) target(%arg11 : memref<128x128xf32, #tpu.memory_space<vmem>>) offsets(%dma_start3A_56 : memref<128xi32, #tpu.memory_space<vmem>>) semaphore(%arg14 : memref<!tpu.dma_semaphore, #tpu.memory_space<semaphore_mem>>)
        } else {
        }
        "tpu.region"() ({
          %run_scoped3A = tpu.sem_alloc : memref<!tpu.dma_semaphore, #tpu.memory_space<semaphore_mem>>
          %dma_start3A_52 = arith.constant 0 : i32
          %dma_start3A_53 = tpu.memref_slice %arg9[%add3A_23, %dma_start3A_52] : memref<60x128xi32, #tpu.memory_space<vmem>> -> memref<1x128xi32, #tpu.memory_space<vmem>>
          %dma_start3A_54 = tpu.memref_squeeze %dma_start3A_53 : memref<1x128xi32, #tpu.memory_space<vmem>> -> memref<128xi32, #tpu.memory_space<vmem>>
          %dma_start3A_55 = arith.constant 0 : i32
          %dma_start3A_56 = arith.constant 0 : i32
          %dma_start3A_57 = tpu.memref_slice %arg12[%dma_start3A_55, %dma_start3A_56] : memref<7680x128xf32, #tpu.memory_space<vmem_shared>> -> memref<7680x128xf32, #tpu.memory_space<vmem_shared>>
          tpu.enqueue_indirect_dma source(%arg10 : memref<128x128xf32, #tpu.memory_space<vmem>>) target(%dma_start3A_57 : memref<7680x128xf32, #tpu.memory_space<vmem_shared>>) offsets(%dma_start3A_54 : memref<128xi32, #tpu.memory_space<vmem>>) semaphore(%run_scoped3A : memref<!tpu.dma_semaphore, #tpu.memory_space<semaphore_mem>>) {add = true}
          %dma_wait3A_58 = arith.constant 0 : i32
          %dma_wait3A_59 = tpu.memref_slice %arg9[%add3A_23, %dma_wait3A_58] : memref<60x128xi32, #tpu.memory_space<vmem>> -> memref<1x128xi32, #tpu.memory_space<vmem>>
          %dma_wait3A_60 = tpu.memref_squeeze %dma_wait3A_59 : memref<1x128xi32, #tpu.memory_space<vmem>> -> memref<128xi32, #tpu.memory_space<vmem>>
          %dma_wait3A_61 = arith.constant 0 : i32
          %dma_wait3A_62 = arith.constant 0 : i32
          %dma_wait3A_63 = tpu.memref_slice %arg12[%dma_wait3A_61, %dma_wait3A_62] : memref<7680x128xf32, #tpu.memory_space<vmem_shared>> -> memref<7680x128xf32, #tpu.memory_space<vmem_shared>>
          tpu.wait_indirect_dma semaphore(%run_scoped3A : memref<!tpu.dma_semaphore, #tpu.memory_space<semaphore_mem>>) src(%arg10 : memref<128x128xf32, #tpu.memory_space<vmem>>) dst(%dma_wait3A_63 : memref<7680x128xf32, #tpu.memory_space<vmem_shared>>)
          tpu.yield
        }) : () -> ()
        %mul3A_35 = arith.constant 2 : i32
        %mul3A_36 = arith.muli %scan3A_20, %mul3A_35 : i32
        %add3A_37 = arith.constant 1 : i32
        %add3A_38 = arith.addi %mul3A_36, %add3A_37 : i32
        %dma_wait3A_39 = arith.constant 0 : i32
        %dma_wait3A_40 = tpu.memref_slice %arg8[%add3A_38, %dma_wait3A_39] : memref<60x128xi32, #tpu.memory_space<vmem>> -> memref<1x128xi32, #tpu.memory_space<vmem>>
        %dma_wait3A_41 = tpu.memref_squeeze %dma_wait3A_40 : memref<1x128xi32, #tpu.memory_space<vmem>> -> memref<128xi32, #tpu.memory_space<vmem>>
        %dma_wait3A_42 = arith.constant 0 : i32
        %dma_wait3A_43 = arith.constant 0 : i32
        %dma_wait3A_44 = tpu.memref_slice %arg2[%dma_wait3A_42, %dma_wait3A_43] : memref<7680x128xf32, #tpu.memory_space<hbm>> -> memref<7680x128xf32, #tpu.memory_space<hbm>>
        tpu.wait_indirect_dma semaphore(%arg14 : memref<!tpu.dma_semaphore, #tpu.memory_space<semaphore_mem>>) src(%dma_wait3A_44 : memref<7680x128xf32, #tpu.memory_space<hbm>>) dst(%arg11 : memref<128x128xf32, #tpu.memory_space<vmem>>)
        %add3A_45 = arith.constant 1 : i32
        %add3A_46 = arith.addi %add3A_38, %add3A_45 : i32
        %lt3A_47 = arith.constant 60 : i32
        %lt3A_48 = arith.cmpi slt, %add3A_46, %lt3A_47 : i32
        %convert_element_type3A_49 = arith.extui %lt3A_48 : i1 to i32
        %cond3A_50 = arith.constant 0 : i32
        %cond3A_51 = arith.cmpi ne, %convert_element_type3A_49, %cond3A_50 : i32
        scf.if %cond3A_51 {
          %add3A_52 = arith.constant 1 : i32
          %add3A_53 = arith.addi %add3A_38, %add3A_52 : i32
          %dma_start3A_54 = arith.constant 0 : i32
          %dma_start3A_55 = tpu.memref_slice %arg8[%add3A_53, %dma_start3A_54] : memref<60x128xi32, #tpu.memory_space<vmem>> -> memref<1x128xi32, #tpu.memory_space<vmem>>
          %dma_start3A_56 = tpu.memref_squeeze %dma_start3A_55 : memref<1x128xi32, #tpu.memory_space<vmem>> -> memref<128xi32, #tpu.memory_space<vmem>>
          %dma_start3A_57 = arith.constant 0 : i32
          %dma_start3A_58 = arith.constant 0 : i32
          %dma_start3A_59 = tpu.memref_slice %arg2[%dma_start3A_57, %dma_start3A_58] : memref<7680x128xf32, #tpu.memory_space<hbm>> -> memref<7680x128xf32, #tpu.memory_space<hbm>>
          tpu.enqueue_indirect_dma source(%dma_start3A_59 : memref<7680x128xf32, #tpu.memory_space<hbm>>) target(%arg10 : memref<128x128xf32, #tpu.memory_space<vmem>>) offsets(%dma_start3A_56 : memref<128xi32, #tpu.memory_space<vmem>>) semaphore(%arg13 : memref<!tpu.dma_semaphore, #tpu.memory_space<semaphore_mem>>)
        } else {
        }
        "tpu.region"() ({
          %run_scoped3A = tpu.sem_alloc : memref<!tpu.dma_semaphore, #tpu.memory_space<semaphore_mem>>
          %dma_start3A_52 = arith.constant 0 : i32
          %dma_start3A_53 = tpu.memref_slice %arg9[%add3A_38, %dma_start3A_52] : memref<60x128xi32, #tpu.memory_space<vmem>> -> memref<1x128xi32, #tpu.memory_space<vmem>>
          %dma_start3A_54 = tpu.memref_squeeze %dma_start3A_53 : memref<1x128xi32, #tpu.memory_space<vmem>> -> memref<128xi32, #tpu.memory_space<vmem>>
          %dma_start3A_55 = arith.constant 0 : i32
          %dma_start3A_56 = arith.constant 0 : i32
          %dma_start3A_57 = tpu.memref_slice %arg12[%dma_start3A_55, %dma_start3A_56] : memref<7680x128xf32, #tpu.memory_space<vmem_shared>> -> memref<7680x128xf32, #tpu.memory_space<vmem_shared>>
          tpu.enqueue_indirect_dma source(%arg11 : memref<128x128xf32, #tpu.memory_space<vmem>>) target(%dma_start3A_57 : memref<7680x128xf32, #tpu.memory_space<vmem_shared>>) offsets(%dma_start3A_54 : memref<128xi32, #tpu.memory_space<vmem>>) semaphore(%run_scoped3A : memref<!tpu.dma_semaphore, #tpu.memory_space<semaphore_mem>>) {add = true}
          %dma_wait3A_58 = arith.constant 0 : i32
          %dma_wait3A_59 = tpu.memref_slice %arg9[%add3A_38, %dma_wait3A_58] : memref<60x128xi32, #tpu.memory_space<vmem>> -> memref<1x128xi32, #tpu.memory_space<vmem>>
          %dma_wait3A_60 = tpu.memref_squeeze %dma_wait3A_59 : memref<1x128xi32, #tpu.memory_space<vmem>> -> memref<128xi32, #tpu.memory_space<vmem>>
          %dma_wait3A_61 = arith.constant 0 : i32
          %dma_wait3A_62 = arith.constant 0 : i32
          %dma_wait3A_63 = tpu.memref_slice %arg12[%dma_wait3A_61, %dma_wait3A_62] : memref<7680x128xf32, #tpu.memory_space<vmem_shared>> -> memref<7680x128xf32, #tpu.memory_space<vmem_shared>>
          tpu.wait_indirect_dma semaphore(%run_scoped3A : memref<!tpu.dma_semaphore, #tpu.memory_space<semaphore_mem>>) src(%arg11 : memref<128x128xf32, #tpu.memory_space<vmem>>) dst(%dma_wait3A_63 : memref<7680x128xf32, #tpu.memory_space<vmem_shared>>)
          tpu.yield
        }) : () -> ()
      }
      %scan3A_18 = arith.constant 30 : i32
      %barrier3A_19 = arith.constant 0 : index
      tpu.barrier barrier_id(%barrier3A_19)
      "tpu.region"() ({
        %run_scoped3A = tpu.sem_alloc : memref<!tpu.dma_semaphore, #tpu.memory_space<semaphore_mem>>
        %dma_start3A_20 = arith.constant 0 : i32
        %dma_start3A_21 = tpu.memref_slice %arg6[%mul3A_0, %dma_start3A_20] : memref<7680x128xf32, #tpu.memory_space<hbm>> -> memref<480x128xf32, #tpu.memory_space<hbm>>
        %dma_start3A_22 = arith.constant 0 : i32
        %dma_start3A_23 = tpu.memref_slice %arg12[%mul3A_0, %dma_start3A_22] : memref<7680x128xf32, #tpu.memory_space<vmem_shared>> -> memref<480x128xf32, #tpu.memory_space<vmem_shared>>
        tpu.enqueue_dma source(%dma_start3A_23 : memref<480x128xf32, #tpu.memory_space<vmem_shared>>) target(%dma_start3A_21 : memref<480x128xf32, #tpu.memory_space<hbm>>) target_semaphore(%run_scoped3A : memref<!tpu.dma_semaphore, #tpu.memory_space<semaphore_mem>>)
        %dma_wait3A = arith.constant 0 : i32
        %dma_wait3A_24 = tpu.memref_slice %arg6[%mul3A_0, %dma_wait3A] : memref<7680x128xf32, #tpu.memory_space<hbm>> -> memref<480x128xf32, #tpu.memory_space<hbm>>
        %dma_wait3A_25 = arith.constant 0 : i32
        %dma_wait3A_26 = tpu.memref_slice %arg12[%mul3A_0, %dma_wait3A_25] : memref<7680x128xf32, #tpu.memory_space<vmem_shared>> -> memref<480x128xf32, #tpu.memory_space<vmem_shared>>
        tpu.wait_dma2 semaphore(%run_scoped3A : memref<!tpu.dma_semaphore, #tpu.memory_space<semaphore_mem>>) src(%dma_wait3A_26 : memref<480x128xf32, #tpu.memory_space<vmem_shared>>) dst(%dma_wait3A_24 : memref<480x128xf32, #tpu.memory_space<hbm>>)
        tpu.yield
      }) : () -> ()
    } else {
    }
    %eq3A_3 = arith.constant 1 : i32
    %eq3A_4 = arith.cmpi eq, %arg0, %eq3A_3 : i32
    %convert_element_type3A_5 = arith.extui %eq3A_4 : i1 to i32
    %cond3A_6 = arith.constant 0 : i32
    %cond3A_7 = arith.cmpi ne, %convert_element_type3A_5, %cond3A_6 : i32
    scf.if %cond3A_7 {
      "tpu.region"() ({
        %run_scoped3A = tpu.sem_alloc : memref<!tpu.dma_semaphore, #tpu.memory_space<semaphore_mem>>
        %dma_start3A_20 = arith.constant 0 : i32
        %dma_start3A_21 = arith.constant 0 : i32
        %dma_start3A_22 = tpu.memref_slice %arg4[%arg1, %dma_start3A_20, %dma_start3A_21] : memref<16x60x128xi32, #tpu.memory_space<hbm>> -> memref<1x60x128xi32, #tpu.memory_space<hbm>>
        %dma_start3A_23 = tpu.memref_squeeze %dma_start3A_22 : memref<1x60x128xi32, #tpu.memory_space<hbm>> -> memref<60x128xi32, #tpu.memory_space<hbm>>
        %dma_start3A_24 = arith.constant 0 : i32
        %dma_start3A_25 = arith.constant 0 : i32
        %dma_start3A_26 = tpu.memref_slice %arg4[%arg1, %dma_start3A_24, %dma_start3A_25] : memref<16x60x128xi32, #tpu.memory_space<hbm>> -> memref<1x60x128xi32, #tpu.memory_space<hbm>>
        %dma_start3A_27 = tpu.memref_squeeze %dma_start3A_26 : memref<1x60x128xi32, #tpu.memory_space<hbm>> -> memref<60x128xi32, #tpu.memory_space<hbm>>
        tpu.enqueue_dma source(%dma_start3A_27 : memref<60x128xi32, #tpu.memory_space<hbm>>) target(%arg8 : memref<60x128xi32, #tpu.memory_space<vmem>>) target_semaphore(%run_scoped3A : memref<!tpu.dma_semaphore, #tpu.memory_space<semaphore_mem>>)
        %dma_wait3A = arith.constant 0 : i32
        %dma_wait3A_28 = arith.constant 0 : i32
        %dma_wait3A_29 = tpu.memref_slice %arg4[%arg1, %dma_wait3A, %dma_wait3A_28] : memref<16x60x128xi32, #tpu.memory_space<hbm>> -> memref<1x60x128xi32, #tpu.memory_space<hbm>>
        %dma_wait3A_30 = tpu.memref_squeeze %dma_wait3A_29 : memref<1x60x128xi32, #tpu.memory_space<hbm>> -> memref<60x128xi32, #tpu.memory_space<hbm>>
        %dma_wait3A_31 = arith.constant 0 : i32
        %dma_wait3A_32 = arith.constant 0 : i32
        %dma_wait3A_33 = tpu.memref_slice %arg4[%arg1, %dma_wait3A_31, %dma_wait3A_32] : memref<16x60x128xi32, #tpu.memory_space<hbm>> -> memref<1x60x128xi32, #tpu.memory_space<hbm>>
        %dma_wait3A_34 = tpu.memref_squeeze %dma_wait3A_33 : memref<1x60x128xi32, #tpu.memory_space<hbm>> -> memref<60x128xi32, #tpu.memory_space<hbm>>
        tpu.wait_dma2 semaphore(%run_scoped3A : memref<!tpu.dma_semaphore, #tpu.memory_space<semaphore_mem>>) src(%dma_wait3A_34 : memref<60x128xi32, #tpu.memory_space<hbm>>) dst(%arg8 : memref<60x128xi32, #tpu.memory_space<vmem>>)
        tpu.yield
      }) : () -> ()
      "tpu.region"() ({
        %run_scoped3A = tpu.sem_alloc : memref<!tpu.dma_semaphore, #tpu.memory_space<semaphore_mem>>
        %dma_start3A_20 = arith.constant 0 : i32
        %dma_start3A_21 = arith.constant 0 : i32
        %dma_start3A_22 = tpu.memref_slice %arg3[%arg1, %dma_start3A_20, %dma_start3A_21] : memref<16x60x128xi32, #tpu.memory_space<hbm>> -> memref<1x60x128xi32, #tpu.memory_space<hbm>>
        %dma_start3A_23 = tpu.memref_squeeze %dma_start3A_22 : memref<1x60x128xi32, #tpu.memory_space<hbm>> -> memref<60x128xi32, #tpu.memory_space<hbm>>
        %dma_start3A_24 = arith.constant 0 : i32
        %dma_start3A_25 = arith.constant 0 : i32
        %dma_start3A_26 = tpu.memref_slice %arg3[%arg1, %dma_start3A_24, %dma_start3A_25] : memref<16x60x128xi32, #tpu.memory_space<hbm>> -> memref<1x60x128xi32, #tpu.memory_space<hbm>>
        %dma_start3A_27 = tpu.memref_squeeze %dma_start3A_26 : memref<1x60x128xi32, #tpu.memory_space<hbm>> -> memref<60x128xi32, #tpu.memory_space<hbm>>
        tpu.enqueue_dma source(%dma_start3A_27 : memref<60x128xi32, #tpu.memory_space<hbm>>) target(%arg9 : memref<60x128xi32, #tpu.memory_space<vmem>>) target_semaphore(%run_scoped3A : memref<!tpu.dma_semaphore, #tpu.memory_space<semaphore_mem>>)
        %dma_wait3A = arith.constant 0 : i32
        %dma_wait3A_28 = arith.constant 0 : i32
        %dma_wait3A_29 = tpu.memref_slice %arg3[%arg1, %dma_wait3A, %dma_wait3A_28] : memref<16x60x128xi32, #tpu.memory_space<hbm>> -> memref<1x60x128xi32, #tpu.memory_space<hbm>>
        %dma_wait3A_30 = tpu.memref_squeeze %dma_wait3A_29 : memref<1x60x128xi32, #tpu.memory_space<hbm>> -> memref<60x128xi32, #tpu.memory_space<hbm>>
        %dma_wait3A_31 = arith.constant 0 : i32
        %dma_wait3A_32 = arith.constant 0 : i32
        %dma_wait3A_33 = tpu.memref_slice %arg3[%arg1, %dma_wait3A_31, %dma_wait3A_32] : memref<16x60x128xi32, #tpu.memory_space<hbm>> -> memref<1x60x128xi32, #tpu.memory_space<hbm>>
        %dma_wait3A_34 = tpu.memref_squeeze %dma_wait3A_33 : memref<1x60x128xi32, #tpu.memory_space<hbm>> -> memref<60x128xi32, #tpu.memory_space<hbm>>
        tpu.wait_dma2 semaphore(%run_scoped3A : memref<!tpu.dma_semaphore, #tpu.memory_space<semaphore_mem>>) src(%dma_wait3A_34 : memref<60x128xi32, #tpu.memory_space<hbm>>) dst(%arg9 : memref<60x128xi32, #tpu.memory_space<vmem>>)
        tpu.yield
      }) : () -> ()
      %dma_start3A = arith.constant 0 : i32
      %dma_start3A_8 = arith.constant 0 : i32
      %dma_start3A_9 = tpu.memref_slice %arg8[%dma_start3A, %dma_start3A_8] : memref<60x128xi32, #tpu.memory_space<vmem>> -> memref<1x128xi32, #tpu.memory_space<vmem>>
      %dma_start3A_10 = tpu.memref_squeeze %dma_start3A_9 : memref<1x128xi32, #tpu.memory_space<vmem>> -> memref<128xi32, #tpu.memory_space<vmem>>
      %dma_start3A_11 = arith.constant 0 : i32
      %dma_start3A_12 = arith.constant 0 : i32
      %dma_start3A_13 = tpu.memref_slice %arg2[%dma_start3A_11, %dma_start3A_12] : memref<7680x128xf32, #tpu.memory_space<hbm>> -> memref<7680x128xf32, #tpu.memory_space<hbm>>
      tpu.enqueue_indirect_dma source(%dma_start3A_13 : memref<7680x128xf32, #tpu.memory_space<hbm>>) target(%arg10 : memref<128x128xf32, #tpu.memory_space<vmem>>) offsets(%dma_start3A_10 : memref<128xi32, #tpu.memory_space<vmem>>) semaphore(%arg13 : memref<!tpu.dma_semaphore, #tpu.memory_space<semaphore_mem>>)
      %scan3A = arith.constant 0 : i32
      %scan3A_14 = arith.constant 0 : i32
      %scan3A_15 = arith.constant 30 : i32
      %scan3A_16 = arith.addi %scan3A_14, %scan3A_15 : i32
      %scan3A_17 = arith.constant 1 : i32
      scf.for %scan3A_20 = %scan3A_14 to %scan3A_16 step %scan3A_17  : i32 {
        %mul3A_21 = arith.constant 2 : i32
        %mul3A_22 = arith.muli %scan3A_20, %mul3A_21 : i32
        %add3A = arith.constant 0 : i32
        %add3A_23 = arith.addi %mul3A_22, %add3A : i32
        %dma_wait3A = arith.constant 0 : i32
        %dma_wait3A_24 = tpu.memref_slice %arg8[%add3A_23, %dma_wait3A] : memref<60x128xi32, #tpu.memory_space<vmem>> -> memref<1x128xi32, #tpu.memory_space<vmem>>
        %dma_wait3A_25 = tpu.memref_squeeze %dma_wait3A_24 : memref<1x128xi32, #tpu.memory_space<vmem>> -> memref<128xi32, #tpu.memory_space<vmem>>
        %dma_wait3A_26 = arith.constant 0 : i32
        %dma_wait3A_27 = arith.constant 0 : i32
        %dma_wait3A_28 = tpu.memref_slice %arg2[%dma_wait3A_26, %dma_wait3A_27] : memref<7680x128xf32, #tpu.memory_space<hbm>> -> memref<7680x128xf32, #tpu.memory_space<hbm>>
        tpu.wait_indirect_dma semaphore(%arg13 : memref<!tpu.dma_semaphore, #tpu.memory_space<semaphore_mem>>) src(%dma_wait3A_28 : memref<7680x128xf32, #tpu.memory_space<hbm>>) dst(%arg10 : memref<128x128xf32, #tpu.memory_space<vmem>>)
        %add3A_29 = arith.constant 1 : i32
        %add3A_30 = arith.addi %add3A_23, %add3A_29 : i32
        %lt3A = arith.constant 60 : i32
        %lt3A_31 = arith.cmpi slt, %add3A_30, %lt3A : i32
        %convert_element_type3A_32 = arith.extui %lt3A_31 : i1 to i32
        %cond3A_33 = arith.constant 0 : i32
        %cond3A_34 = arith.cmpi ne, %convert_element_type3A_32, %cond3A_33 : i32
        scf.if %cond3A_34 {
          %add3A_52 = arith.constant 1 : i32
          %add3A_53 = arith.addi %add3A_23, %add3A_52 : i32
          %dma_start3A_54 = arith.constant 0 : i32
          %dma_start3A_55 = tpu.memref_slice %arg8[%add3A_53, %dma_start3A_54] : memref<60x128xi32, #tpu.memory_space<vmem>> -> memref<1x128xi32, #tpu.memory_space<vmem>>
          %dma_start3A_56 = tpu.memref_squeeze %dma_start3A_55 : memref<1x128xi32, #tpu.memory_space<vmem>> -> memref<128xi32, #tpu.memory_space<vmem>>
          %dma_start3A_57 = arith.constant 0 : i32
          %dma_start3A_58 = arith.constant 0 : i32
          %dma_start3A_59 = tpu.memref_slice %arg2[%dma_start3A_57, %dma_start3A_58] : memref<7680x128xf32, #tpu.memory_space<hbm>> -> memref<7680x128xf32, #tpu.memory_space<hbm>>
          tpu.enqueue_indirect_dma source(%dma_start3A_59 : memref<7680x128xf32, #tpu.memory_space<hbm>>) target(%arg11 : memref<128x128xf32, #tpu.memory_space<vmem>>) offsets(%dma_start3A_56 : memref<128xi32, #tpu.memory_space<vmem>>) semaphore(%arg14 : memref<!tpu.dma_semaphore, #tpu.memory_space<semaphore_mem>>)
        } else {
        }
        "tpu.region"() ({
          %run_scoped3A = tpu.sem_alloc : memref<!tpu.dma_semaphore, #tpu.memory_space<semaphore_mem>>
          %dma_start3A_52 = arith.constant 0 : i32
          %dma_start3A_53 = tpu.memref_slice %arg9[%add3A_23, %dma_start3A_52] : memref<60x128xi32, #tpu.memory_space<vmem>> -> memref<1x128xi32, #tpu.memory_space<vmem>>
          %dma_start3A_54 = tpu.memref_squeeze %dma_start3A_53 : memref<1x128xi32, #tpu.memory_space<vmem>> -> memref<128xi32, #tpu.memory_space<vmem>>
          %dma_start3A_55 = arith.constant 0 : i32
          %dma_start3A_56 = arith.constant 0 : i32
          %dma_start3A_57 = tpu.memref_slice %arg12[%dma_start3A_55, %dma_start3A_56] : memref<7680x128xf32, #tpu.memory_space<vmem_shared>> -> memref<7680x128xf32, #tpu.memory_space<vmem_shared>>
          tpu.enqueue_indirect_dma source(%arg10 : memref<128x128xf32, #tpu.memory_space<vmem>>) target(%dma_start3A_57 : memref<7680x128xf32, #tpu.memory_space<vmem_shared>>) offsets(%dma_start3A_54 : memref<128xi32, #tpu.memory_space<vmem>>) semaphore(%run_scoped3A : memref<!tpu.dma_semaphore, #tpu.memory_space<semaphore_mem>>) {add = true}
          %dma_wait3A_58 = arith.constant 0 : i32
          %dma_wait3A_59 = tpu.memref_slice %arg9[%add3A_23, %dma_wait3A_58] : memref<60x128xi32, #tpu.memory_space<vmem>> -> memref<1x128xi32, #tpu.memory_space<vmem>>
          %dma_wait3A_60 = tpu.memref_squeeze %dma_wait3A_59 : memref<1x128xi32, #tpu.memory_space<vmem>> -> memref<128xi32, #tpu.memory_space<vmem>>
          %dma_wait3A_61 = arith.constant 0 : i32
          %dma_wait3A_62 = arith.constant 0 : i32
          %dma_wait3A_63 = tpu.memref_slice %arg12[%dma_wait3A_61, %dma_wait3A_62] : memref<7680x128xf32, #tpu.memory_space<vmem_shared>> -> memref<7680x128xf32, #tpu.memory_space<vmem_shared>>
          tpu.wait_indirect_dma semaphore(%run_scoped3A : memref<!tpu.dma_semaphore, #tpu.memory_space<semaphore_mem>>) src(%arg10 : memref<128x128xf32, #tpu.memory_space<vmem>>) dst(%dma_wait3A_63 : memref<7680x128xf32, #tpu.memory_space<vmem_shared>>)
          tpu.yield
        }) : () -> ()
        %mul3A_35 = arith.constant 2 : i32
        %mul3A_36 = arith.muli %scan3A_20, %mul3A_35 : i32
        %add3A_37 = arith.constant 1 : i32
        %add3A_38 = arith.addi %mul3A_36, %add3A_37 : i32
        %dma_wait3A_39 = arith.constant 0 : i32
        %dma_wait3A_40 = tpu.memref_slice %arg8[%add3A_38, %dma_wait3A_39] : memref<60x128xi32, #tpu.memory_space<vmem>> -> memref<1x128xi32, #tpu.memory_space<vmem>>
        %dma_wait3A_41 = tpu.memref_squeeze %dma_wait3A_40 : memref<1x128xi32, #tpu.memory_space<vmem>> -> memref<128xi32, #tpu.memory_space<vmem>>
        %dma_wait3A_42 = arith.constant 0 : i32
        %dma_wait3A_43 = arith.constant 0 : i32
        %dma_wait3A_44 = tpu.memref_slice %arg2[%dma_wait3A_42, %dma_wait3A_43] : memref<7680x128xf32, #tpu.memory_space<hbm>> -> memref<7680x128xf32, #tpu.memory_space<hbm>>
        tpu.wait_indirect_dma semaphore(%arg14 : memref<!tpu.dma_semaphore, #tpu.memory_space<semaphore_mem>>) src(%dma_wait3A_44 : memref<7680x128xf32, #tpu.memory_space<hbm>>) dst(%arg11 : memref<128x128xf32, #tpu.memory_space<vmem>>)
        %add3A_45 = arith.constant 1 : i32
        %add3A_46 = arith.addi %add3A_38, %add3A_45 : i32
        %lt3A_47 = arith.constant 60 : i32
        %lt3A_48 = arith.cmpi slt, %add3A_46, %lt3A_47 : i32
        %convert_element_type3A_49 = arith.extui %lt3A_48 : i1 to i32
        %cond3A_50 = arith.constant 0 : i32
        %cond3A_51 = arith.cmpi ne, %convert_element_type3A_49, %cond3A_50 : i32
        scf.if %cond3A_51 {
          %add3A_52 = arith.constant 1 : i32
          %add3A_53 = arith.addi %add3A_38, %add3A_52 : i32
          %dma_start3A_54 = arith.constant 0 : i32
          %dma_start3A_55 = tpu.memref_slice %arg8[%add3A_53, %dma_start3A_54] : memref<60x128xi32, #tpu.memory_space<vmem>> -> memref<1x128xi32, #tpu.memory_space<vmem>>
          %dma_start3A_56 = tpu.memref_squeeze %dma_start3A_55 : memref<1x128xi32, #tpu.memory_space<vmem>> -> memref<128xi32, #tpu.memory_space<vmem>>
          %dma_start3A_57 = arith.constant 0 : i32
          %dma_start3A_58 = arith.constant 0 : i32
          %dma_start3A_59 = tpu.memref_slice %arg2[%dma_start3A_57, %dma_start3A_58] : memref<7680x128xf32, #tpu.memory_space<hbm>> -> memref<7680x128xf32, #tpu.memory_space<hbm>>
          tpu.enqueue_indirect_dma source(%dma_start3A_59 : memref<7680x128xf32, #tpu.memory_space<hbm>>) target(%arg10 : memref<128x128xf32, #tpu.memory_space<vmem>>) offsets(%dma_start3A_56 : memref<128xi32, #tpu.memory_space<vmem>>) semaphore(%arg13 : memref<!tpu.dma_semaphore, #tpu.memory_space<semaphore_mem>>)
        } else {
        }
        "tpu.region"() ({
          %run_scoped3A = tpu.sem_alloc : memref<!tpu.dma_semaphore, #tpu.memory_space<semaphore_mem>>
          %dma_start3A_52 = arith.constant 0 : i32
          %dma_start3A_53 = tpu.memref_slice %arg9[%add3A_38, %dma_start3A_52] : memref<60x128xi32, #tpu.memory_space<vmem>> -> memref<1x128xi32, #tpu.memory_space<vmem>>
          %dma_start3A_54 = tpu.memref_squeeze %dma_start3A_53 : memref<1x128xi32, #tpu.memory_space<vmem>> -> memref<128xi32, #tpu.memory_space<vmem>>
          %dma_start3A_55 = arith.constant 0 : i32
          %dma_start3A_56 = arith.constant 0 : i32
          %dma_start3A_57 = tpu.memref_slice %arg12[%dma_start3A_55, %dma_start3A_56] : memref<7680x128xf32, #tpu.memory_space<vmem_shared>> -> memref<7680x128xf32, #tpu.memory_space<vmem_shared>>
          tpu.enqueue_indirect_dma source(%arg11 : memref<128x128xf32, #tpu.memory_space<vmem>>) target(%dma_start3A_57 : memref<7680x128xf32, #tpu.memory_space<vmem_shared>>) offsets(%dma_start3A_54 : memref<128xi32, #tpu.memory_space<vmem>>) semaphore(%run_scoped3A : memref<!tpu.dma_semaphore, #tpu.memory_space<semaphore_mem>>) {add = true}
          %dma_wait3A_58 = arith.constant 0 : i32
          %dma_wait3A_59 = tpu.memref_slice %arg9[%add3A_38, %dma_wait3A_58] : memref<60x128xi32, #tpu.memory_space<vmem>> -> memref<1x128xi32, #tpu.memory_space<vmem>>
          %dma_wait3A_60 = tpu.memref_squeeze %dma_wait3A_59 : memref<1x128xi32, #tpu.memory_space<vmem>> -> memref<128xi32, #tpu.memory_space<vmem>>
          %dma_wait3A_61 = arith.constant 0 : i32
          %dma_wait3A_62 = arith.constant 0 : i32
          %dma_wait3A_63 = tpu.memref_slice %arg12[%dma_wait3A_61, %dma_wait3A_62] : memref<7680x128xf32, #tpu.memory_space<vmem_shared>> -> memref<7680x128xf32, #tpu.memory_space<vmem_shared>>
          tpu.wait_indirect_dma semaphore(%run_scoped3A : memref<!tpu.dma_semaphore, #tpu.memory_space<semaphore_mem>>) src(%arg11 : memref<128x128xf32, #tpu.memory_space<vmem>>) dst(%dma_wait3A_63 : memref<7680x128xf32, #tpu.memory_space<vmem_shared>>)
          tpu.yield
        }) : () -> ()
      }
      %scan3A_18 = arith.constant 30 : i32
      %barrier3A_19 = arith.constant 0 : index
      tpu.barrier barrier_id(%barrier3A_19)
      "tpu.region"() ({
        %run_scoped3A = tpu.sem_alloc : memref<!tpu.dma_semaphore, #tpu.memory_space<semaphore_mem>>
        %dma_start3A_20 = arith.constant 0 : i32
        %dma_start3A_21 = tpu.memref_slice %arg7[%mul3A_0, %dma_start3A_20] : memref<7680x128xf32, #tpu.memory_space<hbm>> -> memref<480x128xf32, #tpu.memory_space<hbm>>
        %dma_start3A_22 = arith.constant 0 : i32
        %dma_start3A_23 = tpu.memref_slice %arg12[%mul3A_0, %dma_start3A_22] : memref<7680x128xf32, #tpu.memory_space<vmem_shared>> -> memref<480x128xf32, #tpu.memory_space<vmem_shared>>
        tpu.enqueue_dma source(%dma_start3A_23 : memref<480x128xf32, #tpu.memory_space<vmem_shared>>) target(%dma_start3A_21 : memref<480x128xf32, #tpu.memory_space<hbm>>) target_semaphore(%run_scoped3A : memref<!tpu.dma_semaphore, #tpu.memory_space<semaphore_mem>>)
        %dma_wait3A = arith.constant 0 : i32
        %dma_wait3A_24 = tpu.memref_slice %arg7[%mul3A_0, %dma_wait3A] : memref<7680x128xf32, #tpu.memory_space<hbm>> -> memref<480x128xf32, #tpu.memory_space<hbm>>
        %dma_wait3A_25 = arith.constant 0 : i32
        %dma_wait3A_26 = tpu.memref_slice %arg12[%mul3A_0, %dma_wait3A_25] : memref<7680x128xf32, #tpu.memory_space<vmem_shared>> -> memref<480x128xf32, #tpu.memory_space<vmem_shared>>
        tpu.wait_dma2 semaphore(%run_scoped3A : memref<!tpu.dma_semaphore, #tpu.memory_space<semaphore_mem>>) src(%dma_wait3A_26 : memref<480x128xf32, #tpu.memory_space<vmem_shared>>) dst(%dma_wait3A_24 : memref<480x128xf32, #tpu.memory_space<hbm>>)
        tpu.yield
      }) : () -> ()
    } else {
    }
    return
  }
}

module attributes {stable_mosaic.version = 14 : i64} {
  func.func @body(%arg0: i32, %arg1: memref<1x1x256xi32, #tpu.memory_space<vmem>>, %arg2: memref<16x128xf32, #tpu.memory_space<vmem>>, %arg3: memref<256x128xf32, #tpu.memory_space<vmem>>, %arg4: memref<256x128xf32, #tpu.memory_space<vmem>>) attributes {dimension_semantics = [#tpu.dimension_semantics<arbitrary>], iteration_bounds = array<i64: 30>, scalar_prefetch = 0 : i64, scratch_operands = 0 : i64, tpu.core_type = #tpu.core_type<tc>, window_params = [{transform_indices = @transform_0, window_bounds = array<i64: 1, 1, 256>}, {pipeline_mode = #tpu.pipeline_mode<synchronous>, transform_indices = @transform_1, window_bounds = array<i64: 16, 128>}, {transform_indices = @transform_2, window_bounds = array<i64: 256, 128>}, {transform_indices = @transform_3, window_bounds = array<i64: 256, 128>}]} {
    %get3A = arith.constant 0 : index
    %get3A_0 = arith.constant 0 : index
    %get3A_1 = arith.constant 0 : index
    %get3A_2 = vector.load %arg1[%get3A, %get3A_0, %get3A_1] : memref<1x1x256xi32, #tpu.memory_space<vmem>>, vector<1x1x256xi32>
    %get3A_3 = vector.shape_cast %get3A_2 : vector<1x1x256xi32> to vector<256xi32>
    %broadcast_in_dim3A = vector.shape_cast %get3A_3 : vector<256xi32> to vector<256x1xi32>
    %iota3A = tpu.iota {dimensions = array<i32: 1>} : vector<256x16xi32>
    %eq3A = vector.broadcast %broadcast_in_dim3A : vector<256x1xi32> to vector<256x16xi32>
    %eq3A_4 = arith.cmpi eq, %eq3A, %iota3A : vector<256x16xi32>
    %convert_element_type3A = arith.extui %eq3A_4 : vector<256x16xi1> to vector<256x16xi32>
    %convert_element_type3A_5 = arith.sitofp %convert_element_type3A : vector<256x16xi32> to vector<256x16xf32>
    %get3A_6 = arith.constant 0 : index
    %get3A_7 = arith.constant 0 : index
    %get3A_8 = vector.load %arg2[%get3A_6, %get3A_7] : memref<16x128xf32, #tpu.memory_space<vmem>>, vector<16x128xf32>
    %dot_general3A = arith.constant dense<0.000000e+00> : vector<256x128xf32>
    %dot_general3A_9 = tpu.matmul %convert_element_type3A_5, %get3A_8, %dot_general3A {dimension_numbers = #tpu.dot_dimension_numbers<[1], [0], [0], [1], [0, 0, 1, 1], [], []>, precision = #tpu.contract_precision<fp32>, transpose_lhs_hint = false} : vector<256x16xf32>, vector<16x128xf32>, vector<256x128xf32> -> vector<256x128xf32>
    %swap3A = arith.constant 0 : index
    %swap3A_10 = arith.constant 0 : index
    %swap3A_11 = vector.load %arg3[%swap3A, %swap3A_10] : memref<256x128xf32, #tpu.memory_space<vmem>>, vector<256x128xf32>
    tpu.vector_store %arg3[%swap3A, %swap3A_10], %dot_general3A_9 {strides = array<i32>} : memref<256x128xf32, #tpu.memory_space<vmem>>, vector<256x128xf32>,
    %convert_element_type3A_12 = arith.truncf %dot_general3A_9 : vector<256x128xf32> to vector<256x128xbf16>
    %convert_element_type3A_13 = arith.extf %convert_element_type3A_12 : vector<256x128xbf16> to vector<256x128xf32>
    %swap3A_14 = arith.constant 0 : index
    %swap3A_15 = arith.constant 0 : index
    %swap3A_16 = vector.load %arg4[%swap3A_14, %swap3A_15] : memref<256x128xf32, #tpu.memory_space<vmem>>, vector<256x128xf32>
    tpu.vector_store %arg4[%swap3A_14, %swap3A_15], %convert_element_type3A_13 {strides = array<i32>} : memref<256x128xf32, #tpu.memory_space<vmem>>, vector<256x128xf32>,
    return
  }
  func.func @transform_0(%arg0: i32) -> (i32, i32, i32) {
    %c0_i32 = arith.constant 0 : i32
    %c0_i32_0 = arith.constant 0 : i32
    %c0_i32_1 = arith.constant 0 : i32
    return %arg0, %c0_i32, %c0_i32_0 : i32, i32, i32
  }
  func.func @transform_1(%arg0: i32) -> (i32, i32) {
    %c0_i32 = arith.constant 0 : i32
    %c0_i32_0 = arith.constant 0 : i32
    %c0_i32_1 = arith.constant 0 : i32
    return %c0_i32, %c0_i32_0 : i32, i32
  }
  func.func @transform_2(%arg0: i32) -> (i32, i32) {
    %c0_i32 = arith.constant 0 : i32
    %c0_i32_0 = arith.constant 0 : i32
    return %arg0, %c0_i32 : i32, i32
  }
  func.func @transform_3(%arg0: i32) -> (i32, i32) {
    %c0_i32 = arith.constant 0 : i32
    %c0_i32_0 = arith.constant 0 : i32
    return %arg0, %c0_i32 : i32, i32
  }
}

module attributes {stable_mosaic.version = 14 : i64} {
  func.func @body(%arg0: i32, %arg1: memref<256x128xf32, #tpu.memory_space<vmem>>, %arg2: memref<256x128xf32, #tpu.memory_space<vmem>>, %arg3: memref<256x128xf32, #tpu.memory_space<vmem>>, %arg4: memref<256x128xf32, #tpu.memory_space<vmem>>, %arg5: memref<256x16xf32, #tpu.memory_space<vmem>>, %arg6: memref<256x16xf32, #tpu.memory_space<vmem>>, %arg7: memref<128x256xf32, #tpu.memory_space<vmem>>, %arg8: memref<128x256xf32, #tpu.memory_space<vmem>>, %arg9: memref<128x256xf32, #tpu.memory_space<vmem>>, %arg10: memref<128x256xf32, #tpu.memory_space<vmem>>, %arg11: memref<1x256xf32, #tpu.memory_space<vmem>>, %arg12: memref<1x256xf32, #tpu.memory_space<vmem>>, %arg13: memref<256x384xf32, #tpu.memory_space<vmem>>, %arg14: memref<128x384xf32, #tpu.memory_space<vmem>>, %arg15: memref<1x384xf32, #tpu.memory_space<vmem>>, %arg16: memref<1x384xf32, #tpu.memory_space<vmem>>, %arg17: memref<256x128xf32, #tpu.memory_space<vmem>>, %arg18: memref<256x128xf32, #tpu.memory_space<vmem>>) attributes {dimension_semantics = [#tpu.dimension_semantics<arbitrary>], iteration_bounds = array<i64: 30>, scalar_prefetch = 0 : i64, scratch_operands = 0 : i64, tpu.core_type = #tpu.core_type<tc>, window_params = [{transform_indices = @transform_0, window_bounds = array<i64: 256, 128>}, {transform_indices = @transform_1, window_bounds = array<i64: 256, 128>}, {transform_indices = @transform_2, window_bounds = array<i64: 256, 128>}, {transform_indices = @transform_3, window_bounds = array<i64: 256, 128>}, {transform_indices = @transform_4, window_bounds = array<i64: 256, 16>}, {transform_indices = @transform_5, window_bounds = array<i64: 256, 16>}, {pipeline_mode = #tpu.pipeline_mode<synchronous>, transform_indices = @transform_6, window_bounds = array<i64: 128, 256>}, {pipeline_mode = #tpu.pipeline_mode<synchronous>, transform_indices = @transform_7, window_bounds = array<i64: 128, 256>}, {pipeline_mode = #tpu.pipeline_mode<synchronous>, transform_indices = @transform_8, window_bounds = array<i64: 128, 256>}, {pipeline_mode = #tpu.pipeline_mode<synchronous>, transform_indices = @transform_9, window_bounds = array<i64: 128, 256>}, {pipeline_mode = #tpu.pipeline_mode<synchronous>, transform_indices = @transform_10, window_bounds = array<i64: 1, 256>}, {pipeline_mode = #tpu.pipeline_mode<synchronous>, transform_indices = @transform_11, window_bounds = array<i64: 1, 256>}, {pipeline_mode = #tpu.pipeline_mode<synchronous>, transform_indices = @transform_12, window_bounds = array<i64: 256, 384>}, {pipeline_mode = #tpu.pipeline_mode<synchronous>, transform_indices = @transform_13, window_bounds = array<i64: 128, 384>}, {pipeline_mode = #tpu.pipeline_mode<synchronous>, transform_indices = @transform_14, window_bounds = array<i64: 1, 384>}, {pipeline_mode = #tpu.pipeline_mode<synchronous>, transform_indices = @transform_15, window_bounds = array<i64: 1, 384>}, {transform_indices = @transform_16, window_bounds = array<i64: 256, 128>}, {transform_indices = @transform_17, window_bounds = array<i64: 256, 128>}]} {
    %get3A = arith.constant 0 : index
    %get3A_0 = arith.constant 0 : index
    %get3A_1 = vector.load %arg3[%get3A, %get3A_0] : memref<256x128xf32, #tpu.memory_space<vmem>>, vector<256x128xf32>
    %get3A_2 = arith.constant 0 : index
    %get3A_3 = arith.constant 0 : index
    %get3A_4 = vector.load %arg4[%get3A_2, %get3A_3] : memref<256x128xf32, #tpu.memory_space<vmem>>, vector<256x128xf32>
    %get3A_5 = arith.constant 0 : index
    %get3A_6 = arith.constant 0 : index
    %get3A_7 = vector.load %arg5[%get3A_5, %get3A_6] : memref<256x16xf32, #tpu.memory_space<vmem>>, vector<256x1xf32>
    %get3A_8 = arith.constant 0 : index
    %get3A_9 = arith.constant 0 : index
    %get3A_10 = vector.load %arg6[%get3A_8, %get3A_9] : memref<256x16xf32, #tpu.memory_space<vmem>>, vector<256x1xf32>
    %get3A_11 = arith.constant 0 : index
    %get3A_12 = arith.constant 0 : index
    %get3A_13 = vector.load %arg1[%get3A_11, %get3A_12] : memref<256x128xf32, #tpu.memory_space<vmem>>, vector<256x128xf32>
    %get3A_14 = arith.constant 0 : index
    %get3A_15 = arith.constant 0 : index
    %get3A_16 = vector.load %arg7[%get3A_14, %get3A_15] : memref<128x256xf32, #tpu.memory_space<vmem>>, vector<128x256xf32>
    %dot_general3A = arith.constant dense<0.000000e+00> : vector<256x256xf32>
    %dot_general3A_17 = tpu.matmul %get3A_13, %get3A_16, %dot_general3A {dimension_numbers = #tpu.dot_dimension_numbers<[1], [0], [0], [1], [0, 0, 1, 1], [], []>, precision = #tpu.contract_precision<fp32>, transpose_lhs_hint = false} : vector<256x128xf32>, vector<128x256xf32>, vector<256x256xf32> -> vector<256x256xf32>
    %get3A_18 = arith.constant 0 : index
    %get3A_19 = arith.constant 0 : index
    %get3A_20 = vector.load %arg2[%get3A_18, %get3A_19] : memref<256x128xf32, #tpu.memory_space<vmem>>, vector<256x128xf32>
    %get3A_21 = arith.constant 0 : index
    %get3A_22 = arith.constant 0 : index
    %get3A_23 = vector.load %arg8[%get3A_21, %get3A_22] : memref<128x256xf32, #tpu.memory_space<vmem>>, vector<128x256xf32>
    %dot_general3A_24 = arith.constant dense<0.000000e+00> : vector<256x256xf32>
    %dot_general3A_25 = tpu.matmul %get3A_20, %get3A_23, %dot_general3A_24 {dimension_numbers = #tpu.dot_dimension_numbers<[1], [0], [0], [1], [0, 0, 1, 1], [], []>, precision = #tpu.contract_precision<fp32>, transpose_lhs_hint = false} : vector<256x128xf32>, vector<128x256xf32>, vector<256x256xf32> -> vector<256x256xf32>
    %add3A = arith.addf %dot_general3A_17, %dot_general3A_25 : vector<256x256xf32>
    %get3A_26 = arith.constant 0 : index
    %get3A_27 = arith.constant 0 : index
    %get3A_28 = vector.load %arg9[%get3A_26, %get3A_27] : memref<128x256xf32, #tpu.memory_space<vmem>>, vector<128x256xf32>
    %dot_general3A_29 = arith.constant dense<0.000000e+00> : vector<256x256xf32>
    %dot_general3A_30 = tpu.matmul %get3A_4, %get3A_28, %dot_general3A_29 {dimension_numbers = #tpu.dot_dimension_numbers<[1], [0], [0], [1], [0, 0, 1, 1], [], []>, precision = #tpu.contract_precision<fp32>, transpose_lhs_hint = false} : vector<256x128xf32>, vector<128x256xf32>, vector<256x256xf32> -> vector<256x256xf32>
    %mul3A = vector.broadcast %get3A_7 : vector<256x1xf32> to vector<256x256xf32>
    %mul3A_31 = arith.mulf %mul3A, %dot_general3A_30 : vector<256x256xf32>
    %add3A_32 = arith.addf %add3A, %mul3A_31 : vector<256x256xf32>
    %get3A_33 = arith.constant 0 : index
    %get3A_34 = arith.constant 0 : index
    %get3A_35 = vector.load %arg10[%get3A_33, %get3A_34] : memref<128x256xf32, #tpu.memory_space<vmem>>, vector<128x256xf32>
    %dot_general3A_36 = arith.constant dense<0.000000e+00> : vector<256x256xf32>
    %dot_general3A_37 = tpu.matmul %get3A_4, %get3A_35, %dot_general3A_36 {dimension_numbers = #tpu.dot_dimension_numbers<[1], [0], [0], [1], [0, 0, 1, 1], [], []>, precision = #tpu.contract_precision<fp32>, transpose_lhs_hint = false} : vector<256x128xf32>, vector<128x256xf32>, vector<256x256xf32> -> vector<256x256xf32>
    %mul3A_38 = vector.broadcast %get3A_10 : vector<256x1xf32> to vector<256x256xf32>
    %mul3A_39 = arith.mulf %mul3A_38, %dot_general3A_37 : vector<256x256xf32>
    %add3A_40 = arith.addf %add3A_32, %mul3A_39 : vector<256x256xf32>
    %get3A_41 = arith.constant 0 : index
    %get3A_42 = arith.constant 0 : index
    %get3A_43 = vector.load %arg11[%get3A_41, %get3A_42] : memref<1x256xf32, #tpu.memory_space<vmem>>, vector<1x256xf32>
    %mul3A_44 = vector.broadcast %get3A_7 : vector<256x1xf32> to vector<256x256xf32>
    %mul3A_45 = vector.broadcast %get3A_43 : vector<1x256xf32> to vector<256x256xf32>
    %mul3A_46 = arith.mulf %mul3A_44, %mul3A_45 : vector<256x256xf32>
    %add3A_47 = arith.addf %add3A_40, %mul3A_46 : vector<256x256xf32>
    %get3A_48 = arith.constant 0 : index
    %get3A_49 = arith.constant 0 : index
    %get3A_50 = vector.load %arg12[%get3A_48, %get3A_49] : memref<1x256xf32, #tpu.memory_space<vmem>>, vector<1x256xf32>
    %mul3A_51 = vector.broadcast %get3A_10 : vector<256x1xf32> to vector<256x256xf32>
    %mul3A_52 = vector.broadcast %get3A_50 : vector<1x256xf32> to vector<256x256xf32>
    %mul3A_53 = arith.mulf %mul3A_51, %mul3A_52 : vector<256x256xf32>
    %add3A_54 = arith.addf %add3A_47, %mul3A_53 : vector<256x256xf32>
    %convert_element_type3A = arith.truncf %add3A_54 : vector<256x256xf32> to vector<256x256xbf16>
    %convert_element_type3A_55 = arith.extf %convert_element_type3A : vector<256x256xbf16> to vector<256x256xf32>
    %get3A_56 = arith.constant 0 : index
    %get3A_57 = arith.constant 0 : index
    %get3A_58 = vector.load %arg13[%get3A_56, %get3A_57] : memref<256x384xf32, #tpu.memory_space<vmem>>, vector<256x384xf32>
    %dot_general3A_59 = arith.constant dense<0.000000e+00> : vector<256x384xf32>
    %dot_general3A_60 = tpu.matmul %convert_element_type3A_55, %get3A_58, %dot_general3A_59 {dimension_numbers = #tpu.dot_dimension_numbers<[1], [0], [0], [1], [0, 0, 1, 1], [], []>, precision = #tpu.contract_precision<fp32>, transpose_lhs_hint = false} : vector<256x256xf32>, vector<256x384xf32>, vector<256x384xf32> -> vector<256x384xf32>
    %get3A_61 = arith.constant 0 : index
    %get3A_62 = arith.constant 0 : index
    %get3A_63 = vector.load %arg15[%get3A_61, %get3A_62] : memref<1x384xf32, #tpu.memory_space<vmem>>, vector<1x384xf32>
    %add3A_64 = vector.broadcast %get3A_63 : vector<1x384xf32> to vector<256x384xf32>
    %add3A_65 = arith.addf %dot_general3A_60, %add3A_64 : vector<256x384xf32>
    %get3A_66 = arith.constant 0 : index
    %get3A_67 = arith.constant 0 : index
    %get3A_68 = vector.load %arg14[%get3A_66, %get3A_67] : memref<128x384xf32, #tpu.memory_space<vmem>>, vector<128x384xf32>
    %dot_general3A_69 = arith.constant dense<0.000000e+00> : vector<256x384xf32>
    %dot_general3A_70 = tpu.matmul %get3A_4, %get3A_68, %dot_general3A_69 {dimension_numbers = #tpu.dot_dimension_numbers<[1], [0], [0], [1], [0, 0, 1, 1], [], []>, precision = #tpu.contract_precision<fp32>, transpose_lhs_hint = false} : vector<256x128xf32>, vector<128x384xf32>, vector<256x384xf32> -> vector<256x384xf32>
    %get3A_71 = arith.constant 0 : index
    %get3A_72 = arith.constant 0 : index
    %get3A_73 = vector.load %arg16[%get3A_71, %get3A_72] : memref<1x384xf32, #tpu.memory_space<vmem>>, vector<1x384xf32>
    %add3A_74 = vector.broadcast %get3A_73 : vector<1x384xf32> to vector<256x384xf32>
    %add3A_75 = arith.addf %dot_general3A_70, %add3A_74 : vector<256x384xf32>
    %slice3A = vector.extract_strided_slice %add3A_65 {offsets = [0, 0], sizes = [256, 128], strides = [1, 1]} : vector<256x384xf32> to vector<256x128xf32>
    %slice3A_76 = vector.extract_strided_slice %add3A_75 {offsets = [0, 0], sizes = [256, 128], strides = [1, 1]} : vector<256x384xf32> to vector<256x128xf32>
    %add3A_77 = arith.addf %slice3A, %slice3A_76 : vector<256x128xf32>
    %logistic3A = arith.negf %add3A_77 : vector<256x128xf32>
    %logistic3A_78 = math.exp %logistic3A : vector<256x128xf32>
    %logistic3A_79 = arith.constant 1.000000e+00 : f32
    %logistic3A_80 = vector.broadcast %logistic3A_79 : f32 to vector<256x128xf32>
    %logistic3A_81 = arith.addf %logistic3A_80, %logistic3A_78 : vector<256x128xf32>
    %logistic3A_82 = arith.divf %logistic3A_80, %logistic3A_81 : vector<256x128xf32>
    %slice3A_83 = vector.extract_strided_slice %add3A_65 {offsets = [0, 128], sizes = [256, 128], strides = [1, 1]} : vector<256x384xf32> to vector<256x128xf32>
    %slice3A_84 = vector.extract_strided_slice %add3A_75 {offsets = [0, 128], sizes = [256, 128], strides = [1, 1]} : vector<256x384xf32> to vector<256x128xf32>
    %add3A_85 = arith.addf %slice3A_83, %slice3A_84 : vector<256x128xf32>
    %logistic3A_86 = arith.negf %add3A_85 : vector<256x128xf32>
    %logistic3A_87 = math.exp %logistic3A_86 : vector<256x128xf32>
    %logistic3A_88 = arith.constant 1.000000e+00 : f32
    %logistic3A_89 = vector.broadcast %logistic3A_88 : f32 to vector<256x128xf32>
    %logistic3A_90 = arith.addf %logistic3A_89, %logistic3A_87 : vector<256x128xf32>
    %logistic3A_91 = arith.divf %logistic3A_89, %logistic3A_90 : vector<256x128xf32>
    %slice3A_92 = vector.extract_strided_slice %add3A_65 {offsets = [0, 256], sizes = [256, 128], strides = [1, 1]} : vector<256x384xf32> to vector<256x128xf32>
    %slice3A_93 = vector.extract_strided_slice %add3A_75 {offsets = [0, 256], sizes = [256, 128], strides = [1, 1]} : vector<256x384xf32> to vector<256x128xf32>
    %mul3A_94 = arith.mulf %logistic3A_82, %slice3A_93 : vector<256x128xf32>
    %add3A_95 = arith.addf %slice3A_92, %mul3A_94 : vector<256x128xf32>
    %tanh3A = math.tanh %add3A_95 : vector<256x128xf32>
    %sub3A = arith.constant 1.000000e+00 : f32
    %sub3A_96 = vector.broadcast %sub3A : f32 to vector<256x128xf32>
    %sub3A_97 = arith.subf %sub3A_96, %logistic3A_91 : vector<256x128xf32>
    %mul3A_98 = arith.mulf %sub3A_97, %tanh3A : vector<256x128xf32>
    %mul3A_99 = arith.mulf %logistic3A_91, %get3A_1 : vector<256x128xf32>
    %add3A_100 = arith.addf %mul3A_98, %mul3A_99 : vector<256x128xf32>
    %swap3A = arith.constant 0 : index
    %swap3A_101 = arith.constant 0 : index
    %swap3A_102 = vector.load %arg17[%swap3A, %swap3A_101] : memref<256x128xf32, #tpu.memory_space<vmem>>, vector<256x128xf32>
    tpu.vector_store %arg17[%swap3A, %swap3A_101], %add3A_100 {strides = array<i32>} : memref<256x128xf32, #tpu.memory_space<vmem>>, vector<256x128xf32>,
    %convert_element_type3A_103 = arith.truncf %add3A_100 : vector<256x128xf32> to vector<256x128xbf16>
    %convert_element_type3A_104 = arith.extf %convert_element_type3A_103 : vector<256x128xbf16> to vector<256x128xf32>
    %swap3A_105 = arith.constant 0 : index
    %swap3A_106 = arith.constant 0 : index
    %swap3A_107 = vector.load %arg18[%swap3A_105, %swap3A_106] : memref<256x128xf32, #tpu.memory_space<vmem>>, vector<256x128xf32>
    tpu.vector_store %arg18[%swap3A_105, %swap3A_106], %convert_element_type3A_104 {strides = array<i32>} : memref<256x128xf32, #tpu.memory_space<vmem>>, vector<256x128xf32>,
    return
  }
  func.func @transform_0(%arg0: i32) -> (i32, i32) {
    %c0_i32 = arith.constant 0 : i32
    %c0_i32_0 = arith.constant 0 : i32
    return %arg0, %c0_i32 : i32, i32
  }
  func.func @transform_1(%arg0: i32) -> (i32, i32) {
    %c0_i32 = arith.constant 0 : i32
    %c0_i32_0 = arith.constant 0 : i32
    return %arg0, %c0_i32 : i32, i32
  }
  func.func @transform_2(%arg0: i32) -> (i32, i32) {
    %c0_i32 = arith.constant 0 : i32
    %c0_i32_0 = arith.constant 0 : i32
    return %arg0, %c0_i32 : i32, i32
  }
  func.func @transform_3(%arg0: i32) -> (i32, i32) {
    %c0_i32 = arith.constant 0 : i32
    %c0_i32_0 = arith.constant 0 : i32
    return %arg0, %c0_i32 : i32, i32
  }
  func.func @transform_4(%arg0: i32) -> (i32, i32) {
    %c0_i32 = arith.constant 0 : i32
    %c0_i32_0 = arith.constant 0 : i32
    return %arg0, %c0_i32 : i32, i32
  }
  func.func @transform_5(%arg0: i32) -> (i32, i32) {
    %c0_i32 = arith.constant 0 : i32
    %c0_i32_0 = arith.constant 0 : i32
    return %arg0, %c0_i32 : i32, i32
  }
  func.func @transform_6(%arg0: i32) -> (i32, i32) {
    %c0_i32 = arith.constant 0 : i32
    %c0_i32_0 = arith.constant 0 : i32
    %c0_i32_1 = arith.constant 0 : i32
    return %c0_i32, %c0_i32_0 : i32, i32
  }
  func.func @transform_7(%arg0: i32) -> (i32, i32) {
    %c0_i32 = arith.constant 0 : i32
    %c0_i32_0 = arith.constant 0 : i32
    %c0_i32_1 = arith.constant 0 : i32
    return %c0_i32, %c0_i32_0 : i32, i32
  }
  func.func @transform_8(%arg0: i32) -> (i32, i32) {
    %c0_i32 = arith.constant 0 : i32
    %c0_i32_0 = arith.constant 0 : i32
    %c0_i32_1 = arith.constant 0 : i32
    return %c0_i32, %c0_i32_0 : i32, i32
  }
  func.func @transform_9(%arg0: i32) -> (i32, i32) {
    %c0_i32 = arith.constant 0 : i32
    %c0_i32_0 = arith.constant 0 : i32
    %c0_i32_1 = arith.constant 0 : i32
    return %c0_i32, %c0_i32_0 : i32, i32
  }
  func.func @transform_10(%arg0: i32) -> (i32, i32) {
    %c0_i32 = arith.constant 0 : i32
    %c0_i32_0 = arith.constant 0 : i32
    %c0_i32_1 = arith.constant 0 : i32
    return %c0_i32, %c0_i32_0 : i32, i32
  }
  func.func @transform_11(%arg0: i32) -> (i32, i32) {
    %c0_i32 = arith.constant 0 : i32
    %c0_i32_0 = arith.constant 0 : i32
    %c0_i32_1 = arith.constant 0 : i32
    return %c0_i32, %c0_i32_0 : i32, i32
  }
  func.func @transform_12(%arg0: i32) -> (i32, i32) {
    %c0_i32 = arith.constant 0 : i32
    %c0_i32_0 = arith.constant 0 : i32
    %c0_i32_1 = arith.constant 0 : i32
    return %c0_i32, %c0_i32_0 : i32, i32
  }
  func.func @transform_13(%arg0: i32) -> (i32, i32) {
    %c0_i32 = arith.constant 0 : i32
    %c0_i32_0 = arith.constant 0 : i32
    %c0_i32_1 = arith.constant 0 : i32
    return %c0_i32, %c0_i32_0 : i32, i32
  }
  func.func @transform_14(%arg0: i32) -> (i32, i32) {
    %c0_i32 = arith.constant 0 : i32
    %c0_i32_0 = arith.constant 0 : i32
    %c0_i32_1 = arith.constant 0 : i32
    return %c0_i32, %c0_i32_0 : i32, i32
  }
  func.func @transform_15(%arg0: i32) -> (i32, i32) {
    %c0_i32 = arith.constant 0 : i32
    %c0_i32_0 = arith.constant 0 : i32
    %c0_i32_1 = arith.constant 0 : i32
    return %c0_i32, %c0_i32_0 : i32, i32
  }
  func.func @transform_16(%arg0: i32) -> (i32, i32) {
    %c0_i32 = arith.constant 0 : i32
    %c0_i32_0 = arith.constant 0 : i32
    return %arg0, %c0_i32 : i32, i32
  }
  func.func @transform_17(%arg0: i32) -> (i32, i32) {
    %c0_i32 = arith.constant 0 : i32
    %c0_i32_0 = arith.constant 0 : i32
    return %arg0, %c0_i32 : i32, i32
  }
}

module attributes {stable_mosaic.version = 14 : i64} {
  func.func @body(%arg0: i32, %arg1: memref<240x128xf32, #tpu.memory_space<vmem>>, %arg2: memref<8x8xf32, #tpu.memory_space<vmem>>, %arg3: memref<240x8xf32, #tpu.memory_space<vmem>>, %arg4: memref<1x1x240xi32, #tpu.memory_space<vmem>>, %arg5: memref<8x8xf32, #tpu.memory_space<vmem>>, %arg6: memref<1x8xf32, #tpu.memory_space<vmem>>, %arg7: memref<128x256xf32, #tpu.memory_space<vmem>>, %arg8: memref<8x256xf32, #tpu.memory_space<vmem>>, %arg9: memref<1x256xf32, #tpu.memory_space<vmem>>, %arg10: memref<128x8xf32, #tpu.memory_space<vmem>>, %arg11: memref<8x8xf32, #tpu.memory_space<vmem>>, %arg12: memref<1x8xf32, #tpu.memory_space<vmem>>, %arg13: memref<256x256xf32, #tpu.memory_space<vmem>>) attributes {dimension_semantics = [#tpu.dimension_semantics<arbitrary>], iteration_bounds = array<i64: 32>, scalar_prefetch = 0 : i64, scratch_operands = 0 : i64, tpu.core_type = #tpu.core_type<tc>, window_params = [{transform_indices = @transform_0, window_bounds = array<i64: 240, 128>}, {transform_indices = @transform_1, window_bounds = array<i64: 8, 8>}, {pipeline_mode = #tpu.pipeline_mode<synchronous>, transform_indices = @transform_2, window_bounds = array<i64: 240, 8>}, {transform_indices = @transform_3, window_bounds = array<i64: 1, 1, 240>}, {pipeline_mode = #tpu.pipeline_mode<synchronous>, transform_indices = @transform_4, window_bounds = array<i64: 8, 8>}, {pipeline_mode = #tpu.pipeline_mode<synchronous>, transform_indices = @transform_5, window_bounds = array<i64: 1, 8>}, {pipeline_mode = #tpu.pipeline_mode<synchronous>, transform_indices = @transform_6, window_bounds = array<i64: 128, 256>}, {pipeline_mode = #tpu.pipeline_mode<synchronous>, transform_indices = @transform_7, window_bounds = array<i64: 8, 256>}, {pipeline_mode = #tpu.pipeline_mode<synchronous>, transform_indices = @transform_8, window_bounds = array<i64: 1, 256>}, {pipeline_mode = #tpu.pipeline_mode<synchronous>, transform_indices = @transform_9, window_bounds = array<i64: 128, 8>}, {pipeline_mode = #tpu.pipeline_mode<synchronous>, transform_indices = @transform_10, window_bounds = array<i64: 8, 8>}, {pipeline_mode = #tpu.pipeline_mode<synchronous>, transform_indices = @transform_11, window_bounds = array<i64: 1, 8>}, {pipeline_mode = #tpu.pipeline_mode<synchronous>, transform_indices = @transform_12, window_bounds = array<i64: 256, 256>}]} {
    %get3A = arith.constant 0 : index
    %get3A_0 = arith.constant 0 : index
    %get3A_1 = vector.load %arg2[%get3A, %get3A_0] : memref<8x8xf32, #tpu.memory_space<vmem>>, vector<8x8xf32>
    %get3A_2 = arith.constant 0 : index
    %get3A_3 = arith.constant 0 : index
    %get3A_4 = vector.load %arg5[%get3A_2, %get3A_3] : memref<8x8xf32, #tpu.memory_space<vmem>>, vector<8x8xf32>
    %dot_general3A = arith.constant dense<0.000000e+00> : vector<8x8xf32>
    %dot_general3A_5 = tpu.matmul %get3A_1, %get3A_4, %dot_general3A {dimension_numbers = #tpu.dot_dimension_numbers<[1], [0], [0], [1], [0, 0, 1, 1], [], []>, precision = #tpu.contract_precision<fp32>, transpose_lhs_hint = false} : vector<8x8xf32>, vector<8x8xf32>, vector<8x8xf32> -> vector<8x8xf32>
    %get3A_6 = arith.constant 0 : index
    %get3A_7 = arith.constant 0 : index
    %get3A_8 = vector.load %arg6[%get3A_6, %get3A_7] : memref<1x8xf32, #tpu.memory_space<vmem>>, vector<1x8xf32>
    %add3A = vector.broadcast %get3A_8 : vector<1x8xf32> to vector<8x8xf32>
    %add3A_9 = arith.addf %dot_general3A_5, %add3A : vector<8x8xf32>
    %max3A = arith.constant 0.000000e+00 : f32
    %max3A_10 = vector.broadcast %max3A : f32 to vector<8x8xf32>
    %max3A_11 = arith.maximumf %add3A_9, %max3A_10 : vector<8x8xf32>
    %get3A_12 = arith.constant 0 : index
    %get3A_13 = arith.constant 0 : index
    %get3A_14 = vector.load %arg3[%get3A_12, %get3A_13] : memref<240x8xf32, #tpu.memory_space<vmem>>, vector<240x8xf32>
    %dot_general3A_15 = arith.constant dense<0.000000e+00> : vector<240x8xf32>
    %dot_general3A_16 = tpu.matmul %get3A_14, %max3A_11, %dot_general3A_15 {dimension_numbers = #tpu.dot_dimension_numbers<[1], [0], [0], [1], [0, 0, 1, 1], [], []>, precision = #tpu.contract_precision<fp32>, transpose_lhs_hint = false} : vector<240x8xf32>, vector<8x8xf32>, vector<240x8xf32> -> vector<240x8xf32>
    %convert_element_type3A = arith.truncf %dot_general3A_16 : vector<240x8xf32> to vector<240x8xbf16>
    %convert_element_type3A_17 = arith.extf %convert_element_type3A : vector<240x8xbf16> to vector<240x8xf32>
    %get3A_18 = arith.constant 0 : index
    %get3A_19 = arith.constant 0 : index
    %get3A_20 = vector.load %arg1[%get3A_18, %get3A_19] : memref<240x128xf32, #tpu.memory_space<vmem>>, vector<240x128xf32>
    %get3A_21 = arith.constant 0 : index
    %get3A_22 = arith.constant 0 : index
    %get3A_23 = vector.load %arg7[%get3A_21, %get3A_22] : memref<128x256xf32, #tpu.memory_space<vmem>>, vector<128x256xf32>
    %dot_general3A_24 = arith.constant dense<0.000000e+00> : vector<240x256xf32>
    %dot_general3A_25 = tpu.matmul %get3A_20, %get3A_23, %dot_general3A_24 {dimension_numbers = #tpu.dot_dimension_numbers<[1], [0], [0], [1], [0, 0, 1, 1], [], []>, precision = #tpu.contract_precision<fp32>, transpose_lhs_hint = false} : vector<240x128xf32>, vector<128x256xf32>, vector<240x256xf32> -> vector<240x256xf32>
    %get3A_26 = arith.constant 0 : index
    %get3A_27 = arith.constant 0 : index
    %get3A_28 = vector.load %arg8[%get3A_26, %get3A_27] : memref<8x256xf32, #tpu.memory_space<vmem>>, vector<8x256xf32>
    %dot_general3A_29 = arith.constant dense<0.000000e+00> : vector<240x256xf32>
    %dot_general3A_30 = tpu.matmul %convert_element_type3A_17, %get3A_28, %dot_general3A_29 {dimension_numbers = #tpu.dot_dimension_numbers<[1], [0], [0], [1], [0, 0, 1, 1], [], []>, precision = #tpu.contract_precision<fp32>, transpose_lhs_hint = false} : vector<240x8xf32>, vector<8x256xf32>, vector<240x256xf32> -> vector<240x256xf32>
    %add3A_31 = arith.addf %dot_general3A_25, %dot_general3A_30 : vector<240x256xf32>
    %get3A_32 = arith.constant 0 : index
    %get3A_33 = arith.constant 0 : index
    %get3A_34 = vector.load %arg9[%get3A_32, %get3A_33] : memref<1x256xf32, #tpu.memory_space<vmem>>, vector<1x256xf32>
    %add3A_35 = vector.broadcast %get3A_34 : vector<1x256xf32> to vector<240x256xf32>
    %add3A_36 = arith.addf %add3A_31, %add3A_35 : vector<240x256xf32>
    %get3A_37 = arith.constant 0 : index
    %get3A_38 = arith.constant 0 : index
    %get3A_39 = vector.load %arg10[%get3A_37, %get3A_38] : memref<128x8xf32, #tpu.memory_space<vmem>>, vector<128x8xf32>
    %dot_general3A_40 = arith.constant dense<0.000000e+00> : vector<240x8xf32>
    %dot_general3A_41 = tpu.matmul %get3A_20, %get3A_39, %dot_general3A_40 {dimension_numbers = #tpu.dot_dimension_numbers<[1], [0], [0], [1], [0, 0, 1, 1], [], []>, precision = #tpu.contract_precision<fp32>, transpose_lhs_hint = false} : vector<240x128xf32>, vector<128x8xf32>, vector<240x8xf32> -> vector<240x8xf32>
    %get3A_42 = arith.constant 0 : index
    %get3A_43 = arith.constant 0 : index
    %get3A_44 = vector.load %arg11[%get3A_42, %get3A_43] : memref<8x8xf32, #tpu.memory_space<vmem>>, vector<8x8xf32>
    %dot_general3A_45 = arith.constant dense<0.000000e+00> : vector<240x8xf32>
    %dot_general3A_46 = tpu.matmul %convert_element_type3A_17, %get3A_44, %dot_general3A_45 {dimension_numbers = #tpu.dot_dimension_numbers<[1], [0], [0], [1], [0, 0, 1, 1], [], []>, precision = #tpu.contract_precision<fp32>, transpose_lhs_hint = false} : vector<240x8xf32>, vector<8x8xf32>, vector<240x8xf32> -> vector<240x8xf32>
    %add3A_47 = arith.addf %dot_general3A_41, %dot_general3A_46 : vector<240x8xf32>
    %get3A_48 = arith.constant 0 : index
    %get3A_49 = arith.constant 0 : index
    %get3A_50 = vector.load %arg12[%get3A_48, %get3A_49] : memref<1x8xf32, #tpu.memory_space<vmem>>, vector<1x8xf32>
    %add3A_51 = vector.broadcast %get3A_50 : vector<1x8xf32> to vector<240x8xf32>
    %add3A_52 = arith.addf %add3A_47, %add3A_51 : vector<240x8xf32>
    %slice3A = vector.extract_strided_slice %add3A_52 {offsets = [0, 0], sizes = [240, 1], strides = [1, 1]} : vector<240x8xf32> to vector<240x1xf32>
    %logistic3A = arith.negf %slice3A : vector<240x1xf32>
    %logistic3A_53 = math.exp %logistic3A : vector<240x1xf32>
    %logistic3A_54 = arith.constant 1.000000e+00 : f32
    %logistic3A_55 = vector.broadcast %logistic3A_54 : f32 to vector<240x1xf32>
    %logistic3A_56 = arith.addf %logistic3A_55, %logistic3A_53 : vector<240x1xf32>
    %logistic3A_57 = arith.divf %logistic3A_55, %logistic3A_56 : vector<240x1xf32>
    %mul3A = vector.broadcast %logistic3A_57 : vector<240x1xf32> to vector<240x256xf32>
    %mul3A_58 = arith.mulf %add3A_36, %mul3A : vector<240x256xf32>
    %get3A_59 = arith.constant 0 : index
    %get3A_60 = arith.constant 0 : index
    %get3A_61 = arith.constant 0 : index
    %get3A_62 = vector.load %arg4[%get3A_59, %get3A_60, %get3A_61] : memref<1x1x240xi32, #tpu.memory_space<vmem>>, vector<1x1x240xi32>
    %get3A_63 = vector.shape_cast %get3A_62 : vector<1x1x240xi32> to vector<240xi32>
    %broadcast_in_dim3A = vector.shape_cast %get3A_63 : vector<240xi32> to vector<240x1xi32>
    %iota3A = tpu.iota {dimensions = array<i32: 1>} : vector<240x256xi32>
    %eq3A = vector.broadcast %broadcast_in_dim3A : vector<240x1xi32> to vector<240x256xi32>
    %eq3A_64 = arith.cmpi eq, %eq3A, %iota3A : vector<240x256xi32>
    %convert_element_type3A_65 = arith.extui %eq3A_64 : vector<240x256xi1> to vector<240x256xi32>
    %convert_element_type3A_66 = arith.sitofp %convert_element_type3A_65 : vector<240x256xi32> to vector<240x256xf32>
    %dot_general3A_67 = arith.constant dense<0.000000e+00> : vector<256x256xf32>
    %dot_general3A_68 = tpu.matmul %convert_element_type3A_66, %mul3A_58, %dot_general3A_67 {dimension_numbers = #tpu.dot_dimension_numbers<[0], [0], [1], [1], [0, 1, 1, 1], [], []>, precision = #tpu.contract_precision<fp32>, transpose_lhs_hint = false} : vector<240x256xf32>, vector<240x256xf32>, vector<256x256xf32> -> vector<256x256xf32>
    %eq3A_69 = arith.constant 0 : i32
    %eq3A_70 = arith.cmpi eq, %arg0, %eq3A_69 : i32
    %convert_element_type3A_71 = arith.extui %eq3A_70 : i1 to i32
    %cond3A = arith.constant 0 : i32
    %cond3A_72 = arith.cmpi ne, %convert_element_type3A_71, %cond3A : i32
    scf.if %cond3A_72 {
      %swap3A = arith.constant 0 : index
      %swap3A_77 = arith.constant 0 : index
      %swap3A_78 = vector.load %arg13[%swap3A, %swap3A_77] : memref<256x256xf32, #tpu.memory_space<vmem>>, vector<256x256xf32>
      tpu.vector_store %arg13[%swap3A, %swap3A_77], %dot_general3A_68 {strides = array<i32>} : memref<256x256xf32, #tpu.memory_space<vmem>>, vector<256x256xf32>,
    } else {
    }
    %gt3A = arith.constant 0 : i32
    %gt3A_73 = arith.cmpi sgt, %arg0, %gt3A : i32
    %convert_element_type3A_74 = arith.extui %gt3A_73 : i1 to i32
    %cond3A_75 = arith.constant 0 : i32
    %cond3A_76 = arith.cmpi ne, %convert_element_type3A_74, %cond3A_75 : i32
    scf.if %cond3A_76 {
      %get3A_77 = arith.constant 0 : index
      %get3A_78 = arith.constant 0 : index
      %get3A_79 = vector.load %arg13[%get3A_77, %get3A_78] : memref<256x256xf32, #tpu.memory_space<vmem>>, vector<256x256xf32>
      %add3A_80 = arith.addf %get3A_79, %dot_general3A_68 : vector<256x256xf32>
      %swap3A = arith.constant 0 : index
      %swap3A_81 = arith.constant 0 : index
      %swap3A_82 = vector.load %arg13[%swap3A, %swap3A_81] : memref<256x256xf32, #tpu.memory_space<vmem>>, vector<256x256xf32>
      tpu.vector_store %arg13[%swap3A, %swap3A_81], %add3A_80 {strides = array<i32>} : memref<256x256xf32, #tpu.memory_space<vmem>>, vector<256x256xf32>,
    } else {
    }
    return
  }
  func.func @transform_0(%arg0: i32) -> (i32, i32) {
    %c0_i32 = arith.constant 0 : i32
    %c0_i32_0 = arith.constant 0 : i32
    return %arg0, %c0_i32 : i32, i32
  }
  func.func @transform_1(%arg0: i32) -> (i32, i32) {
    %c0_i32 = arith.constant 0 : i32
    %c0_i32_0 = arith.constant 0 : i32
    return %arg0, %c0_i32 : i32, i32
  }
  func.func @transform_2(%arg0: i32) -> (i32, i32) {
    %c0_i32 = arith.constant 0 : i32
    %c0_i32_0 = arith.constant 0 : i32
    %c0_i32_1 = arith.constant 0 : i32
    return %c0_i32, %c0_i32_0 : i32, i32
  }
  func.func @transform_3(%arg0: i32) -> (i32, i32, i32) {
    %c0_i32 = arith.constant 0 : i32
    %c0_i32_0 = arith.constant 0 : i32
    %c0_i32_1 = arith.constant 0 : i32
    return %arg0, %c0_i32, %c0_i32_0 : i32, i32, i32
  }
  func.func @transform_4(%arg0: i32) -> (i32, i32) {
    %c0_i32 = arith.constant 0 : i32
    %c0_i32_0 = arith.constant 0 : i32
    %c0_i32_1 = arith.constant 0 : i32
    return %c0_i32, %c0_i32_0 : i32, i32
  }
  func.func @transform_5(%arg0: i32) -> (i32, i32) {
    %c0_i32 = arith.constant 0 : i32
    %c0_i32_0 = arith.constant 0 : i32
    %c0_i32_1 = arith.constant 0 : i32
    return %c0_i32, %c0_i32_0 : i32, i32
  }
  func.func @transform_6(%arg0: i32) -> (i32, i32) {
    %c0_i32 = arith.constant 0 : i32
    %c0_i32_0 = arith.constant 0 : i32
    %c0_i32_1 = arith.constant 0 : i32
    return %c0_i32, %c0_i32_0 : i32, i32
  }
  func.func @transform_7(%arg0: i32) -> (i32, i32) {
    %c0_i32 = arith.constant 0 : i32
    %c0_i32_0 = arith.constant 0 : i32
    %c0_i32_1 = arith.constant 0 : i32
    return %c0_i32, %c0_i32_0 : i32, i32
  }
  func.func @transform_8(%arg0: i32) -> (i32, i32) {
    %c0_i32 = arith.constant 0 : i32
    %c0_i32_0 = arith.constant 0 : i32
    %c0_i32_1 = arith.constant 0 : i32
    return %c0_i32, %c0_i32_0 : i32, i32
  }
  func.func @transform_9(%arg0: i32) -> (i32, i32) {
    %c0_i32 = arith.constant 0 : i32
    %c0_i32_0 = arith.constant 0 : i32
    %c0_i32_1 = arith.constant 0 : i32
    return %c0_i32, %c0_i32_0 : i32, i32
  }
  func.func @transform_10(%arg0: i32) -> (i32, i32) {
    %c0_i32 = arith.constant 0 : i32
    %c0_i32_0 = arith.constant 0 : i32
    %c0_i32_1 = arith.constant 0 : i32
    return %c0_i32, %c0_i32_0 : i32, i32
  }
  func.func @transform_11(%arg0: i32) -> (i32, i32) {
    %c0_i32 = arith.constant 0 : i32
    %c0_i32_0 = arith.constant 0 : i32
    %c0_i32_1 = arith.constant 0 : i32
    return %c0_i32, %c0_i32_0 : i32, i32
  }
  func.func @transform_12(%arg0: i32) -> (i32, i32) {
    %c0_i32 = arith.constant 0 : i32
    %c0_i32_0 = arith.constant 0 : i32
    %c0_i32_1 = arith.constant 0 : i32
    return %c0_i32, %c0_i32_0 : i32, i32
  }
}

module attributes {stable_mosaic.version = 14 : i64} {
  func.func @body(%arg0: i32, %arg1: memref<256x128xf32, #tpu.memory_space<vmem>>, %arg2: memref<256x128xf32, #tpu.memory_space<vmem>>, %arg3: memref<256x128xf32, #tpu.memory_space<vmem>>, %arg4: memref<256x128xf32, #tpu.memory_space<vmem>>, %arg5: memref<256x16xf32, #tpu.memory_space<vmem>>, %arg6: memref<256x16xf32, #tpu.memory_space<vmem>>, %arg7: memref<128x256xf32, #tpu.memory_space<vmem>>, %arg8: memref<128x256xf32, #tpu.memory_space<vmem>>, %arg9: memref<128x256xf32, #tpu.memory_space<vmem>>, %arg10: memref<128x256xf32, #tpu.memory_space<vmem>>, %arg11: memref<1x256xf32, #tpu.memory_space<vmem>>, %arg12: memref<1x256xf32, #tpu.memory_space<vmem>>, %arg13: memref<256x384xf32, #tpu.memory_space<vmem>>, %arg14: memref<128x384xf32, #tpu.memory_space<vmem>>, %arg15: memref<1x384xf32, #tpu.memory_space<vmem>>, %arg16: memref<1x384xf32, #tpu.memory_space<vmem>>, %arg17: memref<256x128xf32, #tpu.memory_space<vmem>>, %arg18: memref<256x128xf32, #tpu.memory_space<vmem>>) attributes {dimension_semantics = [#tpu.dimension_semantics<arbitrary>], iteration_bounds = array<i64: 30>, scalar_prefetch = 0 : i64, scratch_operands = 0 : i64, tpu.core_type = #tpu.core_type<tc>, window_params = [{transform_indices = @transform_0, window_bounds = array<i64: 256, 128>}, {transform_indices = @transform_1, window_bounds = array<i64: 256, 128>}, {transform_indices = @transform_2, window_bounds = array<i64: 256, 128>}, {transform_indices = @transform_3, window_bounds = array<i64: 256, 128>}, {transform_indices = @transform_4, window_bounds = array<i64: 256, 16>}, {transform_indices = @transform_5, window_bounds = array<i64: 256, 16>}, {pipeline_mode = #tpu.pipeline_mode<synchronous>, transform_indices = @transform_6, window_bounds = array<i64: 128, 256>}, {pipeline_mode = #tpu.pipeline_mode<synchronous>, transform_indices = @transform_7, window_bounds = array<i64: 128, 256>}, {pipeline_mode = #tpu.pipeline_mode<synchronous>, transform_indices = @transform_8, window_bounds = array<i64: 128, 256>}, {pipeline_mode = #tpu.pipeline_mode<synchronous>, transform_indices = @transform_9, window_bounds = array<i64: 128, 256>}, {pipeline_mode = #tpu.pipeline_mode<synchronous>, transform_indices = @transform_10, window_bounds = array<i64: 1, 256>}, {pipeline_mode = #tpu.pipeline_mode<synchronous>, transform_indices = @transform_11, window_bounds = array<i64: 1, 256>}, {pipeline_mode = #tpu.pipeline_mode<synchronous>, transform_indices = @transform_12, window_bounds = array<i64: 256, 384>}, {pipeline_mode = #tpu.pipeline_mode<synchronous>, transform_indices = @transform_13, window_bounds = array<i64: 128, 384>}, {pipeline_mode = #tpu.pipeline_mode<synchronous>, transform_indices = @transform_14, window_bounds = array<i64: 1, 384>}, {pipeline_mode = #tpu.pipeline_mode<synchronous>, transform_indices = @transform_15, window_bounds = array<i64: 1, 384>}, {transform_indices = @transform_16, window_bounds = array<i64: 256, 128>}, {transform_indices = @transform_17, window_bounds = array<i64: 256, 128>}]} {
    %get3A = arith.constant 0 : index
    %get3A_0 = arith.constant 0 : index
    %get3A_1 = vector.load %arg3[%get3A, %get3A_0] : memref<256x128xf32, #tpu.memory_space<vmem>>, vector<256x128xf32>
    %get3A_2 = arith.constant 0 : index
    %get3A_3 = arith.constant 0 : index
    %get3A_4 = vector.load %arg4[%get3A_2, %get3A_3] : memref<256x128xf32, #tpu.memory_space<vmem>>, vector<256x128xf32>
    %get3A_5 = arith.constant 0 : index
    %get3A_6 = arith.constant 0 : index
    %get3A_7 = vector.load %arg5[%get3A_5, %get3A_6] : memref<256x16xf32, #tpu.memory_space<vmem>>, vector<256x1xf32>
    %get3A_8 = arith.constant 0 : index
    %get3A_9 = arith.constant 0 : index
    %get3A_10 = vector.load %arg6[%get3A_8, %get3A_9] : memref<256x16xf32, #tpu.memory_space<vmem>>, vector<256x1xf32>
    %get3A_11 = arith.constant 0 : index
    %get3A_12 = arith.constant 0 : index
    %get3A_13 = vector.load %arg1[%get3A_11, %get3A_12] : memref<256x128xf32, #tpu.memory_space<vmem>>, vector<256x128xf32>
    %get3A_14 = arith.constant 0 : index
    %get3A_15 = arith.constant 0 : index
    %get3A_16 = vector.load %arg7[%get3A_14, %get3A_15] : memref<128x256xf32, #tpu.memory_space<vmem>>, vector<128x256xf32>
    %dot_general3A = arith.constant dense<0.000000e+00> : vector<256x256xf32>
    %dot_general3A_17 = tpu.matmul %get3A_13, %get3A_16, %dot_general3A {dimension_numbers = #tpu.dot_dimension_numbers<[1], [0], [0], [1], [0, 0, 1, 1], [], []>, precision = #tpu.contract_precision<fp32>, transpose_lhs_hint = false} : vector<256x128xf32>, vector<128x256xf32>, vector<256x256xf32> -> vector<256x256xf32>
    %get3A_18 = arith.constant 0 : index
    %get3A_19 = arith.constant 0 : index
    %get3A_20 = vector.load %arg2[%get3A_18, %get3A_19] : memref<256x128xf32, #tpu.memory_space<vmem>>, vector<256x128xf32>
    %get3A_21 = arith.constant 0 : index
    %get3A_22 = arith.constant 0 : index
    %get3A_23 = vector.load %arg8[%get3A_21, %get3A_22] : memref<128x256xf32, #tpu.memory_space<vmem>>, vector<128x256xf32>
    %dot_general3A_24 = arith.constant dense<0.000000e+00> : vector<256x256xf32>
    %dot_general3A_25 = tpu.matmul %get3A_20, %get3A_23, %dot_general3A_24 {dimension_numbers = #tpu.dot_dimension_numbers<[1], [0], [0], [1], [0, 0, 1, 1], [], []>, precision = #tpu.contract_precision<fp32>, transpose_lhs_hint = false} : vector<256x128xf32>, vector<128x256xf32>, vector<256x256xf32> -> vector<256x256xf32>
    %add3A = arith.addf %dot_general3A_17, %dot_general3A_25 : vector<256x256xf32>
    %get3A_26 = arith.constant 0 : index
    %get3A_27 = arith.constant 0 : index
    %get3A_28 = vector.load %arg9[%get3A_26, %get3A_27] : memref<128x256xf32, #tpu.memory_space<vmem>>, vector<128x256xf32>
    %dot_general3A_29 = arith.constant dense<0.000000e+00> : vector<256x256xf32>
    %dot_general3A_30 = tpu.matmul %get3A_4, %get3A_28, %dot_general3A_29 {dimension_numbers = #tpu.dot_dimension_numbers<[1], [0], [0], [1], [0, 0, 1, 1], [], []>, precision = #tpu.contract_precision<fp32>, transpose_lhs_hint = false} : vector<256x128xf32>, vector<128x256xf32>, vector<256x256xf32> -> vector<256x256xf32>
    %mul3A = vector.broadcast %get3A_7 : vector<256x1xf32> to vector<256x256xf32>
    %mul3A_31 = arith.mulf %mul3A, %dot_general3A_30 : vector<256x256xf32>
    %add3A_32 = arith.addf %add3A, %mul3A_31 : vector<256x256xf32>
    %get3A_33 = arith.constant 0 : index
    %get3A_34 = arith.constant 0 : index
    %get3A_35 = vector.load %arg10[%get3A_33, %get3A_34] : memref<128x256xf32, #tpu.memory_space<vmem>>, vector<128x256xf32>
    %dot_general3A_36 = arith.constant dense<0.000000e+00> : vector<256x256xf32>
    %dot_general3A_37 = tpu.matmul %get3A_4, %get3A_35, %dot_general3A_36 {dimension_numbers = #tpu.dot_dimension_numbers<[1], [0], [0], [1], [0, 0, 1, 1], [], []>, precision = #tpu.contract_precision<fp32>, transpose_lhs_hint = false} : vector<256x128xf32>, vector<128x256xf32>, vector<256x256xf32> -> vector<256x256xf32>
    %mul3A_38 = vector.broadcast %get3A_10 : vector<256x1xf32> to vector<256x256xf32>
    %mul3A_39 = arith.mulf %mul3A_38, %dot_general3A_37 : vector<256x256xf32>
    %add3A_40 = arith.addf %add3A_32, %mul3A_39 : vector<256x256xf32>
    %get3A_41 = arith.constant 0 : index
    %get3A_42 = arith.constant 0 : index
    %get3A_43 = vector.load %arg11[%get3A_41, %get3A_42] : memref<1x256xf32, #tpu.memory_space<vmem>>, vector<1x256xf32>
    %mul3A_44 = vector.broadcast %get3A_7 : vector<256x1xf32> to vector<256x256xf32>
    %mul3A_45 = vector.broadcast %get3A_43 : vector<1x256xf32> to vector<256x256xf32>
    %mul3A_46 = arith.mulf %mul3A_44, %mul3A_45 : vector<256x256xf32>
    %add3A_47 = arith.addf %add3A_40, %mul3A_46 : vector<256x256xf32>
    %get3A_48 = arith.constant 0 : index
    %get3A_49 = arith.constant 0 : index
    %get3A_50 = vector.load %arg12[%get3A_48, %get3A_49] : memref<1x256xf32, #tpu.memory_space<vmem>>, vector<1x256xf32>
    %mul3A_51 = vector.broadcast %get3A_10 : vector<256x1xf32> to vector<256x256xf32>
    %mul3A_52 = vector.broadcast %get3A_50 : vector<1x256xf32> to vector<256x256xf32>
    %mul3A_53 = arith.mulf %mul3A_51, %mul3A_52 : vector<256x256xf32>
    %add3A_54 = arith.addf %add3A_47, %mul3A_53 : vector<256x256xf32>
    %convert_element_type3A = arith.truncf %add3A_54 : vector<256x256xf32> to vector<256x256xbf16>
    %convert_element_type3A_55 = arith.extf %convert_element_type3A : vector<256x256xbf16> to vector<256x256xf32>
    %get3A_56 = arith.constant 0 : index
    %get3A_57 = arith.constant 0 : index
    %get3A_58 = vector.load %arg13[%get3A_56, %get3A_57] : memref<256x384xf32, #tpu.memory_space<vmem>>, vector<256x384xf32>
    %dot_general3A_59 = arith.constant dense<0.000000e+00> : vector<256x384xf32>
    %dot_general3A_60 = tpu.matmul %convert_element_type3A_55, %get3A_58, %dot_general3A_59 {dimension_numbers = #tpu.dot_dimension_numbers<[1], [0], [0], [1], [0, 0, 1, 1], [], []>, precision = #tpu.contract_precision<fp32>, transpose_lhs_hint = false} : vector<256x256xf32>, vector<256x384xf32>, vector<256x384xf32> -> vector<256x384xf32>
    %get3A_61 = arith.constant 0 : index
    %get3A_62 = arith.constant 0 : index
    %get3A_63 = vector.load %arg15[%get3A_61, %get3A_62] : memref<1x384xf32, #tpu.memory_space<vmem>>, vector<1x384xf32>
    %add3A_64 = vector.broadcast %get3A_63 : vector<1x384xf32> to vector<256x384xf32>
    %add3A_65 = arith.addf %dot_general3A_60, %add3A_64 : vector<256x384xf32>
    %get3A_66 = arith.constant 0 : index
    %get3A_67 = arith.constant 0 : index
    %get3A_68 = vector.load %arg14[%get3A_66, %get3A_67] : memref<128x384xf32, #tpu.memory_space<vmem>>, vector<128x384xf32>
    %dot_general3A_69 = arith.constant dense<0.000000e+00> : vector<256x384xf32>
    %dot_general3A_70 = tpu.matmul %get3A_4, %get3A_68, %dot_general3A_69 {dimension_numbers = #tpu.dot_dimension_numbers<[1], [0], [0], [1], [0, 0, 1, 1], [], []>, precision = #tpu.contract_precision<fp32>, transpose_lhs_hint = false} : vector<256x128xf32>, vector<128x384xf32>, vector<256x384xf32> -> vector<256x384xf32>
    %get3A_71 = arith.constant 0 : index
    %get3A_72 = arith.constant 0 : index
    %get3A_73 = vector.load %arg16[%get3A_71, %get3A_72] : memref<1x384xf32, #tpu.memory_space<vmem>>, vector<1x384xf32>
    %add3A_74 = vector.broadcast %get3A_73 : vector<1x384xf32> to vector<256x384xf32>
    %add3A_75 = arith.addf %dot_general3A_70, %add3A_74 : vector<256x384xf32>
    %slice3A = vector.extract_strided_slice %add3A_65 {offsets = [0, 0], sizes = [256, 128], strides = [1, 1]} : vector<256x384xf32> to vector<256x128xf32>
    %slice3A_76 = vector.extract_strided_slice %add3A_75 {offsets = [0, 0], sizes = [256, 128], strides = [1, 1]} : vector<256x384xf32> to vector<256x128xf32>
    %add3A_77 = arith.addf %slice3A, %slice3A_76 : vector<256x128xf32>
    %logistic3A = arith.negf %add3A_77 : vector<256x128xf32>
    %logistic3A_78 = math.exp %logistic3A : vector<256x128xf32>
    %logistic3A_79 = arith.constant 1.000000e+00 : f32
    %logistic3A_80 = vector.broadcast %logistic3A_79 : f32 to vector<256x128xf32>
    %logistic3A_81 = arith.addf %logistic3A_80, %logistic3A_78 : vector<256x128xf32>
    %logistic3A_82 = arith.divf %logistic3A_80, %logistic3A_81 : vector<256x128xf32>
    %slice3A_83 = vector.extract_strided_slice %add3A_65 {offsets = [0, 128], sizes = [256, 128], strides = [1, 1]} : vector<256x384xf32> to vector<256x128xf32>
    %slice3A_84 = vector.extract_strided_slice %add3A_75 {offsets = [0, 128], sizes = [256, 128], strides = [1, 1]} : vector<256x384xf32> to vector<256x128xf32>
    %add3A_85 = arith.addf %slice3A_83, %slice3A_84 : vector<256x128xf32>
    %logistic3A_86 = arith.negf %add3A_85 : vector<256x128xf32>
    %logistic3A_87 = math.exp %logistic3A_86 : vector<256x128xf32>
    %logistic3A_88 = arith.constant 1.000000e+00 : f32
    %logistic3A_89 = vector.broadcast %logistic3A_88 : f32 to vector<256x128xf32>
    %logistic3A_90 = arith.addf %logistic3A_89, %logistic3A_87 : vector<256x128xf32>
    %logistic3A_91 = arith.divf %logistic3A_89, %logistic3A_90 : vector<256x128xf32>
    %slice3A_92 = vector.extract_strided_slice %add3A_65 {offsets = [0, 256], sizes = [256, 128], strides = [1, 1]} : vector<256x384xf32> to vector<256x128xf32>
    %slice3A_93 = vector.extract_strided_slice %add3A_75 {offsets = [0, 256], sizes = [256, 128], strides = [1, 1]} : vector<256x384xf32> to vector<256x128xf32>
    %mul3A_94 = arith.mulf %logistic3A_82, %slice3A_93 : vector<256x128xf32>
    %add3A_95 = arith.addf %slice3A_92, %mul3A_94 : vector<256x128xf32>
    %tanh3A = math.tanh %add3A_95 : vector<256x128xf32>
    %sub3A = arith.constant 1.000000e+00 : f32
    %sub3A_96 = vector.broadcast %sub3A : f32 to vector<256x128xf32>
    %sub3A_97 = arith.subf %sub3A_96, %logistic3A_91 : vector<256x128xf32>
    %mul3A_98 = arith.mulf %sub3A_97, %tanh3A : vector<256x128xf32>
    %mul3A_99 = arith.mulf %logistic3A_91, %get3A_1 : vector<256x128xf32>
    %add3A_100 = arith.addf %mul3A_98, %mul3A_99 : vector<256x128xf32>
    %swap3A = arith.constant 0 : index
    %swap3A_101 = arith.constant 0 : index
    %swap3A_102 = vector.load %arg17[%swap3A, %swap3A_101] : memref<256x128xf32, #tpu.memory_space<vmem>>, vector<256x128xf32>
    tpu.vector_store %arg17[%swap3A, %swap3A_101], %add3A_100 {strides = array<i32>} : memref<256x128xf32, #tpu.memory_space<vmem>>, vector<256x128xf32>,
    %convert_element_type3A_103 = arith.truncf %add3A_100 : vector<256x128xf32> to vector<256x128xbf16>
    %convert_element_type3A_104 = arith.extf %convert_element_type3A_103 : vector<256x128xbf16> to vector<256x128xf32>
    %swap3A_105 = arith.constant 0 : index
    %swap3A_106 = arith.constant 0 : index
    %swap3A_107 = vector.load %arg18[%swap3A_105, %swap3A_106] : memref<256x128xf32, #tpu.memory_space<vmem>>, vector<256x128xf32>
    tpu.vector_store %arg18[%swap3A_105, %swap3A_106], %convert_element_type3A_104 {strides = array<i32>} : memref<256x128xf32, #tpu.memory_space<vmem>>, vector<256x128xf32>,
    return
  }
  func.func @transform_0(%arg0: i32) -> (i32, i32) {
    %c0_i32 = arith.constant 0 : i32
    %c0_i32_0 = arith.constant 0 : i32
    return %arg0, %c0_i32 : i32, i32
  }
  func.func @transform_1(%arg0: i32) -> (i32, i32) {
    %c0_i32 = arith.constant 0 : i32
    %c0_i32_0 = arith.constant 0 : i32
    return %arg0, %c0_i32 : i32, i32
  }
  func.func @transform_2(%arg0: i32) -> (i32, i32) {
    %c0_i32 = arith.constant 0 : i32
    %c0_i32_0 = arith.constant 0 : i32
    return %arg0, %c0_i32 : i32, i32
  }
  func.func @transform_3(%arg0: i32) -> (i32, i32) {
    %c0_i32 = arith.constant 0 : i32
    %c0_i32_0 = arith.constant 0 : i32
    return %arg0, %c0_i32 : i32, i32
  }
  func.func @transform_4(%arg0: i32) -> (i32, i32) {
    %c0_i32 = arith.constant 0 : i32
    %c0_i32_0 = arith.constant 0 : i32
    return %arg0, %c0_i32 : i32, i32
  }
  func.func @transform_5(%arg0: i32) -> (i32, i32) {
    %c0_i32 = arith.constant 0 : i32
    %c0_i32_0 = arith.constant 0 : i32
    return %arg0, %c0_i32 : i32, i32
  }
  func.func @transform_6(%arg0: i32) -> (i32, i32) {
    %c0_i32 = arith.constant 0 : i32
    %c0_i32_0 = arith.constant 0 : i32
    %c0_i32_1 = arith.constant 0 : i32
    return %c0_i32, %c0_i32_0 : i32, i32
  }
  func.func @transform_7(%arg0: i32) -> (i32, i32) {
    %c0_i32 = arith.constant 0 : i32
    %c0_i32_0 = arith.constant 0 : i32
    %c0_i32_1 = arith.constant 0 : i32
    return %c0_i32, %c0_i32_0 : i32, i32
  }
  func.func @transform_8(%arg0: i32) -> (i32, i32) {
    %c0_i32 = arith.constant 0 : i32
    %c0_i32_0 = arith.constant 0 : i32
    %c0_i32_1 = arith.constant 0 : i32
    return %c0_i32, %c0_i32_0 : i32, i32
  }
  func.func @transform_9(%arg0: i32) -> (i32, i32) {
    %c0_i32 = arith.constant 0 : i32
    %c0_i32_0 = arith.constant 0 : i32
    %c0_i32_1 = arith.constant 0 : i32
    return %c0_i32, %c0_i32_0 : i32, i32
  }
  func.func @transform_10(%arg0: i32) -> (i32, i32) {
    %c0_i32 = arith.constant 0 : i32
    %c0_i32_0 = arith.constant 0 : i32
    %c0_i32_1 = arith.constant 0 : i32
    return %c0_i32, %c0_i32_0 : i32, i32
  }
  func.func @transform_11(%arg0: i32) -> (i32, i32) {
    %c0_i32 = arith.constant 0 : i32
    %c0_i32_0 = arith.constant 0 : i32
    %c0_i32_1 = arith.constant 0 : i32
    return %c0_i32, %c0_i32_0 : i32, i32
  }
  func.func @transform_12(%arg0: i32) -> (i32, i32) {
    %c0_i32 = arith.constant 0 : i32
    %c0_i32_0 = arith.constant 0 : i32
    %c0_i32_1 = arith.constant 0 : i32
    return %c0_i32, %c0_i32_0 : i32, i32
  }
  func.func @transform_13(%arg0: i32) -> (i32, i32) {
    %c0_i32 = arith.constant 0 : i32
    %c0_i32_0 = arith.constant 0 : i32
    %c0_i32_1 = arith.constant 0 : i32
    return %c0_i32, %c0_i32_0 : i32, i32
  }
  func.func @transform_14(%arg0: i32) -> (i32, i32) {
    %c0_i32 = arith.constant 0 : i32
    %c0_i32_0 = arith.constant 0 : i32
    %c0_i32_1 = arith.constant 0 : i32
    return %c0_i32, %c0_i32_0 : i32, i32
  }
  func.func @transform_15(%arg0: i32) -> (i32, i32) {
    %c0_i32 = arith.constant 0 : i32
    %c0_i32_0 = arith.constant 0 : i32
    %c0_i32_1 = arith.constant 0 : i32
    return %c0_i32, %c0_i32_0 : i32, i32
  }
  func.func @transform_16(%arg0: i32) -> (i32, i32) {
    %c0_i32 = arith.constant 0 : i32
    %c0_i32_0 = arith.constant 0 : i32
    return %arg0, %c0_i32 : i32, i32
  }
  func.func @transform_17(%arg0: i32) -> (i32, i32) {
    %c0_i32 = arith.constant 0 : i32
    %c0_i32_0 = arith.constant 0 : i32
    return %arg0, %c0_i32 : i32, i32
  }
}

module attributes {stable_mosaic.version = 14 : i64} {
  func.func @body(%arg0: memref<256x256xf32, #tpu.memory_space<vmem>>, %arg1: memref<256x128xf32, #tpu.memory_space<vmem>>, %arg2: memref<1x128xf32, #tpu.memory_space<vmem>>, %arg3: memref<128x64xf32, #tpu.memory_space<vmem>>, %arg4: memref<1x64xf32, #tpu.memory_space<vmem>>, %arg5: memref<64x8xf32, #tpu.memory_space<vmem>>, %arg6: memref<1x8xf32, #tpu.memory_space<vmem>>, %arg7: memref<256x8xf32, #tpu.memory_space<vmem>>) attributes {dimension_semantics = [], scalar_prefetch = 0 : i64, scratch_operands = 0 : i64, tpu.core_type = #tpu.core_type<tc>} {
    %get3A = arith.constant 0 : index
    %get3A_0 = arith.constant 0 : index
    %get3A_1 = vector.load %arg0[%get3A, %get3A_0] : memref<256x256xf32, #tpu.memory_space<vmem>>, vector<256x256xf32>
    %convert_element_type3A = arith.truncf %get3A_1 : vector<256x256xf32> to vector<256x256xbf16>
    %convert_element_type3A_2 = arith.extf %convert_element_type3A : vector<256x256xbf16> to vector<256x256xf32>
    %get3A_3 = arith.constant 0 : index
    %get3A_4 = arith.constant 0 : index
    %get3A_5 = vector.load %arg1[%get3A_3, %get3A_4] : memref<256x128xf32, #tpu.memory_space<vmem>>, vector<256x128xf32>
    %dot_general3A = arith.constant dense<0.000000e+00> : vector<256x128xf32>
    %dot_general3A_6 = tpu.matmul %convert_element_type3A_2, %get3A_5, %dot_general3A {dimension_numbers = #tpu.dot_dimension_numbers<[1], [0], [0], [1], [0, 0, 1, 1], [], []>, precision = #tpu.contract_precision<fp32>, transpose_lhs_hint = false} : vector<256x256xf32>, vector<256x128xf32>, vector<256x128xf32> -> vector<256x128xf32>
    %get3A_7 = arith.constant 0 : index
    %get3A_8 = arith.constant 0 : index
    %get3A_9 = vector.load %arg2[%get3A_7, %get3A_8] : memref<1x128xf32, #tpu.memory_space<vmem>>, vector<1x128xf32>
    %add3A = vector.broadcast %get3A_9 : vector<1x128xf32> to vector<256x128xf32>
    %add3A_10 = arith.addf %dot_general3A_6, %add3A : vector<256x128xf32>
    %max3A = arith.constant 0.000000e+00 : f32
    %max3A_11 = vector.broadcast %max3A : f32 to vector<256x128xf32>
    %max3A_12 = arith.maximumf %add3A_10, %max3A_11 : vector<256x128xf32>
    %convert_element_type3A_13 = arith.truncf %max3A_12 : vector<256x128xf32> to vector<256x128xbf16>
    %convert_element_type3A_14 = arith.extf %convert_element_type3A_13 : vector<256x128xbf16> to vector<256x128xf32>
    %get3A_15 = arith.constant 0 : index
    %get3A_16 = arith.constant 0 : index
    %get3A_17 = vector.load %arg3[%get3A_15, %get3A_16] : memref<128x64xf32, #tpu.memory_space<vmem>>, vector<128x64xf32>
    %dot_general3A_18 = arith.constant dense<0.000000e+00> : vector<256x64xf32>
    %dot_general3A_19 = tpu.matmul %convert_element_type3A_14, %get3A_17, %dot_general3A_18 {dimension_numbers = #tpu.dot_dimension_numbers<[1], [0], [0], [1], [0, 0, 1, 1], [], []>, precision = #tpu.contract_precision<fp32>, transpose_lhs_hint = false} : vector<256x128xf32>, vector<128x64xf32>, vector<256x64xf32> -> vector<256x64xf32>
    %get3A_20 = arith.constant 0 : index
    %get3A_21 = arith.constant 0 : index
    %get3A_22 = vector.load %arg4[%get3A_20, %get3A_21] : memref<1x64xf32, #tpu.memory_space<vmem>>, vector<1x64xf32>
    %add3A_23 = vector.broadcast %get3A_22 : vector<1x64xf32> to vector<256x64xf32>
    %add3A_24 = arith.addf %dot_general3A_19, %add3A_23 : vector<256x64xf32>
    %max3A_25 = arith.constant 0.000000e+00 : f32
    %max3A_26 = vector.broadcast %max3A_25 : f32 to vector<256x64xf32>
    %max3A_27 = arith.maximumf %add3A_24, %max3A_26 : vector<256x64xf32>
    %convert_element_type3A_28 = arith.truncf %max3A_27 : vector<256x64xf32> to vector<256x64xbf16>
    %convert_element_type3A_29 = arith.extf %convert_element_type3A_28 : vector<256x64xbf16> to vector<256x64xf32>
    %get3A_30 = arith.constant 0 : index
    %get3A_31 = arith.constant 0 : index
    %get3A_32 = vector.load %arg5[%get3A_30, %get3A_31] : memref<64x8xf32, #tpu.memory_space<vmem>>, vector<64x8xf32>
    %dot_general3A_33 = arith.constant dense<0.000000e+00> : vector<256x8xf32>
    %dot_general3A_34 = tpu.matmul %convert_element_type3A_29, %get3A_32, %dot_general3A_33 {dimension_numbers = #tpu.dot_dimension_numbers<[1], [0], [0], [1], [0, 0, 1, 1], [], []>, precision = #tpu.contract_precision<fp32>, transpose_lhs_hint = false} : vector<256x64xf32>, vector<64x8xf32>, vector<256x8xf32> -> vector<256x8xf32>
    %get3A_35 = arith.constant 0 : index
    %get3A_36 = arith.constant 0 : index
    %get3A_37 = vector.load %arg6[%get3A_35, %get3A_36] : memref<1x8xf32, #tpu.memory_space<vmem>>, vector<1x8xf32>
    %add3A_38 = vector.broadcast %get3A_37 : vector<1x8xf32> to vector<256x8xf32>
    %add3A_39 = arith.addf %dot_general3A_34, %add3A_38 : vector<256x8xf32>
    %swap3A = arith.constant 0 : index
    %swap3A_40 = arith.constant 0 : index
    %swap3A_41 = vector.load %arg7[%swap3A, %swap3A_40] : memref<256x8xf32, #tpu.memory_space<vmem>>, vector<256x8xf32>
    tpu.vector_store %arg7[%swap3A, %swap3A_40], %add3A_39 {strides = array<i32>} : memref<256x8xf32, #tpu.memory_space<vmem>>, vector<256x8xf32>,
    return
  }
}

</mosaic_0001>

<sc_bundles>
// kernel: kernel.12.cloned.1.call-start
scs
__scs_entry_jumppad:
0x0: {  	(pc) =	sbr.rel $0x88, $3  }
0x1: {  	(tag) =	ssettag $0x0;
	lr =	simm.s32 $0x1  }
0x2: {  	[smem:$0x3F78] =	sst lr;
	_ =	strace $0xD0000000  }
0x3: {  	_ = 	snop  }
0x4: {  	_ = 	snop  }
0x5: {  	_ = 	snop  }
0x6: {  	_ = 	snop  }
0x7: {  	_ = 	snop  }
__scs_overlays_trampoline_lowered:
0x8: {  	[smem:$0x3F87] =	sst s0  }
0x9: {  	[smem:$0x3F88] =	sst s1  }
0xa: {  	[smem:$0x3F89] =	sst s2  }
0xb: {  	[smem:$0x3F8A] =	sst s3  }
0xc: {  	[smem:$0x3F8B] =	sst s4  }
0xd: {  	[smem:$0x3F8C] =	sst s5  }
0xe: {  	[smem:$0x3F8D] =	sst s6  }
0xf: {  	[smem:$0x3F8E] =	sst s7  }
0x10: {  	[smem:$0x3F8F] =	sst s8  }
0x11: {  	[smem:$0x3F90] =	sst s9;
	s0 =	simm.s32 @!p0 $0x0  }
0x12: {  	s1 =	sld [smem:$0x3F76];
	s0 =	simm.s32 @p0 $0x1  }
0x13: {  	[smem:$0x3F91] =	sst s0;
	s0 =	simm.s32 @!p1 $0x0  }
0x14: {  	s2 =	sld [smem:$0x3F75];
	s0 =	simm.s32 @p1 $0x1  }
0x15: {  	[smem:$0x3F92] =	sst s0;
	s0 =	simm.s32 @!p2 $0x0  }
0x16: {  	s3 =	sld [smem:$0x3FDB];
	s0 =	simm.s32 @p2 $0x1  }
0x17: {  	s4 =	simm.s32 $0x1BF5;
	[smem:$0x3F94] =	sst s0  }
0x18: {  	s0 =	sld [smem:$0x3F77];
	_ =	swait.ge [sflag:s4], $0x0  }
0x19: {  	s7 =	sld [smem:$0x3F78]  }
0x1a: {  	s8 =	sadd.s32 $0xFFFFE003, lr  }
0x1b: {  	s9 =	sadd.s32 $0xFFFFFEF7, lr;
	s5 =	simm.s32 $0xFFFFFFFF;
	p2 =	slt.u32 s8, $0xFFFFF086  }
0x1c: {  	p1 =	slt.u32 s9, $0xF7A;
	s5 =	simm.s32 @!p2 $0x0  }
0x1d: {  	s5 =	simm.s32 @p1 $0x1;
	p0 =	seq.s32 s7, s2  }
0x1e: {  	s7 =	smul.u32 @!p0 $0xF7A, s2;
	p2 =	seq.s32 @!p0 s5, $0x0  }
0x1f: {  	s9 =	smul.u32 $0xF7A, s1;
	s8 =	simm.s32 @!p0 $0x1BF5;
	p2 =	por !p2, p0  }
0x20: {  	[sflag:s8] =	ssyncset.s32 @!p0 $0xFFFFF086;
	s6 =	sadd.s32 @!p0 s3, s7;
	s7 =	simm.s32 @!p0 $0x108  }
0x21: {  	s3 =	sadd.s32 s3, s9;
	s6 =	sadd.s32 @!p0 $0x88, s6;
	s7 =	simm.s32 @p2 $0x1082  }
0x22: {  	[simem:s7], [sflag:s8] =	dma.local @!p0 [hbm:s6], $0xF7A  }
0x23: {  	s9 =	sor.u32 $0xD0000000, s2;
	s6 =	simm.s32 $0x108;
	_ =	swait.ge @!p0 [sflag:s8], $0x0  }
0x24: {  	s3 =	sadd.s32 $0x88, s3;
	s6 =	simm.s32 @!p1 $0x1082;
	[sflag:s4] =	ssyncset.s32 $0xFFFFF086  }
0x25: {  	[simem:s6], [sflag:s4] =	dma.local [hbm:s3], $0xF7A  }
0x26: {  	[smem:$0x3F78] =	sst s1;
	(tag) =	ssettag s2;
	_ =	strace s9  }
0x27: {  	s1 =	sld [smem:$0x3F88]  }
0x28: {  	s2 =	sld [smem:$0x3F89]  }
0x29: {  	s4 =	sld [smem:$0x3F8B]  }
0x2a: {  	p0 =	seq.s32 s5, $0x0;
	s5 =	sld [smem:$0x3F8C]  }
0x2b: {  	s6 =	sld [smem:$0x3F8D]  }
0x2c: {  	s7 =	sld [smem:$0x3F8E]  }
0x2d: {  	s3 =	simm.s32 $0x108;
	s8 =	sld [smem:$0x3F8F]  }
0x2e: {  	s3 =	simm.s32 @!p0 $0x1082;
	s9 =	sld [smem:$0x3F90]  }
0x2f: {  	lr =	sadd.s32 s0, s3;
	s0 =	sld [smem:$0x3F87]  }
0x30: {  	s3 =	sld [smem:$0x3F8A]  }
0x31: {  	[smem:$0x3F93] =	sst s10  }
0x32: {  	s10 =	sld [smem:$0x3F91];
	_ =	sdelay $0x3  }
0x33: {  	p0 =	seq.s32 s10, $0x1;
	s10 =	sld [smem:$0x3F93];
	_ =	sdelay $0x3  }
0x34: {  	[smem:$0x3F93] =	sst s10  }
0x35: {  	s10 =	sld [smem:$0x3F92];
	_ =	sdelay $0x3  }
0x36: {  	p1 =	seq.s32 s10, $0x1;
	s10 =	sld [smem:$0x3F93];
	_ =	sdelay $0x3  }
0x37: {  	[smem:$0x3F93] =	sst s10  }
0x38: {  	s10 =	sld [smem:$0x3F94]  }
0x39: {  	_ = 	snop;
	(pc) =	sbr.ind lr, $3  }
0x3a: {  	_ = 	snop  }
0x3b: {  	_ = 	snop  }
0x3c: {  	p2 =	seq.s32 s10, $0x1;
	s10 =	sld [smem:$0x3F93]  }
0x3d: {  	_ =	shalt  }
0x3e: {  	_ =	shalt  }
0x3f: {  	_ =	shalt  }
0x40: {  	_ =	shalt  }
0x41: {  	_ =	shalt  }
0x42: {  	_ =	shalt  }
0x43: {  	_ =	shalt  }
0x44: {  	_ =	shalt  }
0x45: {  	_ =	shalt  }
0x46: {  	_ =	shalt  }
0x47: {  	_ =	shalt  }
0x48: {  	_ =	shalt  }
0x49: {  	_ =	shalt  }
0x4a: {  	_ =	shalt  }
0x4b: {  	_ =	shalt  }
0x4c: {  	_ =	shalt  }
0x4d: {  	_ =	shalt  }
0x4e: {  	_ =	shalt  }
0x4f: {  	_ =	shalt  }
0x50: {  	_ =	shalt  }
0x51: {  	_ =	shalt  }
0x52: {  	_ =	shalt  }
0x53: {  	_ =	shalt  }
0x54: {  	_ =	shalt  }
0x55: {  	_ =	shalt  }
0x56: {  	_ =	shalt  }
0x57: {  	_ =	shalt  }
0x58: {  	_ =	shalt  }
0x59: {  	_ =	shalt  }
0x5a: {  	_ =	shalt  }
0x5b: {  	_ =	shalt  }
0x5c: {  	_ =	shalt  }
0x5d: {  	_ =	shalt  }
0x5e: {  	_ =	shalt  }
0x5f: {  	_ =	shalt  }
0x60: {  	_ =	shalt  }
0x61: {  	_ =	shalt  }
0x62: {  	_ =	shalt  }
0x63: {  	_ =	shalt  }
0x64: {  	_ =	shalt  }
0x65: {  	_ =	shalt  }
0x66: {  	_ =	shalt  }
0x67: {  	_ =	shalt  }
0x68: {  	_ =	shalt  }
0x69: {  	_ =	shalt  }
0x6a: {  	_ =	shalt  }
0x6b: {  	_ =	shalt  }
0x6c: {  	_ =	shalt  }
0x6d: {  	_ =	shalt  }
0x6e: {  	_ =	shalt  }
0x6f: {  	_ =	shalt  }
0x70: {  	_ =	shalt  }
0x71: {  	_ =	shalt  }
0x72: {  	_ =	shalt  }
0x73: {  	_ =	shalt  }
0x74: {  	_ =	shalt  }
0x75: {  	_ =	shalt  }
0x76: {  	_ =	shalt  }
0x77: {  	_ =	shalt  }
0x78: {  	_ =	shalt  }
0x79: {  	_ =	shalt  }
0x7a: {  	_ =	shalt  }
0x7b: {  	_ =	shalt  }
0x7c: {  	_ =	shalt  }
0x7d: {  	_ =	shalt  }
0x7e: {  	_ =	shalt  }
0x7f: {  	_ =	shalt  }
0x80: {  	_ =	shalt  }
0x81: {  	_ =	shalt  }
0x82: {  	_ =	shalt  }
0x83: {  	_ =	shalt  }
0x84: {  	_ =	shalt  }
0x85: {  	_ =	shalt  }
0x86: {  	_ =	shalt  }
0x87: {  	_ =	shalt  }
.Lfunc_end0:
.L_simem_size_0:
called_computation_lowered:
.L_overlay_start_0:
0x88: {  	s2 =	sld [smem:$0x3FD9]  }
0x89: {  	s3 =	sld [smem:$0x3FFE];
	_ =	sdelay $0x1  }
0x8a: {  	s1 =	srdreg.scid  }
0x8b: {  	s0 =	sand.u32 $0x1, s1  }
0x8c: {  	s17 =	sshll.u32 s0, $0xA;
	s2 =	sadd.s32 s3, s2  }
0x8d: {  	s2 =	sadd.s32 s2, s17  }
0x8e: {  	[smem:$0x3F9F] =	sst s2  }
0x8f: {  	_ = 	snop  }
0x90: {  	(tm) =	ssettm $0x1  }
0x91: {  	s18 =	sld [smem:$0x3FFB];
	_ =	sdelay $0x3  }
0x92: {  	_ =	strace s18  }
0x93: {  	s2 =	sld [smem:$0x3FFC];
	_ =	sdelay $0x3  }
0x94: {  	_ =	strace s2  }
0x95: {  	s2 =	sld [smem:$0x3FFD];
	_ =	sdelay $0x3  }
0x96: {  	_ =	strace s2  }
0x97: {  	_ =	strace $0x8FFFFFFF  }
0x98: {  	s19 =	sld [smem:$0x3FDB];
	_ =	sdelay $0x1  }
0x99: {  	s20 =	simm.s32 $_scs_section_size  }
0x9a: {  	s4 =	simm.s32 $_size__tile_overlayer_lowered;
	s5 =	simm.s32 $_tile_overlayer_lowered  }
0x9b: {  	s6 =	simm.s32 $0x1BFF;
	s21 =	sshll.u32 s5, $0x1;
	s3 =	sadd.s32 s20, s19  }
0x9c: {  	s22 =	simm.s32 $0x0;
	s4 =	sshll.u32 s4, $0x1;
	s5 =	sadd.s32 s21, s3  }
0x9d: {  	[timem:s22], [sflag:s6] =	dma.local [hbm:s5], s4  }
0x9e: {  	_ =	swait.ge [sflag:s6], s4  }
0x9f: {  	s4 =	ssub.s32 $0x0, s4;
	[sflag:s6] =	ssyncset.done $0x0  }
0xa0: {  	[sflag:s6] =	ssyncadd.s32 s4;
	_ =	sdelay $0x1  }
0xa1: {  	s23 =	simm.s32 $0x1B8B  }
0xa2: {  	_ =	swait.ge [sflag:s23], $0x1  }
0xa3: {  	[sflag:s23] =	ssyncset.done $0x0  }
0xa4: {  	[sflag:s23] =	ssyncadd.s32 $0xFFFFFFFF  }
0xa5: {  	s4 =	sld [smem:$0x0]  }
0xa6: {  	s5 =	sand.u32 $0xFFFFFFFE, s1  }
0xa7: {  	p0 =	sne.s32 s1, s5  }
0xa8: {  	s5 =	sshll.u32 @p0 s5, $0xE  }
0xa9: {  	s5 =	sadd.s32 @p0 $0x11B8D, s5;
	s6 =	sshll.u32 @p0 s4, $0x11  }
0xaa: {  	s5 =	sor.u32 @p0 s6, s5  }
0xab: {  	[sflag:s5] =	ssyncadd.remote.s32 @p0 $0x1;
	_ =	sdelay $0x1  }
0xac: {  	s5 =	simm.s32 @p0 $0x1B8D  }
0xad: {  	_ =	swait.eq @p0 [sflag:s5], $0x1  }
0xae: {  	[sflag:s5] =	ssyncadd.s32 @p0 $0xFFFFFFFF  }
0xaf: {  	s6 =	sshll.u32 @!p0 s1, $0xE  }
0xb0: {  	s6 =	sor.u32 @!p0 $0x4000, s6;
	s5 =	simm.s32 @!p0 $0x1B8D  }
0xb1: {  	s4 =	sshll.u32 @!p0 s4, $0x11;
	s6 =	sadd.s32 @!p0 $0x11B8D, s6;
	_ =	swait.eq @!p0 [sflag:s5], $0x1  }
0xb2: {  	s4 =	sor.u32 @!p0 s4, s6;
	[sflag:s5] =	ssyncadd.s32 @!p0 $0xFFFFFFFF  }
0xb3: {  	s25 =	simm.s32 $0x1B8E;
	s24 =	sld [smem:$0x3FFE];
	[sflag:s4] =	ssyncadd.remote.s32 @!p0 $0x1  }
0xb4: {  	s26 =	simm.s32 $execute0_lowered;
	[smem:$0x3FD2] =	sst s25  }
0xb5: {  	s5 =	sshll.u32 s26, $0x1;
	_ =	strace $0x80000049;
	[dreg:$0x1] =	wrdreg $0xFFFFFFFF  }
0xb6: {  	s28 =	simm.s32 $_size_execute0_lowered;
	s3 =	sadd.s32 s3, s5;
	[dreg:$0x0] =	wrdreg $0x0  }
0xb7: {  	s5 =	sshll.u32 s28, $0x1;
	[dreg:$0x2] =	wrdreg s3  }
0xb8: {  	[dreg:$0x3] =	wrdreg s5  }
0xb9: {  	[dreg:$0x4] =	wrdreg $0xC0  }
0xba: {  	_ =	task [dreg:s22], $0x5FFFF  }
0xbb: {  	[dreg:$0x1] =	wrdreg $0xFFFFFFFF  }
0xbc: {  	[dreg:$0x0] =	wrdreg $0x60  }
0xbd: {  	[dreg:$0x2] =	wrdreg s24  }
0xbe: {  	[dreg:$0x3] =	wrdreg $0xC0000  }
0xbf: {  	[dreg:$0x4] =	wrdreg $0x9  }
0xc0: {  	_ =	task.clear_ibuf [dreg:s22], $0x5FFFF;
	_ =	strace $0x90000049  }
0xc1: {  	s29 =	simm.s32 $0x9;
	_ =	strace $0x8000004B  }
0xc2: {  	_ =	swait.ge [sflag:s29], $0x1  }
0xc3: {  	[sflag:s29] =	ssyncadd.s32 $0xFFFFFFFF  }
0xc4: {  	_ =	strace $0x9000004B  }
0xc5: {  	_ =	sfence  }
0xc6: {  	s30 =	sld [smem:$0x0];
	_ =	sdelay $0x2  }
0xc7: {  	s31 =	sshll.u32 s1, $0xD;
	s1 =	sshrl.u32 s1, $0x2  }
0xc8: {  	s4 =	sand.u32 $0x4000, s31;
	s1 =	sadd.s32 s1, s30  }
0xc9: {  	s0 =	sor.u32 s4, s0;
	s1 =	sshll.u32 s1, $0x11  }
0xca: {  	s0 =	sor.u32 s1, s0  }
0xcb: {  	s0 =	sadd.s32 $0x8F2B, s0  }
0xcc: {  	[sflag:s0] =	ssyncadd.remote.s32 $0x1  }
0xcd: {  	_ =	sfence.sel $0xFFFF  }
0xce: {  	[dreg:$0x0] =	wrdreg $0xFFFFFFFF;
	(pc) =	sbr.abs _section_cstart, $3  }
0xcf: {  	[dreg:$0x1] =	wrdreg $0xFFFFFFFF  }
0xd0: {  	_ =	task.clear_ibuf [dreg:s22], $0x2FFFF;
	_ =	strace $0x9FFFFFFF  }
0xd1: {  	(tm) =	ssettm $0x7FFFFFFF  }
tec
execute0_lowered:
.L_overlay_start_1:
0x0: {  	(tag) =	ssettag $0x1  }
0x1: {  	s7 =	rddreg [dreg:$0x0]  }
0x2: {  	s1 =	rddreg [dreg:$0x1]  }
0x3: {  	s0 =	rddreg [dreg:$0x2];
	s3 =	simm.s32 $0x0;
	s2 =	stileid.u32  }
0x4: {  	s8 =	srdreg.scid;
	s15 =	simm.s32 $0x2000;
	s16 =	simm.s32 $0x80  }
0x5: {  	s17 =	simm.s32 $0x4000;
	s18 =	simm.s32 $0x1;
	s19 =	simm.s32 $0x8000  }
0x6: {  	s20 =	simm.s32 $0x2;
	s21 =	simm.s32 $0x1D80;
	s22 =	simm.s32 $0x3D00  }
0x7: {  	s23 =	simm.s32 $0x3D80;
	[smem:$0x7FF] =	sst s3;
	s6 =	sshll.u32 s2, $0xA  }
0x8: {  	s4 =	smul.u32 $0x1E00, s2;
	s5 =	sadd.s32 $0x87000, s7;
	s10 =	sand.u32 $0x1, s8  }
0x9: {  	s12 =	smul.u32 $0x3C000, s2;
	s31 =	sshll.u32 s2, $0x6;
	_ =	strace $0x8000004A  }
0xa: {  	s11 =	sadd.s32 s6, s7;
	s9 =	ssub.s32 $0x2, s10;
	s6 =	sadd.s32 $0xA5000, s7  }
.Ltmp0:
0xb: {  	p0 =	seq.s32 s10, $0x1;
	s29 =	sadd.s32 s4, s7;
	(pc) =	sbr.rel .LBB2_1-.Ltmp0, $4  }
0xc: {  	s7 =	sadd.s32 $0xC3000, s7;
	s13 =	sshrl.u32 s9, $0x1;
	s30 =	sshrl.u32 s12, $0x2  }
0xd: {  	s10 =	sadd.s32 $0x7000, s11;
	s11 =	sadd.s32 $0xB000, s11;
	s13 =	ssub.s32 s9, s13  }
0xe: {  	s14 =	sadd.s32 s30, s1;
	s8 =	sadd.s32 $0x2D000, s29;
	s9 =	sor.u32 $0x1C03, s31  }
0xf: {  	s12 =	smax.u32 s13, $0x1;
	s13 =	sshrl.u32 s14, $0x3;
	s14 =	simm.s32 $0x3  }
.LBB2_7:
0x10: {  	[sflag:s14] =	ssyncadd.s32 $0xFFFFC000;
	s24 =	smov.u32 s7  }
.LBB2_8:
0x11: {  	_ =	swait.ge [sflag:s18], $0x4000  }
0x12: {  	[sflag:s18] =	ssyncset.done $0x0  }
0x13: {  	[sflag:s18] =	ssyncadd.s32 $0xFFFFC000  }
0x14: {  	[tilespmem:s19], [sflag:$0x2] =	stream.indirect.gather [hbm4b:s5+s16], $0x80, s21, s16, $0xb8;
	[tilespmem:$0x1B000] =	vst v63  }
0x15: {  	_ = 	snop  }
0x16: {  	[spmem:s1] =	stream.indirect.scatter.add.f32 [tilespmem:s17], [sflag:$0x3], $0x80, s22, s16, $0xb8;
	[tilespmem:$0x1B000] =	vst v63  }
0x17: {  	_ =	swait.ge [sflag:s14], $0x4000  }
0x18: {  	[sflag:s14] =	ssyncset.done $0x0  }
0x19: {  	[sflag:s14] =	ssyncadd.s32 $0xFFFFC000  }
0x1a: {  	_ =	swait.ge [sflag:s20], $0x4000  }
0x1b: {  	[sflag:s20] =	ssyncset.done $0x0  }
0x1c: {  	[sflag:s20] =	ssyncadd.s32 $0xFFFFC000  }
0x1d: {  	[spmem:s1] =	stream.indirect.scatter.add.f32 [tilespmem:s19], [sflag:$0x3], $0x80, s23, s16, $0xb8;
	[tilespmem:$0x1B000] =	vst v63  }
0x1e: {  	_ =	swait.ge [sflag:s14], $0x4000  }
0x1f: {  	s3 =	sadd.s32 $0x1, s3;
	[sflag:s14] =	ssyncset.done $0x0  }
0x20: {  	p1 =	sne.s32 s3, s12;
	[sflag:s14] =	ssyncadd.s32 $0xFFFFC000  }
.Ltmp1:
0x21: {  	s24 =	sadd.s32 s24, s4;
	[bflag:$0x0] =	sbarrier.arrive $0xFFFF;
	(pc) =	sbr.rel @!p1 .LBB2_9-.Ltmp1, $4  }
0x22: {  	[hbm:s24], [sflag:s9] =	dma.local [spmem:s13], $0x1E00  }
0x23: {  	_ =	swait.ge [sflag:s14], $0x1E00  }
0x24: {  	[sflag:s14] =	ssyncset.done $0x0  }
0x25: {  	[sflag:s14] =	ssyncadd.s32 $0xFFFFE200  }
.LBB2_1:
0x26: {  	[spmem:s13], [sflag:s9] =	dma.local [hbm:s8], $0x1E00  }
.Ltmp2:
0x27: {  	_ =	swait.ge [sflag:s14], $0x1E00;
	(pc) =	sbr.rel @!p0 .LBB2_2-.Ltmp2, $4  }
0x28: {  	[sflag:s14] =	ssyncset.done $0x0  }
0x29: {  	[sflag:s14] =	ssyncadd.s32 $0xFFFFE200  }
0x2a: {  	[bflag:$0x0] =	sbarrier.arrive $0xFFFF  }
0x2b: {  	s24 =	simm.s32 $0x0  }
0x2c: {  	[tilespmem:s24], [sflag:$0x3] =	stream.linear.gather [hbm4b:s11+s24], $0x1E00, $0x38;
	[tilespmem:$0x1B000] =	vst v63  }
0x2d: {  	_ =	swait.ge [sflag:s14], $0x1E00  }
0x2e: {  	[sflag:s14] =	ssyncset.done $0x0  }
0x2f: {  	[sflag:s14] =	ssyncadd.s32 $0xFFFFE200  }
0x30: {  	[tilespmem:s15], [sflag:$0x3] =	stream.linear.gather [hbm4b:s10+s24], $0x1E00, $0x38;
	[tilespmem:$0x1B000] =	vst v63  }
0x31: {  	_ =	swait.ge [sflag:s14], $0x1E00  }
0x32: {  	[sflag:s14] =	ssyncset.done $0x0  }
0x33: {  	[sflag:s14] =	ssyncadd.s32 $0xFFFFE200  }
0x34: {  	[tilespmem:s17], [sflag:$0x1] =	stream.indirect.gather [hbm4b:s5+s16], $0x80, s24, s16, $0xb8;
	[tilespmem:$0x1B000] =	vst v63  }
0x35: {  	_ =	swait.ge [sflag:s18], $0x4000  }
0x36: {  	[sflag:s18] =	ssyncset.done $0x0  }
0x37: {  	s28 =	simm.s32 $0x80;
	[sflag:s18] =	ssyncadd.s32 $0xFFFFC000  }
0x38: {  	[tilespmem:s19], [sflag:$0x2] =	stream.indirect.gather [hbm4b:s5+s16], $0x80, s28, s16, $0xb8;
	[tilespmem:$0x1B000] =	vst v63  }
0x39: {  	s29 =	simm.s32 $0x2000  }
0x3a: {  	[spmem:s1] =	stream.indirect.scatter.add.f32 [tilespmem:s17], [sflag:$0x3], $0x80, s29, s16, $0xb8;
	[tilespmem:$0x1B000] =	vst v63  }
0x3b: {  	_ =	swait.ge [sflag:s14], $0x4000  }
0x3c: {  	[sflag:s14] =	ssyncset.done $0x0  }
0x3d: {  	[sflag:s14] =	ssyncadd.s32 $0xFFFFC000  }
0x3e: {  	_ =	swait.ge [sflag:s20], $0x4000  }
0x3f: {  	[sflag:s20] =	ssyncset.done $0x0  }
0x40: {  	s30 =	simm.s32 $0x100;
	[sflag:s20] =	ssyncadd.s32 $0xFFFFC000  }
0x41: {  	[tilespmem:s17], [sflag:$0x1] =	stream.indirect.gather [hbm4b:s5+s16], $0x80, s30, s16, $0xb8;
	[tilespmem:$0x1B000] =	vst v63  }
0x42: {  	s31 =	simm.s32 $0x2080  }
0x43: {  	[spmem:s1] =	stream.indirect.scatter.add.f32 [tilespmem:s19], [sflag:$0x3], $0x80, s31, s16, $0xb8;
	[tilespmem:$0x1B000] =	vst v63  }
0x44: {  	_ =	swait.ge [sflag:s14], $0x4000  }
0x45: {  	s24 =	simm.s32 $0x400;
	[sflag:s14] =	ssyncset.done $0x0  }
.LBB2_6:
0x46: {  	p1 =	sne.s32 s24, $0x7000  }
0x47: {  	[sflag:s14] =	ssyncadd.s32 $0xFFFFC000;
	s25 =	smov.u32 s24;
	s24 =	sadd.s32 $0x400, s24  }
0x48: {  	_ = 	snop  }
0x49: {  	_ =	swait.ge [sflag:s18], $0x4000  }
0x4a: {  	s25 =	sshra.s32 s25, $0x2;
	[sflag:s18] =	ssyncset.done $0x0  }
0x4b: {  	s26 =	sadd.s32 $0x80, s25;
	[sflag:s18] =	ssyncadd.s32 $0xFFFFC000  }
0x4c: {  	[tilespmem:s19], [sflag:$0x2] =	stream.indirect.gather [hbm4b:s5+s16], $0x80, s26, s16, $0xb8;
	[tilespmem:$0x1B000] =	vst v63  }
0x4d: {  	s26 =	sadd.s32 $0x2000, s25  }
0x4e: {  	[spmem:s1] =	stream.indirect.scatter.add.f32 [tilespmem:s17], [sflag:$0x3], $0x80, s26, s16, $0xb8;
	[tilespmem:$0x1B000] =	vst v63  }
0x4f: {  	_ =	swait.ge [sflag:s14], $0x4000  }
0x50: {  	[sflag:s14] =	ssyncset.done $0x0  }
0x51: {  	[sflag:s14] =	ssyncadd.s32 $0xFFFFC000  }
0x52: {  	_ =	swait.ge [sflag:s20], $0x4000  }
0x53: {  	[sflag:s20] =	ssyncset.done $0x0  }
0x54: {  	s26 =	sadd.s32 $0x100, s25;
	[sflag:s20] =	ssyncadd.s32 $0xFFFFC000  }
0x55: {  	[tilespmem:s17], [sflag:$0x1] =	stream.indirect.gather [hbm4b:s5+s16], $0x80, s26, s16, $0xb8;
	[tilespmem:$0x1B000] =	vst v63  }
.Ltmp3:
0x56: {  	_ = 	snop;
	(pc) =	sbr.rel @p1 .LBB2_6-.Ltmp3, $4  }
0x57: {  	s25 =	sadd.s32 $0x2080, s25  }
0x58: {  	[spmem:s1] =	stream.indirect.scatter.add.f32 [tilespmem:s19], [sflag:$0x3], $0x80, s25, s16, $0xb8;
	[tilespmem:$0x1B000] =	vst v63  }
0x59: {  	_ =	swait.ge [sflag:s14], $0x4000  }
0x5a: {  	[sflag:s14] =	ssyncset.done $0x0  }
.Ltmp4:
0x5b: {  	_ = 	snop;
	(pc) =	sbr.rel .LBB2_7-.Ltmp4, $1  }
0x5c: {  	_ =	sdelay $0x3  }
.LBB2_2:
0x5d: {  	[tilespmem:s24], [sflag:$0x3] =	stream.linear.gather [hbm4b:s10+s24], $0x1E00, $0x38;
	[tilespmem:$0x1B000] =	vst v63  }
0x5e: {  	_ =	swait.ge [sflag:s14], $0x1E00  }
0x5f: {  	[sflag:s14] =	ssyncset.done $0x0  }
0x60: {  	[sflag:s14] =	ssyncadd.s32 $0xFFFFE200  }
0x61: {  	[tilespmem:s15], [sflag:$0x3] =	stream.linear.gather [hbm4b:s11+s24], $0x1E00, $0x38;
	[tilespmem:$0x1B000] =	vst v63  }
0x62: {  	_ =	swait.ge [sflag:s14], $0x1E00  }
0x63: {  	[sflag:s14] =	ssyncset.done $0x0  }
0x64: {  	[sflag:s14] =	ssyncadd.s32 $0xFFFFE200  }
0x65: {  	[tilespmem:s17], [sflag:$0x1] =	stream.indirect.gather [hbm4b:s5+s16], $0x80, s24, s16, $0xb8;
	[tilespmem:$0x1B000] =	vst v63  }
0x66: {  	_ =	swait.ge [sflag:s18], $0x4000  }
0x67: {  	[sflag:s18] =	ssyncset.done $0x0  }
0x68: {  	s28 =	simm.s32 $0x80;
	[sflag:s18] =	ssyncadd.s32 $0xFFFFC000  }
0x69: {  	[tilespmem:s19], [sflag:$0x2] =	stream.indirect.gather [hbm4b:s5+s16], $0x80, s28, s16, $0xb8;
	[tilespmem:$0x1B000] =	vst v63  }
0x6a: {  	s29 =	simm.s32 $0x2000  }
0x6b: {  	[spmem:s1] =	stream.indirect.scatter.add.f32 [tilespmem:s17], [sflag:$0x3], $0x80, s29, s16, $0xb8;
	[tilespmem:$0x1B000] =	vst v63  }
0x6c: {  	_ =	swait.ge [sflag:s14], $0x4000  }
0x6d: {  	[sflag:s14] =	ssyncset.done $0x0  }
0x6e: {  	[sflag:s14] =	ssyncadd.s32 $0xFFFFC000  }
0x6f: {  	_ =	swait.ge [sflag:s20], $0x4000  }
0x70: {  	[sflag:s20] =	ssyncset.done $0x0  }
0x71: {  	s30 =	simm.s32 $0x100;
	[sflag:s20] =	ssyncadd.s32 $0xFFFFC000  }
0x72: {  	[tilespmem:s17], [sflag:$0x1] =	stream.indirect.gather [hbm4b:s5+s16], $0x80, s30, s16, $0xb8;
	[tilespmem:$0x1B000] =	vst v63  }
0x73: {  	s31 =	simm.s32 $0x2080  }
0x74: {  	[spmem:s1] =	stream.indirect.scatter.add.f32 [tilespmem:s19], [sflag:$0x3], $0x80, s31, s16, $0xb8;
	[tilespmem:$0x1B000] =	vst v63  }
0x75: {  	_ =	swait.ge [sflag:s14], $0x4000  }
0x76: {  	s24 =	simm.s32 $0x400;
	[sflag:s14] =	ssyncset.done $0x0  }
.LBB2_3:
0x77: {  	p1 =	seq.s32 s24, $0x7000  }
0x78: {  	[sflag:s14] =	ssyncadd.s32 $0xFFFFC000;
	s25 =	smov.u32 s24;
	s24 =	sadd.s32 $0x400, s24  }
0x79: {  	_ = 	snop  }
0x7a: {  	_ =	swait.ge [sflag:s18], $0x4000  }
0x7b: {  	s25 =	sshra.s32 s25, $0x2;
	[sflag:s18] =	ssyncset.done $0x0  }
0x7c: {  	s26 =	sadd.s32 $0x80, s25;
	[sflag:s18] =	ssyncadd.s32 $0xFFFFC000  }
0x7d: {  	[tilespmem:s19], [sflag:$0x2] =	stream.indirect.gather [hbm4b:s5+s16], $0x80, s26, s16, $0xb8;
	[tilespmem:$0x1B000] =	vst v63  }
0x7e: {  	s26 =	sadd.s32 $0x2000, s25  }
0x7f: {  	[spmem:s1] =	stream.indirect.scatter.add.f32 [tilespmem:s17], [sflag:$0x3], $0x80, s26, s16, $0xb8;
	[tilespmem:$0x1B000] =	vst v63  }
0x80: {  	_ =	swait.ge [sflag:s14], $0x4000  }
0x81: {  	[sflag:s14] =	ssyncset.done $0x0  }
0x82: {  	[sflag:s14] =	ssyncadd.s32 $0xFFFFC000  }
0x83: {  	_ =	swait.ge [sflag:s20], $0x4000  }
0x84: {  	[sflag:s20] =	ssyncset.done $0x0  }
0x85: {  	s26 =	sadd.s32 $0x100, s25;
	[sflag:s20] =	ssyncadd.s32 $0xFFFFC000  }
0x86: {  	[tilespmem:s17], [sflag:$0x1] =	stream.indirect.gather [hbm4b:s5+s16], $0x80, s26, s16, $0xb8;
	[tilespmem:$0x1B000] =	vst v63  }
.Ltmp5:
0x87: {  	_ = 	snop;
	(pc) =	sbr.rel @!p1 .LBB2_3-.Ltmp5, $4  }
0x88: {  	s25 =	sadd.s32 $0x2080, s25  }
0x89: {  	[spmem:s1] =	stream.indirect.scatter.add.f32 [tilespmem:s19], [sflag:$0x3], $0x80, s25, s16, $0xb8;
	[tilespmem:$0x1B000] =	vst v63  }
0x8a: {  	_ =	swait.ge [sflag:s14], $0x4000  }
0x8b: {  	[sflag:s14] =	ssyncset.done $0x0  }
.Ltmp6:
0x8c: {  	(pc) =	sbr.rel .LBB2_8-.Ltmp6, $2  }
0x8d: {  	_ =	sdelay $0x2  }
0x8e: {  	[sflag:s14] =	ssyncadd.s32 $0xFFFFC000;
	s24 =	smov.u32 s6  }
.LBB2_9:
0x8f: {  	_ =	sfence.sel $0x180000  }
0x90: {  	[bflag:$0x0] =	sbarrier.arrive $0xFFFF  }
0x91: {  	p0 =	sne.s32 s2, $0x0;
	_ =	strace $0x9000004A  }
0x92: {  	s0 =	sadd.s32 @!p0 $0x100000, s0;
	[bflag:$0x2] =	sbarrier.arrive $0xFFFF  }
0x93: {  	[sflag:s0] =	ssyncadd.tile.s32 @!p0 $0x1;
	_ =	shalt  }
.Lfunc_end2:
_tile_overlayer_lowered:
.L_overlay_start_2:
0x94: {  	(tag) =	ssettag $0x2  }
0x95: {  	s0 =	rddreg [dreg:$0x0];
	s2 =	stileid.u32  }
0x96: {  	s1 =	rddreg [dreg:$0x1];
	p0 =	sne.s32 s2, $0x0  }
0x97: {  	s3 =	rddreg [dreg:$0x2];
	[bflag:$0x3] =	sbarrier.arrive $0xFFFF;
	s2 =	simm.s32 @!p0 $0x1C03  }
0x98: {  	[timem:s3], [sflag:s2] =	dma.local @!p0 [hbm:s0], s1  }
0x99: {  	s0 =	simm.s32 @!p0 $0x3  }
0x9a: {  	_ =	swait.ge @!p0 [sflag:s0], s1  }
0x9b: {  	s1 =	ssub.s32 @!p0 $0x0, s1;
	[sflag:s0] =	ssyncset.done @!p0 $0x0  }
0x9c: {  	[sflag:s0] =	ssyncadd.s32 @!p0 s1  }
0x9d: {  	[bflag:$0x3] =	sbarrier.arrive $0xFFFF  }
0x9e: {  	_ =	shalt  }

// kernel: kernel.15.cloned.1.call-start
scs
__scs_entry_jumppad:
0x0: {  	(pc) =	sbr.rel $0x88, $3  }
0x1: {  	(tag) =	ssettag $0x0;
	lr =	simm.s32 $0x1  }
0x2: {  	[smem:$0x3F78] =	sst lr;
	_ =	strace $0xD0000000  }
0x3: {  	_ = 	snop  }
0x4: {  	_ = 	snop  }
0x5: {  	_ = 	snop  }
0x6: {  	_ = 	snop  }
0x7: {  	_ = 	snop  }
__scs_overlays_trampoline_lowered:
0x8: {  	[smem:$0x3F87] =	sst s0  }
0x9: {  	[smem:$0x3F88] =	sst s1  }
0xa: {  	[smem:$0x3F89] =	sst s2  }
0xb: {  	[smem:$0x3F8A] =	sst s3  }
0xc: {  	[smem:$0x3F8B] =	sst s4  }
0xd: {  	[smem:$0x3F8C] =	sst s5  }
0xe: {  	[smem:$0x3F8D] =	sst s6  }
0xf: {  	[smem:$0x3F8E] =	sst s7  }
0x10: {  	[smem:$0x3F8F] =	sst s8  }
0x11: {  	[smem:$0x3F90] =	sst s9;
	s0 =	simm.s32 @!p0 $0x0  }
0x12: {  	s1 =	sld [smem:$0x3F76];
	s0 =	simm.s32 @p0 $0x1  }
0x13: {  	[smem:$0x3F91] =	sst s0;
	s0 =	simm.s32 @!p1 $0x0  }
0x14: {  	s2 =	sld [smem:$0x3F75];
	s0 =	simm.s32 @p1 $0x1  }
0x15: {  	[smem:$0x3F92] =	sst s0;
	s0 =	simm.s32 @!p2 $0x0  }
0x16: {  	s3 =	sld [smem:$0x3FDB];
	s0 =	simm.s32 @p2 $0x1  }
0x17: {  	s4 =	simm.s32 $0x1BF5;
	[smem:$0x3F94] =	sst s0  }
0x18: {  	s0 =	sld [smem:$0x3F77];
	_ =	swait.ge [sflag:s4], $0x0  }
0x19: {  	s7 =	sld [smem:$0x3F78]  }
0x1a: {  	s8 =	sadd.s32 $0xFFFFE003, lr  }
0x1b: {  	s9 =	sadd.s32 $0xFFFFFEF7, lr;
	s5 =	simm.s32 $0xFFFFFFFF;
	p2 =	slt.u32 s8, $0xFFFFF086  }
0x1c: {  	p1 =	slt.u32 s9, $0xF7A;
	s5 =	simm.s32 @!p2 $0x0  }
0x1d: {  	s5 =	simm.s32 @p1 $0x1;
	p0 =	seq.s32 s7, s2  }
0x1e: {  	s7 =	smul.u32 @!p0 $0xF7A, s2;
	p2 =	seq.s32 @!p0 s5, $0x0  }
0x1f: {  	s9 =	smul.u32 $0xF7A, s1;
	s8 =	simm.s32 @!p0 $0x1BF5;
	p2 =	por !p2, p0  }
0x20: {  	[sflag:s8] =	ssyncset.s32 @!p0 $0xFFFFF086;
	s6 =	sadd.s32 @!p0 s3, s7;
	s7 =	simm.s32 @!p0 $0x108  }
0x21: {  	s3 =	sadd.s32 s3, s9;
	s6 =	sadd.s32 @!p0 $0x88, s6;
	s7 =	simm.s32 @p2 $0x1082  }
0x22: {  	[simem:s7], [sflag:s8] =	dma.local @!p0 [hbm:s6], $0xF7A  }
0x23: {  	s9 =	sor.u32 $0xD0000000, s2;
	s6 =	simm.s32 $0x108;
	_ =	swait.ge @!p0 [sflag:s8], $0x0  }
0x24: {  	s3 =	sadd.s32 $0x88, s3;
	s6 =	simm.s32 @!p1 $0x1082;
	[sflag:s4] =	ssyncset.s32 $0xFFFFF086  }
0x25: {  	[simem:s6], [sflag:s4] =	dma.local [hbm:s3], $0xF7A  }
0x26: {  	[smem:$0x3F78] =	sst s1;
	(tag) =	ssettag s2;
	_ =	strace s9  }
0x27: {  	s1 =	sld [smem:$0x3F88]  }
0x28: {  	s2 =	sld [smem:$0x3F89]  }
0x29: {  	s4 =	sld [smem:$0x3F8B]  }
0x2a: {  	p0 =	seq.s32 s5, $0x0;
	s5 =	sld [smem:$0x3F8C]  }
0x2b: {  	s6 =	sld [smem:$0x3F8D]  }
0x2c: {  	s7 =	sld [smem:$0x3F8E]  }
0x2d: {  	s3 =	simm.s32 $0x108;
	s8 =	sld [smem:$0x3F8F]  }
0x2e: {  	s3 =	simm.s32 @!p0 $0x1082;
	s9 =	sld [smem:$0x3F90]  }
0x2f: {  	lr =	sadd.s32 s0, s3;
	s0 =	sld [smem:$0x3F87]  }
0x30: {  	s3 =	sld [smem:$0x3F8A]  }
0x31: {  	[smem:$0x3F93] =	sst s10  }
0x32: {  	s10 =	sld [smem:$0x3F91];
	_ =	sdelay $0x3  }
0x33: {  	p0 =	seq.s32 s10, $0x1;
	s10 =	sld [smem:$0x3F93];
	_ =	sdelay $0x3  }
0x34: {  	[smem:$0x3F93] =	sst s10  }
0x35: {  	s10 =	sld [smem:$0x3F92];
	_ =	sdelay $0x3  }
0x36: {  	p1 =	seq.s32 s10, $0x1;
	s10 =	sld [smem:$0x3F93];
	_ =	sdelay $0x3  }
0x37: {  	[smem:$0x3F93] =	sst s10  }
0x38: {  	s10 =	sld [smem:$0x3F94]  }
0x39: {  	_ = 	snop;
	(pc) =	sbr.ind lr, $3  }
0x3a: {  	_ = 	snop  }
0x3b: {  	_ = 	snop  }
0x3c: {  	p2 =	seq.s32 s10, $0x1;
	s10 =	sld [smem:$0x3F93]  }
0x3d: {  	_ =	shalt  }
0x3e: {  	_ =	shalt  }
0x3f: {  	_ =	shalt  }
0x40: {  	_ =	shalt  }
0x41: {  	_ =	shalt  }
0x42: {  	_ =	shalt  }
0x43: {  	_ =	shalt  }
0x44: {  	_ =	shalt  }
0x45: {  	_ =	shalt  }
0x46: {  	_ =	shalt  }
0x47: {  	_ =	shalt  }
0x48: {  	_ =	shalt  }
0x49: {  	_ =	shalt  }
0x4a: {  	_ =	shalt  }
0x4b: {  	_ =	shalt  }
0x4c: {  	_ =	shalt  }
0x4d: {  	_ =	shalt  }
0x4e: {  	_ =	shalt  }
0x4f: {  	_ =	shalt  }
0x50: {  	_ =	shalt  }
0x51: {  	_ =	shalt  }
0x52: {  	_ =	shalt  }
0x53: {  	_ =	shalt  }
0x54: {  	_ =	shalt  }
0x55: {  	_ =	shalt  }
0x56: {  	_ =	shalt  }
0x57: {  	_ =	shalt  }
0x58: {  	_ =	shalt  }
0x59: {  	_ =	shalt  }
0x5a: {  	_ =	shalt  }
0x5b: {  	_ =	shalt  }
0x5c: {  	_ =	shalt  }
0x5d: {  	_ =	shalt  }
0x5e: {  	_ =	shalt  }
0x5f: {  	_ =	shalt  }
0x60: {  	_ =	shalt  }
0x61: {  	_ =	shalt  }
0x62: {  	_ =	shalt  }
0x63: {  	_ =	shalt  }
0x64: {  	_ =	shalt  }
0x65: {  	_ =	shalt  }
0x66: {  	_ =	shalt  }
0x67: {  	_ =	shalt  }
0x68: {  	_ =	shalt  }
0x69: {  	_ =	shalt  }
0x6a: {  	_ =	shalt  }
0x6b: {  	_ =	shalt  }
0x6c: {  	_ =	shalt  }
0x6d: {  	_ =	shalt  }
0x6e: {  	_ =	shalt  }
0x6f: {  	_ =	shalt  }
0x70: {  	_ =	shalt  }
0x71: {  	_ =	shalt  }
0x72: {  	_ =	shalt  }
0x73: {  	_ =	shalt  }
0x74: {  	_ =	shalt  }
0x75: {  	_ =	shalt  }
0x76: {  	_ =	shalt  }
0x77: {  	_ =	shalt  }
0x78: {  	_ =	shalt  }
0x79: {  	_ =	shalt  }
0x7a: {  	_ =	shalt  }
0x7b: {  	_ =	shalt  }
0x7c: {  	_ =	shalt  }
0x7d: {  	_ =	shalt  }
0x7e: {  	_ =	shalt  }
0x7f: {  	_ =	shalt  }
0x80: {  	_ =	shalt  }
0x81: {  	_ =	shalt  }
0x82: {  	_ =	shalt  }
0x83: {  	_ =	shalt  }
0x84: {  	_ =	shalt  }
0x85: {  	_ =	shalt  }
0x86: {  	_ =	shalt  }
0x87: {  	_ =	shalt  }
.Lfunc_end0:
.L_simem_size_0:
called_computation.1_lowered:
.L_overlay_start_0:
0x88: {  	s2 =	sld [smem:$0x3FD9]  }
0x89: {  	s3 =	sld [smem:$0x3FFE];
	_ =	sdelay $0x1  }
0x8a: {  	s1 =	srdreg.scid  }
0x8b: {  	s0 =	sand.u32 $0x1, s1  }
0x8c: {  	s16 =	sshll.u32 s0, $0xA;
	s2 =	sadd.s32 s3, s2  }
0x8d: {  	s2 =	sadd.s32 s2, s16  }
0x8e: {  	[smem:$0x3F9F] =	sst s2  }
0x8f: {  	_ = 	snop  }
0x90: {  	(tm) =	ssettm $0x1  }
0x91: {  	s17 =	sld [smem:$0x3FFB];
	_ =	sdelay $0x3  }
0x92: {  	_ =	strace s17  }
0x93: {  	s2 =	sld [smem:$0x3FFC];
	_ =	sdelay $0x3  }
0x94: {  	_ =	strace s2  }
0x95: {  	s2 =	sld [smem:$0x3FFD];
	_ =	sdelay $0x3  }
0x96: {  	_ =	strace s2  }
0x97: {  	_ =	strace $0x8FFFFFFF  }
0x98: {  	s18 =	sld [smem:$0x3FDB];
	_ =	sdelay $0x1  }
0x99: {  	s19 =	simm.s32 $_scs_section_size  }
0x9a: {  	s4 =	simm.s32 $_size__tile_overlayer_lowered;
	s5 =	simm.s32 $_tile_overlayer_lowered  }
0x9b: {  	s22 =	simm.s32 $0x1BFF;
	s21 =	sshll.u32 s5, $0x1;
	s2 =	sadd.s32 s19, s18  }
0x9c: {  	s6 =	simm.s32 $0x0;
	s20 =	sshll.u32 s4, $0x1;
	s4 =	sadd.s32 s21, s2  }
0x9d: {  	[timem:s6], [sflag:s22] =	dma.local [hbm:s4], s20  }
0x9e: {  	_ =	swait.ge [sflag:s22], s20  }
0x9f: {  	s3 =	ssub.s32 $0x0, s20;
	[sflag:s22] =	ssyncset.done $0x0  }
0xa0: {  	[sflag:s22] =	ssyncadd.s32 s3;
	_ =	sdelay $0x1  }
0xa1: {  	s23 =	simm.s32 $0x1B8B  }
0xa2: {  	_ =	swait.ge [sflag:s23], $0x1  }
0xa3: {  	[sflag:s23] =	ssyncset.done $0x0  }
0xa4: {  	s25 =	simm.s32 $0x1B8E;
	s24 =	sld [smem:$0x3FFE];
	[sflag:s23] =	ssyncadd.s32 $0xFFFFFFFF  }
0xa5: {  	s26 =	simm.s32 $execute0_lowered;
	[smem:$0x3FD2] =	sst s25  }
0xa6: {  	s4 =	sshll.u32 s26, $0x1;
	_ =	strace $0x80000046;
	[dreg:$0x1] =	wrdreg $0xFFFFFFFF  }
0xa7: {  	s28 =	simm.s32 $_size_execute0_lowered;
	s2 =	sadd.s32 s2, s4;
	[dreg:$0x0] =	wrdreg $0x0  }
0xa8: {  	s4 =	sshll.u32 s28, $0x1;
	[dreg:$0x2] =	wrdreg s2  }
0xa9: {  	[dreg:$0x3] =	wrdreg s4  }
0xaa: {  	[dreg:$0x4] =	wrdreg $0xC0  }
0xab: {  	_ =	task [dreg:s6], $0x5FFFF  }
0xac: {  	[dreg:$0x1] =	wrdreg $0xFFFFFFFF  }
0xad: {  	[dreg:$0x0] =	wrdreg $0x60  }
0xae: {  	[dreg:$0x2] =	wrdreg s24  }
0xaf: {  	[dreg:$0x3] =	wrdreg $0xC0000  }
0xb0: {  	[dreg:$0x4] =	wrdreg $0xA  }
0xb1: {  	_ =	task.clear_ibuf [dreg:s6], $0x5FFFF;
	_ =	strace $0x90000046  }
0xb2: {  	s29 =	simm.s32 $0xA;
	_ =	strace $0x80000048  }
0xb3: {  	_ =	swait.ge [sflag:s29], $0x1  }
0xb4: {  	[sflag:s29] =	ssyncadd.s32 $0xFFFFFFFF  }
0xb5: {  	_ =	strace $0x90000048  }
0xb6: {  	_ =	sfence  }
0xb7: {  	s30 =	sld [smem:$0x0];
	_ =	sdelay $0x2  }
0xb8: {  	s31 =	sshll.u32 s1, $0xD;
	s1 =	sshrl.u32 s1, $0x2  }
0xb9: {  	s3 =	sand.u32 $0x4000, s31;
	s1 =	sadd.s32 s1, s30  }
0xba: {  	s0 =	sor.u32 s3, s0;
	s1 =	sshll.u32 s1, $0x11  }
0xbb: {  	s0 =	sor.u32 s1, s0  }
0xbc: {  	s0 =	sadd.s32 $0x8F2B, s0  }
0xbd: {  	[sflag:s0] =	ssyncadd.remote.s32 $0x1  }
0xbe: {  	_ =	sfence.sel $0xFFFF  }
0xbf: {  	[dreg:$0x0] =	wrdreg $0xFFFFFFFF;
	(pc) =	sbr.abs _section_cstart, $3  }
0xc0: {  	[dreg:$0x1] =	wrdreg $0xFFFFFFFF  }
0xc1: {  	_ =	task.clear_ibuf [dreg:s6], $0x2FFFF;
	_ =	strace $0x9FFFFFFF  }
0xc2: {  	(tm) =	ssettm $0x7FFFFFFF  }
0xc3: {  	_ =	shalt  }
tec
execute0_lowered:
.L_overlay_start_1:
0x0: {  	(tag) =	ssettag $0x1  }
0x1: {  	s7 =	rddreg [dreg:$0x0]  }
0x2: {  	s1 =	rddreg [dreg:$0x1]  }
0x3: {  	s0 =	rddreg [dreg:$0x2];
	s3 =	simm.s32 $0x0;
	s2 =	stileid.u32  }
0x4: {  	s8 =	srdreg.scid;
	s15 =	simm.s32 $0x2000;
	s16 =	simm.s32 $0x80  }
0x5: {  	s17 =	simm.s32 $0x4000;
	s18 =	simm.s32 $0x1;
	s19 =	simm.s32 $0x8000  }
0x6: {  	s20 =	simm.s32 $0x2;
	s21 =	simm.s32 $0x1D80;
	s22 =	simm.s32 $0x3D00  }
0x7: {  	s23 =	simm.s32 $0x3D80;
	[smem:$0x7FF] =	sst s3;
	s6 =	sshll.u32 s2, $0xA  }
0x8: {  	s4 =	smul.u32 $0x1E00, s2;
	s5 =	sadd.s32 $0xF000, s7;
	s10 =	sand.u32 $0x1, s8  }
0x9: {  	s12 =	smul.u32 $0x3C000, s2;
	s31 =	sshll.u32 s2, $0x6;
	_ =	strace $0x80000047  }
0xa: {  	s11 =	sadd.s32 s6, s7;
	s9 =	ssub.s32 $0x2, s10;
	s6 =	sadd.s32 $0x4B000, s7  }
.Ltmp0:
0xb: {  	p0 =	seq.s32 s10, $0x1;
	s29 =	sadd.s32 s4, s7;
	(pc) =	sbr.rel .LBB2_1-.Ltmp0, $4  }
0xc: {  	s7 =	sadd.s32 $0x69000, s7;
	s13 =	sshrl.u32 s9, $0x1;
	s30 =	sshrl.u32 s12, $0x2  }
0xd: {  	s10 =	sadd.s32 $0x7000, s11;
	s11 =	sadd.s32 $0xB000, s11;
	s13 =	ssub.s32 s9, s13  }
0xe: {  	s14 =	sadd.s32 s30, s1;
	s8 =	sadd.s32 $0x2D000, s29;
	s9 =	sor.u32 $0x1C03, s31  }
0xf: {  	s12 =	smax.u32 s13, $0x1;
	s13 =	sshrl.u32 s14, $0x3;
	s14 =	simm.s32 $0x3  }
.LBB2_7:
0x10: {  	[sflag:s14] =	ssyncadd.s32 $0xFFFFC000;
	s24 =	smov.u32 s7  }
.LBB2_8:
0x11: {  	_ =	swait.ge [sflag:s18], $0x4000  }
0x12: {  	[sflag:s18] =	ssyncset.done $0x0  }
0x13: {  	[sflag:s18] =	ssyncadd.s32 $0xFFFFC000  }
0x14: {  	[tilespmem:s19], [sflag:$0x2] =	stream.indirect.gather [hbm4b:s5+s16], $0x80, s21, s16, $0xb8;
	[tilespmem:$0x1B000] =	vst v63  }
0x15: {  	_ = 	snop  }
0x16: {  	[spmem:s1] =	stream.indirect.scatter.add.f32 [tilespmem:s17], [sflag:$0x3], $0x80, s22, s16, $0xb8;
	[tilespmem:$0x1B000] =	vst v63  }
0x17: {  	_ =	swait.ge [sflag:s14], $0x4000  }
0x18: {  	[sflag:s14] =	ssyncset.done $0x0  }
0x19: {  	[sflag:s14] =	ssyncadd.s32 $0xFFFFC000  }
0x1a: {  	_ =	swait.ge [sflag:s20], $0x4000  }
0x1b: {  	[sflag:s20] =	ssyncset.done $0x0  }
0x1c: {  	[sflag:s20] =	ssyncadd.s32 $0xFFFFC000  }
0x1d: {  	[spmem:s1] =	stream.indirect.scatter.add.f32 [tilespmem:s19], [sflag:$0x3], $0x80, s23, s16, $0xb8;
	[tilespmem:$0x1B000] =	vst v63  }
0x1e: {  	_ =	swait.ge [sflag:s14], $0x4000  }
0x1f: {  	s3 =	sadd.s32 $0x1, s3;
	[sflag:s14] =	ssyncset.done $0x0  }
0x20: {  	p1 =	sne.s32 s3, s12;
	[sflag:s14] =	ssyncadd.s32 $0xFFFFC000  }
.Ltmp1:
0x21: {  	s24 =	sadd.s32 s24, s4;
	[bflag:$0x0] =	sbarrier.arrive $0xFFFF;
	(pc) =	sbr.rel @!p1 .LBB2_9-.Ltmp1, $4  }
0x22: {  	[hbm:s24], [sflag:s9] =	dma.local [spmem:s13], $0x1E00  }
0x23: {  	_ =	swait.ge [sflag:s14], $0x1E00  }
0x24: {  	[sflag:s14] =	ssyncset.done $0x0  }
0x25: {  	[sflag:s14] =	ssyncadd.s32 $0xFFFFE200  }
.LBB2_1:
0x26: {  	[spmem:s13], [sflag:s9] =	dma.local [hbm:s8], $0x1E00  }
.Ltmp2:
0x27: {  	_ =	swait.ge [sflag:s14], $0x1E00;
	(pc) =	sbr.rel @!p0 .LBB2_2-.Ltmp2, $4  }
0x28: {  	[sflag:s14] =	ssyncset.done $0x0  }
0x29: {  	[sflag:s14] =	ssyncadd.s32 $0xFFFFE200  }
0x2a: {  	[bflag:$0x0] =	sbarrier.arrive $0xFFFF  }
0x2b: {  	s24 =	simm.s32 $0x0  }
0x2c: {  	[tilespmem:s24], [sflag:$0x3] =	stream.linear.gather [hbm4b:s11+s24], $0x1E00, $0x38;
	[tilespmem:$0x1B000] =	vst v63  }
0x2d: {  	_ =	swait.ge [sflag:s14], $0x1E00  }
0x2e: {  	[sflag:s14] =	ssyncset.done $0x0  }
0x2f: {  	[sflag:s14] =	ssyncadd.s32 $0xFFFFE200  }
0x30: {  	[tilespmem:s15], [sflag:$0x3] =	stream.linear.gather [hbm4b:s10+s24], $0x1E00, $0x38;
	[tilespmem:$0x1B000] =	vst v63  }
0x31: {  	_ =	swait.ge [sflag:s14], $0x1E00  }
0x32: {  	[sflag:s14] =	ssyncset.done $0x0  }
0x33: {  	[sflag:s14] =	ssyncadd.s32 $0xFFFFE200  }
0x34: {  	[tilespmem:s17], [sflag:$0x1] =	stream.indirect.gather [hbm4b:s5+s16], $0x80, s24, s16, $0xb8;
	[tilespmem:$0x1B000] =	vst v63  }
0x35: {  	_ =	swait.ge [sflag:s18], $0x4000  }
0x36: {  	[sflag:s18] =	ssyncset.done $0x0  }
0x37: {  	s28 =	simm.s32 $0x80;
	[sflag:s18] =	ssyncadd.s32 $0xFFFFC000  }
0x38: {  	[tilespmem:s19], [sflag:$0x2] =	stream.indirect.gather [hbm4b:s5+s16], $0x80, s28, s16, $0xb8;
	[tilespmem:$0x1B000] =	vst v63  }
0x39: {  	s29 =	simm.s32 $0x2000  }
0x3a: {  	[spmem:s1] =	stream.indirect.scatter.add.f32 [tilespmem:s17], [sflag:$0x3], $0x80, s29, s16, $0xb8;
	[tilespmem:$0x1B000] =	vst v63  }
0x3b: {  	_ =	swait.ge [sflag:s14], $0x4000  }
0x3c: {  	[sflag:s14] =	ssyncset.done $0x0  }
0x3d: {  	[sflag:s14] =	ssyncadd.s32 $0xFFFFC000  }
0x3e: {  	_ =	swait.ge [sflag:s20], $0x4000  }
0x3f: {  	[sflag:s20] =	ssyncset.done $0x0  }
0x40: {  	s30 =	simm.s32 $0x100;
	[sflag:s20] =	ssyncadd.s32 $0xFFFFC000  }
0x41: {  	[tilespmem:s17], [sflag:$0x1] =	stream.indirect.gather [hbm4b:s5+s16], $0x80, s30, s16, $0xb8;
	[tilespmem:$0x1B000] =	vst v63  }
0x42: {  	s31 =	simm.s32 $0x2080  }
0x43: {  	[spmem:s1] =	stream.indirect.scatter.add.f32 [tilespmem:s19], [sflag:$0x3], $0x80, s31, s16, $0xb8;
	[tilespmem:$0x1B000] =	vst v63  }
0x44: {  	_ =	swait.ge [sflag:s14], $0x4000  }
0x45: {  	s24 =	simm.s32 $0x400;
	[sflag:s14] =	ssyncset.done $0x0  }
.LBB2_6:
0x46: {  	p1 =	sne.s32 s24, $0x7000  }
0x47: {  	[sflag:s14] =	ssyncadd.s32 $0xFFFFC000;
	s25 =	smov.u32 s24;
	s24 =	sadd.s32 $0x400, s24  }
0x48: {  	_ = 	snop  }
0x49: {  	_ =	swait.ge [sflag:s18], $0x4000  }
0x4a: {  	s25 =	sshra.s32 s25, $0x2;
	[sflag:s18] =	ssyncset.done $0x0  }
0x4b: {  	s26 =	sadd.s32 $0x80, s25;
	[sflag:s18] =	ssyncadd.s32 $0xFFFFC000  }
0x4c: {  	[tilespmem:s19], [sflag:$0x2] =	stream.indirect.gather [hbm4b:s5+s16], $0x80, s26, s16, $0xb8;
	[tilespmem:$0x1B000] =	vst v63  }
0x4d: {  	s26 =	sadd.s32 $0x2000, s25  }
0x4e: {  	[spmem:s1] =	stream.indirect.scatter.add.f32 [tilespmem:s17], [sflag:$0x3], $0x80, s26, s16, $0xb8;
	[tilespmem:$0x1B000] =	vst v63  }
0x4f: {  	_ =	swait.ge [sflag:s14], $0x4000  }
0x50: {  	[sflag:s14] =	ssyncset.done $0x0  }
0x51: {  	[sflag:s14] =	ssyncadd.s32 $0xFFFFC000  }
0x52: {  	_ =	swait.ge [sflag:s20], $0x4000  }
0x53: {  	[sflag:s20] =	ssyncset.done $0x0  }
0x54: {  	s26 =	sadd.s32 $0x100, s25;
	[sflag:s20] =	ssyncadd.s32 $0xFFFFC000  }
0x55: {  	[tilespmem:s17], [sflag:$0x1] =	stream.indirect.gather [hbm4b:s5+s16], $0x80, s26, s16, $0xb8;
	[tilespmem:$0x1B000] =	vst v63  }
.Ltmp3:
0x56: {  	_ = 	snop;
	(pc) =	sbr.rel @p1 .LBB2_6-.Ltmp3, $4  }
0x57: {  	s25 =	sadd.s32 $0x2080, s25  }
0x58: {  	[spmem:s1] =	stream.indirect.scatter.add.f32 [tilespmem:s19], [sflag:$0x3], $0x80, s25, s16, $0xb8;
	[tilespmem:$0x1B000] =	vst v63  }
0x59: {  	_ =	swait.ge [sflag:s14], $0x4000  }
0x5a: {  	[sflag:s14] =	ssyncset.done $0x0  }
.Ltmp4:
0x5b: {  	_ = 	snop;
	(pc) =	sbr.rel .LBB2_7-.Ltmp4, $1  }
0x5c: {  	_ =	sdelay $0x3  }
.LBB2_2:
0x5d: {  	[tilespmem:s24], [sflag:$0x3] =	stream.linear.gather [hbm4b:s10+s24], $0x1E00, $0x38;
	[tilespmem:$0x1B000] =	vst v63  }
0x5e: {  	_ =	swait.ge [sflag:s14], $0x1E00  }
0x5f: {  	[sflag:s14] =	ssyncset.done $0x0  }
0x60: {  	[sflag:s14] =	ssyncadd.s32 $0xFFFFE200  }
0x61: {  	[tilespmem:s15], [sflag:$0x3] =	stream.linear.gather [hbm4b:s11+s24], $0x1E00, $0x38;
	[tilespmem:$0x1B000] =	vst v63  }
0x62: {  	_ =	swait.ge [sflag:s14], $0x1E00  }
0x63: {  	[sflag:s14] =	ssyncset.done $0x0  }
0x64: {  	[sflag:s14] =	ssyncadd.s32 $0xFFFFE200  }
0x65: {  	[tilespmem:s17], [sflag:$0x1] =	stream.indirect.gather [hbm4b:s5+s16], $0x80, s24, s16, $0xb8;
	[tilespmem:$0x1B000] =	vst v63  }
0x66: {  	_ =	swait.ge [sflag:s18], $0x4000  }
0x67: {  	[sflag:s18] =	ssyncset.done $0x0  }
0x68: {  	s28 =	simm.s32 $0x80;
	[sflag:s18] =	ssyncadd.s32 $0xFFFFC000  }
0x69: {  	[tilespmem:s19], [sflag:$0x2] =	stream.indirect.gather [hbm4b:s5+s16], $0x80, s28, s16, $0xb8;
	[tilespmem:$0x1B000] =	vst v63  }
0x6a: {  	s29 =	simm.s32 $0x2000  }
0x6b: {  	[spmem:s1] =	stream.indirect.scatter.add.f32 [tilespmem:s17], [sflag:$0x3], $0x80, s29, s16, $0xb8;
	[tilespmem:$0x1B000] =	vst v63  }
0x6c: {  	_ =	swait.ge [sflag:s14], $0x4000  }
0x6d: {  	[sflag:s14] =	ssyncset.done $0x0  }
0x6e: {  	[sflag:s14] =	ssyncadd.s32 $0xFFFFC000  }
0x6f: {  	_ =	swait.ge [sflag:s20], $0x4000  }
0x70: {  	[sflag:s20] =	ssyncset.done $0x0  }
0x71: {  	s30 =	simm.s32 $0x100;
	[sflag:s20] =	ssyncadd.s32 $0xFFFFC000  }
0x72: {  	[tilespmem:s17], [sflag:$0x1] =	stream.indirect.gather [hbm4b:s5+s16], $0x80, s30, s16, $0xb8;
	[tilespmem:$0x1B000] =	vst v63  }
0x73: {  	s31 =	simm.s32 $0x2080  }
0x74: {  	[spmem:s1] =	stream.indirect.scatter.add.f32 [tilespmem:s19], [sflag:$0x3], $0x80, s31, s16, $0xb8;
	[tilespmem:$0x1B000] =	vst v63  }
0x75: {  	_ =	swait.ge [sflag:s14], $0x4000  }
0x76: {  	s24 =	simm.s32 $0x400;
	[sflag:s14] =	ssyncset.done $0x0  }
.LBB2_3:
0x77: {  	p1 =	seq.s32 s24, $0x7000  }
0x78: {  	[sflag:s14] =	ssyncadd.s32 $0xFFFFC000;
	s25 =	smov.u32 s24;
	s24 =	sadd.s32 $0x400, s24  }
0x79: {  	_ = 	snop  }
0x7a: {  	_ =	swait.ge [sflag:s18], $0x4000  }
0x7b: {  	s25 =	sshra.s32 s25, $0x2;
	[sflag:s18] =	ssyncset.done $0x0  }
0x7c: {  	s26 =	sadd.s32 $0x80, s25;
	[sflag:s18] =	ssyncadd.s32 $0xFFFFC000  }
0x7d: {  	[tilespmem:s19], [sflag:$0x2] =	stream.indirect.gather [hbm4b:s5+s16], $0x80, s26, s16, $0xb8;
	[tilespmem:$0x1B000] =	vst v63  }
0x7e: {  	s26 =	sadd.s32 $0x2000, s25  }
0x7f: {  	[spmem:s1] =	stream.indirect.scatter.add.f32 [tilespmem:s17], [sflag:$0x3], $0x80, s26, s16, $0xb8;
	[tilespmem:$0x1B000] =	vst v63  }
0x80: {  	_ =	swait.ge [sflag:s14], $0x4000  }
0x81: {  	[sflag:s14] =	ssyncset.done $0x0  }
0x82: {  	[sflag:s14] =	ssyncadd.s32 $0xFFFFC000  }
0x83: {  	_ =	swait.ge [sflag:s20], $0x4000  }
0x84: {  	[sflag:s20] =	ssyncset.done $0x0  }
0x85: {  	s26 =	sadd.s32 $0x100, s25;
	[sflag:s20] =	ssyncadd.s32 $0xFFFFC000  }
0x86: {  	[tilespmem:s17], [sflag:$0x1] =	stream.indirect.gather [hbm4b:s5+s16], $0x80, s26, s16, $0xb8;
	[tilespmem:$0x1B000] =	vst v63  }
.Ltmp5:
0x87: {  	_ = 	snop;
	(pc) =	sbr.rel @!p1 .LBB2_3-.Ltmp5, $4  }
0x88: {  	s25 =	sadd.s32 $0x2080, s25  }
0x89: {  	[spmem:s1] =	stream.indirect.scatter.add.f32 [tilespmem:s19], [sflag:$0x3], $0x80, s25, s16, $0xb8;
	[tilespmem:$0x1B000] =	vst v63  }
0x8a: {  	_ =	swait.ge [sflag:s14], $0x4000  }
0x8b: {  	[sflag:s14] =	ssyncset.done $0x0  }
.Ltmp6:
0x8c: {  	(pc) =	sbr.rel .LBB2_8-.Ltmp6, $2  }
0x8d: {  	_ =	sdelay $0x2  }
0x8e: {  	[sflag:s14] =	ssyncadd.s32 $0xFFFFC000;
	s24 =	smov.u32 s6  }
.LBB2_9:
0x8f: {  	_ =	sfence.sel $0x180000  }
0x90: {  	[bflag:$0x0] =	sbarrier.arrive $0xFFFF  }
0x91: {  	p0 =	sne.s32 s2, $0x0;
	_ =	strace $0x90000047  }
0x92: {  	s0 =	sadd.s32 @!p0 $0x100000, s0;
	[bflag:$0x2] =	sbarrier.arrive $0xFFFF  }
0x93: {  	[sflag:s0] =	ssyncadd.tile.s32 @!p0 $0x1;
	_ =	shalt  }
.Lfunc_end2:
_tile_overlayer_lowered:
.L_overlay_start_2:
0x94: {  	(tag) =	ssettag $0x2  }
0x95: {  	s0 =	rddreg [dreg:$0x0];
	s2 =	stileid.u32  }
0x96: {  	s1 =	rddreg [dreg:$0x1];
	p0 =	sne.s32 s2, $0x0  }
0x97: {  	s3 =	rddreg [dreg:$0x2];
	[bflag:$0x3] =	sbarrier.arrive $0xFFFF;
	s2 =	simm.s32 @!p0 $0x1C03  }
0x98: {  	[timem:s3], [sflag:s2] =	dma.local @!p0 [hbm:s0], s1  }
0x99: {  	s0 =	simm.s32 @!p0 $0x3  }
0x9a: {  	_ =	swait.ge @!p0 [sflag:s0], s1  }
0x9b: {  	s1 =	ssub.s32 @!p0 $0x0, s1;
	[sflag:s0] =	ssyncset.done @!p0 $0x0  }
0x9c: {  	[sflag:s0] =	ssyncadd.s32 @!p0 s1  }
0x9d: {  	[bflag:$0x3] =	sbarrier.arrive $0xFFFF  }
0x9e: {  	_ =	shalt  }

// kernel: kernel.18.cloned.1.call-start
scs
__scs_entry_jumppad:
0x0: {  	(pc) =	sbr.rel $0x88, $3  }
0x1: {  	(tag) =	ssettag $0x0;
	lr =	simm.s32 $0x1  }
0x2: {  	[smem:$0x3F78] =	sst lr;
	_ =	strace $0xD0000000  }
0x3: {  	_ = 	snop  }
0x4: {  	_ = 	snop  }
0x5: {  	_ = 	snop  }
0x6: {  	_ = 	snop  }
0x7: {  	_ = 	snop  }
__scs_overlays_trampoline_lowered:
0x8: {  	[smem:$0x3F87] =	sst s0  }
0x9: {  	[smem:$0x3F88] =	sst s1  }
0xa: {  	[smem:$0x3F89] =	sst s2  }
0xb: {  	[smem:$0x3F8A] =	sst s3  }
0xc: {  	[smem:$0x3F8B] =	sst s4  }
0xd: {  	[smem:$0x3F8C] =	sst s5  }
0xe: {  	[smem:$0x3F8D] =	sst s6  }
0xf: {  	[smem:$0x3F8E] =	sst s7  }
0x10: {  	[smem:$0x3F8F] =	sst s8  }
0x11: {  	[smem:$0x3F90] =	sst s9;
	s0 =	simm.s32 @!p0 $0x0  }
0x12: {  	s1 =	sld [smem:$0x3F76];
	s0 =	simm.s32 @p0 $0x1  }
0x13: {  	[smem:$0x3F91] =	sst s0;
	s0 =	simm.s32 @!p1 $0x0  }
0x14: {  	s2 =	sld [smem:$0x3F75];
	s0 =	simm.s32 @p1 $0x1  }
0x15: {  	[smem:$0x3F92] =	sst s0;
	s0 =	simm.s32 @!p2 $0x0  }
0x16: {  	s3 =	sld [smem:$0x3FDB];
	s0 =	simm.s32 @p2 $0x1  }
0x17: {  	s4 =	simm.s32 $0x1BF5;
	[smem:$0x3F94] =	sst s0  }
0x18: {  	s0 =	sld [smem:$0x3F77];
	_ =	swait.ge [sflag:s4], $0x0  }
0x19: {  	s7 =	sld [smem:$0x3F78]  }
0x1a: {  	s8 =	sadd.s32 $0xFFFFE003, lr  }
0x1b: {  	s9 =	sadd.s32 $0xFFFFFEF7, lr;
	s5 =	simm.s32 $0xFFFFFFFF;
	p2 =	slt.u32 s8, $0xFFFFF086  }
0x1c: {  	p1 =	slt.u32 s9, $0xF7A;
	s5 =	simm.s32 @!p2 $0x0  }
0x1d: {  	s5 =	simm.s32 @p1 $0x1;
	p0 =	seq.s32 s7, s2  }
0x1e: {  	s7 =	smul.u32 @!p0 $0xF7A, s2;
	p2 =	seq.s32 @!p0 s5, $0x0  }
0x1f: {  	s9 =	smul.u32 $0xF7A, s1;
	s8 =	simm.s32 @!p0 $0x1BF5;
	p2 =	por !p2, p0  }
0x20: {  	[sflag:s8] =	ssyncset.s32 @!p0 $0xFFFFF086;
	s6 =	sadd.s32 @!p0 s3, s7;
	s7 =	simm.s32 @!p0 $0x108  }
0x21: {  	s3 =	sadd.s32 s3, s9;
	s6 =	sadd.s32 @!p0 $0x88, s6;
	s7 =	simm.s32 @p2 $0x1082  }
0x22: {  	[simem:s7], [sflag:s8] =	dma.local @!p0 [hbm:s6], $0xF7A  }
0x23: {  	s9 =	sor.u32 $0xD0000000, s2;
	s6 =	simm.s32 $0x108;
	_ =	swait.ge @!p0 [sflag:s8], $0x0  }
0x24: {  	s3 =	sadd.s32 $0x88, s3;
	s6 =	simm.s32 @!p1 $0x1082;
	[sflag:s4] =	ssyncset.s32 $0xFFFFF086  }
0x25: {  	[simem:s6], [sflag:s4] =	dma.local [hbm:s3], $0xF7A  }
0x26: {  	[smem:$0x3F78] =	sst s1;
	(tag) =	ssettag s2;
	_ =	strace s9  }
0x27: {  	s1 =	sld [smem:$0x3F88]  }
0x28: {  	s2 =	sld [smem:$0x3F89]  }
0x29: {  	s4 =	sld [smem:$0x3F8B]  }
0x2a: {  	p0 =	seq.s32 s5, $0x0;
	s5 =	sld [smem:$0x3F8C]  }
0x2b: {  	s6 =	sld [smem:$0x3F8D]  }
0x2c: {  	s7 =	sld [smem:$0x3F8E]  }
0x2d: {  	s3 =	simm.s32 $0x108;
	s8 =	sld [smem:$0x3F8F]  }
0x2e: {  	s3 =	simm.s32 @!p0 $0x1082;
	s9 =	sld [smem:$0x3F90]  }
0x2f: {  	lr =	sadd.s32 s0, s3;
	s0 =	sld [smem:$0x3F87]  }
0x30: {  	s3 =	sld [smem:$0x3F8A]  }
0x31: {  	[smem:$0x3F93] =	sst s10  }
0x32: {  	s10 =	sld [smem:$0x3F91];
	_ =	sdelay $0x3  }
0x33: {  	p0 =	seq.s32 s10, $0x1;
	s10 =	sld [smem:$0x3F93];
	_ =	sdelay $0x3  }
0x34: {  	[smem:$0x3F93] =	sst s10  }
0x35: {  	s10 =	sld [smem:$0x3F92];
	_ =	sdelay $0x3  }
0x36: {  	p1 =	seq.s32 s10, $0x1;
	s10 =	sld [smem:$0x3F93];
	_ =	sdelay $0x3  }
0x37: {  	[smem:$0x3F93] =	sst s10  }
0x38: {  	s10 =	sld [smem:$0x3F94]  }
0x39: {  	_ = 	snop;
	(pc) =	sbr.ind lr, $3  }
0x3a: {  	_ = 	snop  }
0x3b: {  	_ = 	snop  }
0x3c: {  	p2 =	seq.s32 s10, $0x1;
	s10 =	sld [smem:$0x3F93]  }
0x3d: {  	_ =	shalt  }
0x3e: {  	_ =	shalt  }
0x3f: {  	_ =	shalt  }
0x40: {  	_ =	shalt  }
0x41: {  	_ =	shalt  }
0x42: {  	_ =	shalt  }
0x43: {  	_ =	shalt  }
0x44: {  	_ =	shalt  }
0x45: {  	_ =	shalt  }
0x46: {  	_ =	shalt  }
0x47: {  	_ =	shalt  }
0x48: {  	_ =	shalt  }
0x49: {  	_ =	shalt  }
0x4a: {  	_ =	shalt  }
0x4b: {  	_ =	shalt  }
0x4c: {  	_ =	shalt  }
0x4d: {  	_ =	shalt  }
0x4e: {  	_ =	shalt  }
0x4f: {  	_ =	shalt  }
0x50: {  	_ =	shalt  }
0x51: {  	_ =	shalt  }
0x52: {  	_ =	shalt  }
0x53: {  	_ =	shalt  }
0x54: {  	_ =	shalt  }
0x55: {  	_ =	shalt  }
0x56: {  	_ =	shalt  }
0x57: {  	_ =	shalt  }
0x58: {  	_ =	shalt  }
0x59: {  	_ =	shalt  }
0x5a: {  	_ =	shalt  }
0x5b: {  	_ =	shalt  }
0x5c: {  	_ =	shalt  }
0x5d: {  	_ =	shalt  }
0x5e: {  	_ =	shalt  }
0x5f: {  	_ =	shalt  }
0x60: {  	_ =	shalt  }
0x61: {  	_ =	shalt  }
0x62: {  	_ =	shalt  }
0x63: {  	_ =	shalt  }
0x64: {  	_ =	shalt  }
0x65: {  	_ =	shalt  }
0x66: {  	_ =	shalt  }
0x67: {  	_ =	shalt  }
0x68: {  	_ =	shalt  }
0x69: {  	_ =	shalt  }
0x6a: {  	_ =	shalt  }
0x6b: {  	_ =	shalt  }
0x6c: {  	_ =	shalt  }
0x6d: {  	_ =	shalt  }
0x6e: {  	_ =	shalt  }
0x6f: {  	_ =	shalt  }
0x70: {  	_ =	shalt  }
0x71: {  	_ =	shalt  }
0x72: {  	_ =	shalt  }
0x73: {  	_ =	shalt  }
0x74: {  	_ =	shalt  }
0x75: {  	_ =	shalt  }
0x76: {  	_ =	shalt  }
0x77: {  	_ =	shalt  }
0x78: {  	_ =	shalt  }
0x79: {  	_ =	shalt  }
0x7a: {  	_ =	shalt  }
0x7b: {  	_ =	shalt  }
0x7c: {  	_ =	shalt  }
0x7d: {  	_ =	shalt  }
0x7e: {  	_ =	shalt  }
0x7f: {  	_ =	shalt  }
0x80: {  	_ =	shalt  }
0x81: {  	_ =	shalt  }
0x82: {  	_ =	shalt  }
0x83: {  	_ =	shalt  }
0x84: {  	_ =	shalt  }
0x85: {  	_ =	shalt  }
0x86: {  	_ =	shalt  }
0x87: {  	_ =	shalt  }
.Lfunc_end0:
.L_simem_size_0:
called_computation.2_lowered:
.L_overlay_start_0:
0x88: {  	s2 =	sld [smem:$0x3FD9]  }
0x89: {  	s3 =	sld [smem:$0x3FFE];
	_ =	sdelay $0x1  }
0x8a: {  	s1 =	srdreg.scid  }
0x8b: {  	s0 =	sand.u32 $0x1, s1  }
0x8c: {  	s16 =	sshll.u32 s0, $0xA;
	s2 =	sadd.s32 s3, s2  }
0x8d: {  	s2 =	sadd.s32 s2, s16  }
0x8e: {  	[smem:$0x3F9F] =	sst s2  }
0x8f: {  	_ = 	snop  }
0x90: {  	(tm) =	ssettm $0x1  }
0x91: {  	s17 =	sld [smem:$0x3FFB];
	_ =	sdelay $0x3  }
0x92: {  	_ =	strace s17  }
0x93: {  	s2 =	sld [smem:$0x3FFC];
	_ =	sdelay $0x3  }
0x94: {  	_ =	strace s2  }
0x95: {  	s2 =	sld [smem:$0x3FFD];
	_ =	sdelay $0x3  }
0x96: {  	_ =	strace s2  }
0x97: {  	_ =	strace $0x8FFFFFFF  }
0x98: {  	s18 =	sld [smem:$0x3FDB];
	_ =	sdelay $0x1  }
0x99: {  	s19 =	simm.s32 $_scs_section_size  }
0x9a: {  	s4 =	simm.s32 $_size__tile_overlayer_lowered;
	s5 =	simm.s32 $_tile_overlayer_lowered  }
0x9b: {  	s22 =	simm.s32 $0x1BFF;
	s21 =	sshll.u32 s5, $0x1;
	s2 =	sadd.s32 s19, s18  }
0x9c: {  	s6 =	simm.s32 $0x0;
	s20 =	sshll.u32 s4, $0x1;
	s4 =	sadd.s32 s21, s2  }
0x9d: {  	[timem:s6], [sflag:s22] =	dma.local [hbm:s4], s20  }
0x9e: {  	_ =	swait.ge [sflag:s22], s20  }
0x9f: {  	s3 =	ssub.s32 $0x0, s20;
	[sflag:s22] =	ssyncset.done $0x0  }
0xa0: {  	[sflag:s22] =	ssyncadd.s32 s3;
	_ =	sdelay $0x1  }
0xa1: {  	s23 =	simm.s32 $0x1B8B  }
0xa2: {  	_ =	swait.ge [sflag:s23], $0x1  }
0xa3: {  	[sflag:s23] =	ssyncset.done $0x0  }
0xa4: {  	s25 =	simm.s32 $0x1B8E;
	s24 =	sld [smem:$0x3FFE];
	[sflag:s23] =	ssyncadd.s32 $0xFFFFFFFF  }
0xa5: {  	s26 =	simm.s32 $execute0_lowered;
	[smem:$0x3FD2] =	sst s25  }
0xa6: {  	s4 =	sshll.u32 s26, $0x1;
	_ =	strace $0x8000004C;
	[dreg:$0x1] =	wrdreg $0xFFFFFFFF  }
0xa7: {  	s28 =	simm.s32 $_size_execute0_lowered;
	s2 =	sadd.s32 s2, s4;
	[dreg:$0x0] =	wrdreg $0x0  }
0xa8: {  	s4 =	sshll.u32 s28, $0x1;
	[dreg:$0x2] =	wrdreg s2  }
0xa9: {  	[dreg:$0x3] =	wrdreg s4  }
0xaa: {  	[dreg:$0x4] =	wrdreg $0xC0  }
0xab: {  	_ =	task [dreg:s6], $0x5FFFF  }
0xac: {  	[dreg:$0x1] =	wrdreg $0xFFFFFFFF  }
0xad: {  	[dreg:$0x0] =	wrdreg $0x60  }
0xae: {  	[dreg:$0x2] =	wrdreg s24  }
0xaf: {  	[dreg:$0x3] =	wrdreg $0xC0000  }
0xb0: {  	[dreg:$0x4] =	wrdreg $0x9  }
0xb1: {  	_ =	task.clear_ibuf [dreg:s6], $0x5FFFF;
	_ =	strace $0x9000004C  }
0xb2: {  	s29 =	simm.s32 $0x9;
	_ =	strace $0x8000004E  }
0xb3: {  	_ =	swait.ge [sflag:s29], $0x1  }
0xb4: {  	[sflag:s29] =	ssyncadd.s32 $0xFFFFFFFF  }
0xb5: {  	_ =	strace $0x9000004E  }
0xb6: {  	_ =	sfence  }
0xb7: {  	s30 =	sld [smem:$0x0];
	_ =	sdelay $0x2  }
0xb8: {  	s31 =	sshll.u32 s1, $0xD;
	s1 =	sshrl.u32 s1, $0x2  }
0xb9: {  	s3 =	sand.u32 $0x4000, s31;
	s1 =	sadd.s32 s1, s30  }
0xba: {  	s0 =	sor.u32 s3, s0;
	s1 =	sshll.u32 s1, $0x11  }
0xbb: {  	s0 =	sor.u32 s1, s0  }
0xbc: {  	s0 =	sadd.s32 $0x8F2B, s0  }
0xbd: {  	[sflag:s0] =	ssyncadd.remote.s32 $0x1  }
0xbe: {  	_ =	sfence.sel $0xFFFF  }
0xbf: {  	[dreg:$0x0] =	wrdreg $0xFFFFFFFF;
	(pc) =	sbr.abs _section_cstart, $3  }
0xc0: {  	[dreg:$0x1] =	wrdreg $0xFFFFFFFF  }
0xc1: {  	_ =	task.clear_ibuf [dreg:s6], $0x2FFFF;
	_ =	strace $0x9FFFFFFF  }
0xc2: {  	(tm) =	ssettm $0x7FFFFFFF  }
0xc3: {  	_ =	shalt  }
tec
execute0_lowered:
.L_overlay_start_1:
0x0: {  	(tag) =	ssettag $0x1  }
0x1: {  	s7 =	rddreg [dreg:$0x0]  }
0x2: {  	s1 =	rddreg [dreg:$0x1]  }
0x3: {  	s0 =	rddreg [dreg:$0x2];
	s3 =	simm.s32 $0x0;
	s2 =	stileid.u32  }
0x4: {  	s8 =	srdreg.scid;
	s15 =	simm.s32 $0x2000;
	s16 =	simm.s32 $0x80  }
0x5: {  	s17 =	simm.s32 $0x4000;
	s18 =	simm.s32 $0x1;
	s19 =	simm.s32 $0x8000  }
0x6: {  	s20 =	simm.s32 $0x2;
	s21 =	simm.s32 $0x1D80;
	s22 =	simm.s32 $0x3D00  }
0x7: {  	s23 =	simm.s32 $0x3D80;
	[smem:$0x7FF] =	sst s3;
	s6 =	sshll.u32 s2, $0xA  }
0x8: {  	s4 =	smul.u32 $0x1E00, s2;
	s5 =	sadd.s32 $0xF000, s7;
	s10 =	sand.u32 $0x1, s8  }
0x9: {  	s12 =	smul.u32 $0x3C000, s2;
	s31 =	sshll.u32 s2, $0x6;
	_ =	strace $0x8000004D  }
0xa: {  	s11 =	sadd.s32 s6, s7;
	s9 =	ssub.s32 $0x2, s10;
	s6 =	sadd.s32 $0x4B000, s7  }
.Ltmp0:
0xb: {  	p0 =	seq.s32 s10, $0x1;
	s29 =	sadd.s32 s4, s7;
	(pc) =	sbr.rel .LBB2_1-.Ltmp0, $4  }
0xc: {  	s7 =	sadd.s32 $0x69000, s7;
	s13 =	sshrl.u32 s9, $0x1;
	s30 =	sshrl.u32 s12, $0x2  }
0xd: {  	s10 =	sadd.s32 $0x7000, s11;
	s11 =	sadd.s32 $0xB000, s11;
	s13 =	ssub.s32 s9, s13  }
0xe: {  	s14 =	sadd.s32 s30, s1;
	s8 =	sadd.s32 $0x2D000, s29;
	s9 =	sor.u32 $0x1C03, s31  }
0xf: {  	s12 =	smax.u32 s13, $0x1;
	s13 =	sshrl.u32 s14, $0x3;
	s14 =	simm.s32 $0x3  }
.LBB2_7:
0x10: {  	[sflag:s14] =	ssyncadd.s32 $0xFFFFC000;
	s24 =	smov.u32 s7  }
.LBB2_8:
0x11: {  	_ =	swait.ge [sflag:s18], $0x4000  }
0x12: {  	[sflag:s18] =	ssyncset.done $0x0  }
0x13: {  	[sflag:s18] =	ssyncadd.s32 $0xFFFFC000  }
0x14: {  	[tilespmem:s19], [sflag:$0x2] =	stream.indirect.gather [hbm4b:s5+s16], $0x80, s21, s16, $0xb8;
	[tilespmem:$0x1B000] =	vst v63  }
0x15: {  	_ = 	snop  }
0x16: {  	[spmem:s1] =	stream.indirect.scatter.add.f32 [tilespmem:s17], [sflag:$0x3], $0x80, s22, s16, $0xb8;
	[tilespmem:$0x1B000] =	vst v63  }
0x17: {  	_ =	swait.ge [sflag:s14], $0x4000  }
0x18: {  	[sflag:s14] =	ssyncset.done $0x0  }
0x19: {  	[sflag:s14] =	ssyncadd.s32 $0xFFFFC000  }
0x1a: {  	_ =	swait.ge [sflag:s20], $0x4000  }
0x1b: {  	[sflag:s20] =	ssyncset.done $0x0  }
0x1c: {  	[sflag:s20] =	ssyncadd.s32 $0xFFFFC000  }
0x1d: {  	[spmem:s1] =	stream.indirect.scatter.add.f32 [tilespmem:s19], [sflag:$0x3], $0x80, s23, s16, $0xb8;
	[tilespmem:$0x1B000] =	vst v63  }
0x1e: {  	_ =	swait.ge [sflag:s14], $0x4000  }
0x1f: {  	s3 =	sadd.s32 $0x1, s3;
	[sflag:s14] =	ssyncset.done $0x0  }
0x20: {  	p1 =	sne.s32 s3, s12;
	[sflag:s14] =	ssyncadd.s32 $0xFFFFC000  }
.Ltmp1:
0x21: {  	s24 =	sadd.s32 s24, s4;
	[bflag:$0x0] =	sbarrier.arrive $0xFFFF;
	(pc) =	sbr.rel @!p1 .LBB2_9-.Ltmp1, $4  }
0x22: {  	[hbm:s24], [sflag:s9] =	dma.local [spmem:s13], $0x1E00  }
0x23: {  	_ =	swait.ge [sflag:s14], $0x1E00  }
0x24: {  	[sflag:s14] =	ssyncset.done $0x0  }
0x25: {  	[sflag:s14] =	ssyncadd.s32 $0xFFFFE200  }
.LBB2_1:
0x26: {  	[spmem:s13], [sflag:s9] =	dma.local [hbm:s8], $0x1E00  }
.Ltmp2:
0x27: {  	_ =	swait.ge [sflag:s14], $0x1E00;
	(pc) =	sbr.rel @!p0 .LBB2_2-.Ltmp2, $4  }
0x28: {  	[sflag:s14] =	ssyncset.done $0x0  }
0x29: {  	[sflag:s14] =	ssyncadd.s32 $0xFFFFE200  }
0x2a: {  	[bflag:$0x0] =	sbarrier.arrive $0xFFFF  }
0x2b: {  	s24 =	simm.s32 $0x0  }
0x2c: {  	[tilespmem:s24], [sflag:$0x3] =	stream.linear.gather [hbm4b:s11+s24], $0x1E00, $0x38;
	[tilespmem:$0x1B000] =	vst v63  }
0x2d: {  	_ =	swait.ge [sflag:s14], $0x1E00  }
0x2e: {  	[sflag:s14] =	ssyncset.done $0x0  }
0x2f: {  	[sflag:s14] =	ssyncadd.s32 $0xFFFFE200  }
0x30: {  	[tilespmem:s15], [sflag:$0x3] =	stream.linear.gather [hbm4b:s10+s24], $0x1E00, $0x38;
	[tilespmem:$0x1B000] =	vst v63  }
0x31: {  	_ =	swait.ge [sflag:s14], $0x1E00  }
0x32: {  	[sflag:s14] =	ssyncset.done $0x0  }
0x33: {  	[sflag:s14] =	ssyncadd.s32 $0xFFFFE200  }
0x34: {  	[tilespmem:s17], [sflag:$0x1] =	stream.indirect.gather [hbm4b:s5+s16], $0x80, s24, s16, $0xb8;
	[tilespmem:$0x1B000] =	vst v63  }
0x35: {  	_ =	swait.ge [sflag:s18], $0x4000  }
0x36: {  	[sflag:s18] =	ssyncset.done $0x0  }
0x37: {  	s28 =	simm.s32 $0x80;
	[sflag:s18] =	ssyncadd.s32 $0xFFFFC000  }
0x38: {  	[tilespmem:s19], [sflag:$0x2] =	stream.indirect.gather [hbm4b:s5+s16], $0x80, s28, s16, $0xb8;
	[tilespmem:$0x1B000] =	vst v63  }
0x39: {  	s29 =	simm.s32 $0x2000  }
0x3a: {  	[spmem:s1] =	stream.indirect.scatter.add.f32 [tilespmem:s17], [sflag:$0x3], $0x80, s29, s16, $0xb8;
	[tilespmem:$0x1B000] =	vst v63  }
0x3b: {  	_ =	swait.ge [sflag:s14], $0x4000  }
0x3c: {  	[sflag:s14] =	ssyncset.done $0x0  }
0x3d: {  	[sflag:s14] =	ssyncadd.s32 $0xFFFFC000  }
0x3e: {  	_ =	swait.ge [sflag:s20], $0x4000  }
0x3f: {  	[sflag:s20] =	ssyncset.done $0x0  }
0x40: {  	s30 =	simm.s32 $0x100;
	[sflag:s20] =	ssyncadd.s32 $0xFFFFC000  }
0x41: {  	[tilespmem:s17], [sflag:$0x1] =	stream.indirect.gather [hbm4b:s5+s16], $0x80, s30, s16, $0xb8;
	[tilespmem:$0x1B000] =	vst v63  }
0x42: {  	s31 =	simm.s32 $0x2080  }
0x43: {  	[spmem:s1] =	stream.indirect.scatter.add.f32 [tilespmem:s19], [sflag:$0x3], $0x80, s31, s16, $0xb8;
	[tilespmem:$0x1B000] =	vst v63  }
0x44: {  	_ =	swait.ge [sflag:s14], $0x4000  }
0x45: {  	s24 =	simm.s32 $0x400;
	[sflag:s14] =	ssyncset.done $0x0  }
.LBB2_6:
0x46: {  	p1 =	sne.s32 s24, $0x7000  }
0x47: {  	[sflag:s14] =	ssyncadd.s32 $0xFFFFC000;
	s25 =	smov.u32 s24;
	s24 =	sadd.s32 $0x400, s24  }
0x48: {  	_ = 	snop  }
0x49: {  	_ =	swait.ge [sflag:s18], $0x4000  }
0x4a: {  	s25 =	sshra.s32 s25, $0x2;
	[sflag:s18] =	ssyncset.done $0x0  }
0x4b: {  	s26 =	sadd.s32 $0x80, s25;
	[sflag:s18] =	ssyncadd.s32 $0xFFFFC000  }
0x4c: {  	[tilespmem:s19], [sflag:$0x2] =	stream.indirect.gather [hbm4b:s5+s16], $0x80, s26, s16, $0xb8;
	[tilespmem:$0x1B000] =	vst v63  }
0x4d: {  	s26 =	sadd.s32 $0x2000, s25  }
0x4e: {  	[spmem:s1] =	stream.indirect.scatter.add.f32 [tilespmem:s17], [sflag:$0x3], $0x80, s26, s16, $0xb8;
	[tilespmem:$0x1B000] =	vst v63  }
0x4f: {  	_ =	swait.ge [sflag:s14], $0x4000  }
0x50: {  	[sflag:s14] =	ssyncset.done $0x0  }
0x51: {  	[sflag:s14] =	ssyncadd.s32 $0xFFFFC000  }
0x52: {  	_ =	swait.ge [sflag:s20], $0x4000  }
0x53: {  	[sflag:s20] =	ssyncset.done $0x0  }
0x54: {  	s26 =	sadd.s32 $0x100, s25;
	[sflag:s20] =	ssyncadd.s32 $0xFFFFC000  }
0x55: {  	[tilespmem:s17], [sflag:$0x1] =	stream.indirect.gather [hbm4b:s5+s16], $0x80, s26, s16, $0xb8;
	[tilespmem:$0x1B000] =	vst v63  }
.Ltmp3:
0x56: {  	_ = 	snop;
	(pc) =	sbr.rel @p1 .LBB2_6-.Ltmp3, $4  }
0x57: {  	s25 =	sadd.s32 $0x2080, s25  }
0x58: {  	[spmem:s1] =	stream.indirect.scatter.add.f32 [tilespmem:s19], [sflag:$0x3], $0x80, s25, s16, $0xb8;
	[tilespmem:$0x1B000] =	vst v63  }
0x59: {  	_ =	swait.ge [sflag:s14], $0x4000  }
0x5a: {  	[sflag:s14] =	ssyncset.done $0x0  }
.Ltmp4:
0x5b: {  	_ = 	snop;
	(pc) =	sbr.rel .LBB2_7-.Ltmp4, $1  }
0x5c: {  	_ =	sdelay $0x3  }
.LBB2_2:
0x5d: {  	[tilespmem:s24], [sflag:$0x3] =	stream.linear.gather [hbm4b:s10+s24], $0x1E00, $0x38;
	[tilespmem:$0x1B000] =	vst v63  }
0x5e: {  	_ =	swait.ge [sflag:s14], $0x1E00  }
0x5f: {  	[sflag:s14] =	ssyncset.done $0x0  }
0x60: {  	[sflag:s14] =	ssyncadd.s32 $0xFFFFE200  }
0x61: {  	[tilespmem:s15], [sflag:$0x3] =	stream.linear.gather [hbm4b:s11+s24], $0x1E00, $0x38;
	[tilespmem:$0x1B000] =	vst v63  }
0x62: {  	_ =	swait.ge [sflag:s14], $0x1E00  }
0x63: {  	[sflag:s14] =	ssyncset.done $0x0  }
0x64: {  	[sflag:s14] =	ssyncadd.s32 $0xFFFFE200  }
0x65: {  	[tilespmem:s17], [sflag:$0x1] =	stream.indirect.gather [hbm4b:s5+s16], $0x80, s24, s16, $0xb8;
	[tilespmem:$0x1B000] =	vst v63  }
0x66: {  	_ =	swait.ge [sflag:s18], $0x4000  }
0x67: {  	[sflag:s18] =	ssyncset.done $0x0  }
0x68: {  	s28 =	simm.s32 $0x80;
	[sflag:s18] =	ssyncadd.s32 $0xFFFFC000  }
0x69: {  	[tilespmem:s19], [sflag:$0x2] =	stream.indirect.gather [hbm4b:s5+s16], $0x80, s28, s16, $0xb8;
	[tilespmem:$0x1B000] =	vst v63  }
0x6a: {  	s29 =	simm.s32 $0x2000  }
0x6b: {  	[spmem:s1] =	stream.indirect.scatter.add.f32 [tilespmem:s17], [sflag:$0x3], $0x80, s29, s16, $0xb8;
	[tilespmem:$0x1B000] =	vst v63  }
0x6c: {  	_ =	swait.ge [sflag:s14], $0x4000  }
0x6d: {  	[sflag:s14] =	ssyncset.done $0x0  }
0x6e: {  	[sflag:s14] =	ssyncadd.s32 $0xFFFFC000  }
0x6f: {  	_ =	swait.ge [sflag:s20], $0x4000  }
0x70: {  	[sflag:s20] =	ssyncset.done $0x0  }
0x71: {  	s30 =	simm.s32 $0x100;
	[sflag:s20] =	ssyncadd.s32 $0xFFFFC000  }
0x72: {  	[tilespmem:s17], [sflag:$0x1] =	stream.indirect.gather [hbm4b:s5+s16], $0x80, s30, s16, $0xb8;
	[tilespmem:$0x1B000] =	vst v63  }
0x73: {  	s31 =	simm.s32 $0x2080  }
0x74: {  	[spmem:s1] =	stream.indirect.scatter.add.f32 [tilespmem:s19], [sflag:$0x3], $0x80, s31, s16, $0xb8;
	[tilespmem:$0x1B000] =	vst v63  }
0x75: {  	_ =	swait.ge [sflag:s14], $0x4000  }
0x76: {  	s24 =	simm.s32 $0x400;
	[sflag:s14] =	ssyncset.done $0x0  }
.LBB2_3:
0x77: {  	p1 =	seq.s32 s24, $0x7000  }
0x78: {  	[sflag:s14] =	ssyncadd.s32 $0xFFFFC000;
	s25 =	smov.u32 s24;
	s24 =	sadd.s32 $0x400, s24  }
0x79: {  	_ = 	snop  }
0x7a: {  	_ =	swait.ge [sflag:s18], $0x4000  }
0x7b: {  	s25 =	sshra.s32 s25, $0x2;
	[sflag:s18] =	ssyncset.done $0x0  }
0x7c: {  	s26 =	sadd.s32 $0x80, s25;
	[sflag:s18] =	ssyncadd.s32 $0xFFFFC000  }
0x7d: {  	[tilespmem:s19], [sflag:$0x2] =	stream.indirect.gather [hbm4b:s5+s16], $0x80, s26, s16, $0xb8;
	[tilespmem:$0x1B000] =	vst v63  }
0x7e: {  	s26 =	sadd.s32 $0x2000, s25  }
0x7f: {  	[spmem:s1] =	stream.indirect.scatter.add.f32 [tilespmem:s17], [sflag:$0x3], $0x80, s26, s16, $0xb8;
	[tilespmem:$0x1B000] =	vst v63  }
0x80: {  	_ =	swait.ge [sflag:s14], $0x4000  }
0x81: {  	[sflag:s14] =	ssyncset.done $0x0  }
0x82: {  	[sflag:s14] =	ssyncadd.s32 $0xFFFFC000  }
0x83: {  	_ =	swait.ge [sflag:s20], $0x4000  }
0x84: {  	[sflag:s20] =	ssyncset.done $0x0  }
0x85: {  	s26 =	sadd.s32 $0x100, s25;
	[sflag:s20] =	ssyncadd.s32 $0xFFFFC000  }
0x86: {  	[tilespmem:s17], [sflag:$0x1] =	stream.indirect.gather [hbm4b:s5+s16], $0x80, s26, s16, $0xb8;
	[tilespmem:$0x1B000] =	vst v63  }
.Ltmp5:
0x87: {  	_ = 	snop;
	(pc) =	sbr.rel @!p1 .LBB2_3-.Ltmp5, $4  }
0x88: {  	s25 =	sadd.s32 $0x2080, s25  }
0x89: {  	[spmem:s1] =	stream.indirect.scatter.add.f32 [tilespmem:s19], [sflag:$0x3], $0x80, s25, s16, $0xb8;
	[tilespmem:$0x1B000] =	vst v63  }
0x8a: {  	_ =	swait.ge [sflag:s14], $0x4000  }
0x8b: {  	[sflag:s14] =	ssyncset.done $0x0  }
.Ltmp6:
0x8c: {  	(pc) =	sbr.rel .LBB2_8-.Ltmp6, $2  }
0x8d: {  	_ =	sdelay $0x2  }
0x8e: {  	[sflag:s14] =	ssyncadd.s32 $0xFFFFC000;
	s24 =	smov.u32 s6  }
.LBB2_9:
0x8f: {  	_ =	sfence.sel $0x180000  }
0x90: {  	[bflag:$0x0] =	sbarrier.arrive $0xFFFF  }
0x91: {  	p0 =	sne.s32 s2, $0x0;
	_ =	strace $0x9000004D  }
0x92: {  	s0 =	sadd.s32 @!p0 $0x100000, s0;
	[bflag:$0x2] =	sbarrier.arrive $0xFFFF  }
0x93: {  	[sflag:s0] =	ssyncadd.tile.s32 @!p0 $0x1;
	_ =	shalt  }
.Lfunc_end2:
_tile_overlayer_lowered:
.L_overlay_start_2:
0x94: {  	(tag) =	ssettag $0x2  }
0x95: {  	s0 =	rddreg [dreg:$0x0];
	s2 =	stileid.u32  }
0x96: {  	s1 =	rddreg [dreg:$0x1];
	p0 =	sne.s32 s2, $0x0  }
0x97: {  	s3 =	rddreg [dreg:$0x2];
	[bflag:$0x3] =	sbarrier.arrive $0xFFFF;
	s2 =	simm.s32 @!p0 $0x1C03  }
0x98: {  	[timem:s3], [sflag:s2] =	dma.local @!p0 [hbm:s0], s1  }
0x99: {  	s0 =	simm.s32 @!p0 $0x3  }
0x9a: {  	_ =	swait.ge @!p0 [sflag:s0], s1  }
0x9b: {  	s1 =	ssub.s32 @!p0 $0x0, s1;
	[sflag:s0] =	ssyncset.done @!p0 $0x0  }
0x9c: {  	[sflag:s0] =	ssyncadd.s32 @!p0 s1  }
0x9d: {  	[bflag:$0x3] =	sbarrier.arrive $0xFFFF  }
0x9e: {  	_ =	shalt  }

// kernel: kernel.21.cloned.1.call-start
scs
__scs_entry_jumppad:
0x0: {  	(pc) =	sbr.rel $0x88, $3  }
0x1: {  	(tag) =	ssettag $0x0;
	lr =	simm.s32 $0x1  }
0x2: {  	[smem:$0x3F78] =	sst lr;
	_ =	strace $0xD0000000  }
0x3: {  	_ = 	snop  }
0x4: {  	_ = 	snop  }
0x5: {  	_ = 	snop  }
0x6: {  	_ = 	snop  }
0x7: {  	_ = 	snop  }
__scs_overlays_trampoline_lowered:
0x8: {  	[smem:$0x3F87] =	sst s0  }
0x9: {  	[smem:$0x3F88] =	sst s1  }
0xa: {  	[smem:$0x3F89] =	sst s2  }
0xb: {  	[smem:$0x3F8A] =	sst s3  }
0xc: {  	[smem:$0x3F8B] =	sst s4  }
0xd: {  	[smem:$0x3F8C] =	sst s5  }
0xe: {  	[smem:$0x3F8D] =	sst s6  }
0xf: {  	[smem:$0x3F8E] =	sst s7  }
0x10: {  	[smem:$0x3F8F] =	sst s8  }
0x11: {  	[smem:$0x3F90] =	sst s9;
	s0 =	simm.s32 @!p0 $0x0  }
0x12: {  	s1 =	sld [smem:$0x3F76];
	s0 =	simm.s32 @p0 $0x1  }
0x13: {  	[smem:$0x3F91] =	sst s0;
	s0 =	simm.s32 @!p1 $0x0  }
0x14: {  	s2 =	sld [smem:$0x3F75];
	s0 =	simm.s32 @p1 $0x1  }
0x15: {  	[smem:$0x3F92] =	sst s0;
	s0 =	simm.s32 @!p2 $0x0  }
0x16: {  	s3 =	sld [smem:$0x3FDB];
	s0 =	simm.s32 @p2 $0x1  }
0x17: {  	s4 =	simm.s32 $0x1BF5;
	[smem:$0x3F94] =	sst s0  }
0x18: {  	s0 =	sld [smem:$0x3F77];
	_ =	swait.ge [sflag:s4], $0x0  }
0x19: {  	s7 =	sld [smem:$0x3F78]  }
0x1a: {  	s8 =	sadd.s32 $0xFFFFE003, lr  }
0x1b: {  	s9 =	sadd.s32 $0xFFFFFEF7, lr;
	s5 =	simm.s32 $0xFFFFFFFF;
	p2 =	slt.u32 s8, $0xFFFFF086  }
0x1c: {  	p1 =	slt.u32 s9, $0xF7A;
	s5 =	simm.s32 @!p2 $0x0  }
0x1d: {  	s5 =	simm.s32 @p1 $0x1;
	p0 =	seq.s32 s7, s2  }
0x1e: {  	s7 =	smul.u32 @!p0 $0xF7A, s2;
	p2 =	seq.s32 @!p0 s5, $0x0  }
0x1f: {  	s9 =	smul.u32 $0xF7A, s1;
	s8 =	simm.s32 @!p0 $0x1BF5;
	p2 =	por !p2, p0  }
0x20: {  	[sflag:s8] =	ssyncset.s32 @!p0 $0xFFFFF086;
	s6 =	sadd.s32 @!p0 s3, s7;
	s7 =	simm.s32 @!p0 $0x108  }
0x21: {  	s3 =	sadd.s32 s3, s9;
	s6 =	sadd.s32 @!p0 $0x88, s6;
	s7 =	simm.s32 @p2 $0x1082  }
0x22: {  	[simem:s7], [sflag:s8] =	dma.local @!p0 [hbm:s6], $0xF7A  }
0x23: {  	s9 =	sor.u32 $0xD0000000, s2;
	s6 =	simm.s32 $0x108;
	_ =	swait.ge @!p0 [sflag:s8], $0x0  }
0x24: {  	s3 =	sadd.s32 $0x88, s3;
	s6 =	simm.s32 @!p1 $0x1082;
	[sflag:s4] =	ssyncset.s32 $0xFFFFF086  }
0x25: {  	[simem:s6], [sflag:s4] =	dma.local [hbm:s3], $0xF7A  }
0x26: {  	[smem:$0x3F78] =	sst s1;
	(tag) =	ssettag s2;
	_ =	strace s9  }
0x27: {  	s1 =	sld [smem:$0x3F88]  }
0x28: {  	s2 =	sld [smem:$0x3F89]  }
0x29: {  	s4 =	sld [smem:$0x3F8B]  }
0x2a: {  	p0 =	seq.s32 s5, $0x0;
	s5 =	sld [smem:$0x3F8C]  }
0x2b: {  	s6 =	sld [smem:$0x3F8D]  }
0x2c: {  	s7 =	sld [smem:$0x3F8E]  }
0x2d: {  	s3 =	simm.s32 $0x108;
	s8 =	sld [smem:$0x3F8F]  }
0x2e: {  	s3 =	simm.s32 @!p0 $0x1082;
	s9 =	sld [smem:$0x3F90]  }
0x2f: {  	lr =	sadd.s32 s0, s3;
	s0 =	sld [smem:$0x3F87]  }
0x30: {  	s3 =	sld [smem:$0x3F8A]  }
0x31: {  	[smem:$0x3F93] =	sst s10  }
0x32: {  	s10 =	sld [smem:$0x3F91];
	_ =	sdelay $0x3  }
0x33: {  	p0 =	seq.s32 s10, $0x1;
	s10 =	sld [smem:$0x3F93];
	_ =	sdelay $0x3  }
0x34: {  	[smem:$0x3F93] =	sst s10  }
0x35: {  	s10 =	sld [smem:$0x3F92];
	_ =	sdelay $0x3  }
0x36: {  	p1 =	seq.s32 s10, $0x1;
	s10 =	sld [smem:$0x3F93];
	_ =	sdelay $0x3  }
0x37: {  	[smem:$0x3F93] =	sst s10  }
0x38: {  	s10 =	sld [smem:$0x3F94]  }
0x39: {  	_ = 	snop;
	(pc) =	sbr.ind lr, $3  }
0x3a: {  	_ = 	snop  }
0x3b: {  	_ = 	snop  }
0x3c: {  	p2 =	seq.s32 s10, $0x1;
	s10 =	sld [smem:$0x3F93]  }
0x3d: {  	_ =	shalt  }
0x3e: {  	_ =	shalt  }
0x3f: {  	_ =	shalt  }
0x40: {  	_ =	shalt  }
0x41: {  	_ =	shalt  }
0x42: {  	_ =	shalt  }
0x43: {  	_ =	shalt  }
0x44: {  	_ =	shalt  }
0x45: {  	_ =	shalt  }
0x46: {  	_ =	shalt  }
0x47: {  	_ =	shalt  }
0x48: {  	_ =	shalt  }
0x49: {  	_ =	shalt  }
0x4a: {  	_ =	shalt  }
0x4b: {  	_ =	shalt  }
0x4c: {  	_ =	shalt  }
0x4d: {  	_ =	shalt  }
0x4e: {  	_ =	shalt  }
0x4f: {  	_ =	shalt  }
0x50: {  	_ =	shalt  }
0x51: {  	_ =	shalt  }
0x52: {  	_ =	shalt  }
0x53: {  	_ =	shalt  }
0x54: {  	_ =	shalt  }
0x55: {  	_ =	shalt  }
0x56: {  	_ =	shalt  }
0x57: {  	_ =	shalt  }
0x58: {  	_ =	shalt  }
0x59: {  	_ =	shalt  }
0x5a: {  	_ =	shalt  }
0x5b: {  	_ =	shalt  }
0x5c: {  	_ =	shalt  }
0x5d: {  	_ =	shalt  }
0x5e: {  	_ =	shalt  }
0x5f: {  	_ =	shalt  }
0x60: {  	_ =	shalt  }
0x61: {  	_ =	shalt  }
0x62: {  	_ =	shalt  }
0x63: {  	_ =	shalt  }
0x64: {  	_ =	shalt  }
0x65: {  	_ =	shalt  }
0x66: {  	_ =	shalt  }
0x67: {  	_ =	shalt  }
0x68: {  	_ =	shalt  }
0x69: {  	_ =	shalt  }
0x6a: {  	_ =	shalt  }
0x6b: {  	_ =	shalt  }
0x6c: {  	_ =	shalt  }
0x6d: {  	_ =	shalt  }
0x6e: {  	_ =	shalt  }
0x6f: {  	_ =	shalt  }
0x70: {  	_ =	shalt  }
0x71: {  	_ =	shalt  }
0x72: {  	_ =	shalt  }
0x73: {  	_ =	shalt  }
0x74: {  	_ =	shalt  }
0x75: {  	_ =	shalt  }
0x76: {  	_ =	shalt  }
0x77: {  	_ =	shalt  }
0x78: {  	_ =	shalt  }
0x79: {  	_ =	shalt  }
0x7a: {  	_ =	shalt  }
0x7b: {  	_ =	shalt  }
0x7c: {  	_ =	shalt  }
0x7d: {  	_ =	shalt  }
0x7e: {  	_ =	shalt  }
0x7f: {  	_ =	shalt  }
0x80: {  	_ =	shalt  }
0x81: {  	_ =	shalt  }
0x82: {  	_ =	shalt  }
0x83: {  	_ =	shalt  }
0x84: {  	_ =	shalt  }
0x85: {  	_ =	shalt  }
0x86: {  	_ =	shalt  }
0x87: {  	_ =	shalt  }
.Lfunc_end0:
.L_simem_size_0:
called_computation.3_lowered:
.L_overlay_start_0:
0x88: {  	s2 =	sld [smem:$0x3FD9]  }
0x89: {  	s3 =	sld [smem:$0x3FFE];
	_ =	sdelay $0x1  }
0x8a: {  	s1 =	srdreg.scid  }
0x8b: {  	s0 =	sand.u32 $0x1, s1  }
0x8c: {  	s16 =	sshll.u32 s0, $0xA;
	s2 =	sadd.s32 s3, s2  }
0x8d: {  	s2 =	sadd.s32 s2, s16  }
0x8e: {  	[smem:$0x3F9F] =	sst s2  }
0x8f: {  	_ = 	snop  }
0x90: {  	(tm) =	ssettm $0x1  }
0x91: {  	s17 =	sld [smem:$0x3FFB];
	_ =	sdelay $0x3  }
0x92: {  	_ =	strace s17  }
0x93: {  	s2 =	sld [smem:$0x3FFC];
	_ =	sdelay $0x3  }
0x94: {  	_ =	strace s2  }
0x95: {  	s2 =	sld [smem:$0x3FFD];
	_ =	sdelay $0x3  }
0x96: {  	_ =	strace s2  }
0x97: {  	_ =	strace $0x8FFFFFFF  }
0x98: {  	s18 =	sld [smem:$0x3FDB];
	_ =	sdelay $0x1  }
0x99: {  	s19 =	simm.s32 $_scs_section_size  }
0x9a: {  	s4 =	simm.s32 $_size__tile_overlayer_lowered;
	s5 =	simm.s32 $_tile_overlayer_lowered  }
0x9b: {  	s22 =	simm.s32 $0x1BFF;
	s21 =	sshll.u32 s5, $0x1;
	s2 =	sadd.s32 s19, s18  }
0x9c: {  	s6 =	simm.s32 $0x0;
	s20 =	sshll.u32 s4, $0x1;
	s4 =	sadd.s32 s21, s2  }
0x9d: {  	[timem:s6], [sflag:s22] =	dma.local [hbm:s4], s20  }
0x9e: {  	_ =	swait.ge [sflag:s22], s20  }
0x9f: {  	s3 =	ssub.s32 $0x0, s20;
	[sflag:s22] =	ssyncset.done $0x0  }
0xa0: {  	[sflag:s22] =	ssyncadd.s32 s3;
	_ =	sdelay $0x1  }
0xa1: {  	s23 =	simm.s32 $0x1B8B  }
0xa2: {  	_ =	swait.ge [sflag:s23], $0x1  }
0xa3: {  	[sflag:s23] =	ssyncset.done $0x0  }
0xa4: {  	s25 =	simm.s32 $0x1B8E;
	s24 =	sld [smem:$0x3FFE];
	[sflag:s23] =	ssyncadd.s32 $0xFFFFFFFF  }
0xa5: {  	s26 =	simm.s32 $execute0_lowered;
	[smem:$0x3FD2] =	sst s25  }
0xa6: {  	s4 =	sshll.u32 s26, $0x1;
	_ =	strace $0x8000004F;
	[dreg:$0x1] =	wrdreg $0xFFFFFFFF  }
0xa7: {  	s28 =	simm.s32 $_size_execute0_lowered;
	s2 =	sadd.s32 s2, s4;
	[dreg:$0x0] =	wrdreg $0x0  }
0xa8: {  	s4 =	sshll.u32 s28, $0x1;
	[dreg:$0x2] =	wrdreg s2  }
0xa9: {  	[dreg:$0x3] =	wrdreg s4  }
0xaa: {  	[dreg:$0x4] =	wrdreg $0xC0  }
0xab: {  	_ =	task [dreg:s6], $0x5FFFF  }
0xac: {  	[dreg:$0x1] =	wrdreg $0xFFFFFFFF  }
0xad: {  	[dreg:$0x0] =	wrdreg $0x60  }
0xae: {  	[dreg:$0x2] =	wrdreg s24  }
0xaf: {  	[dreg:$0x3] =	wrdreg $0xC0000  }
0xb0: {  	[dreg:$0x4] =	wrdreg $0x9  }
0xb1: {  	_ =	task.clear_ibuf [dreg:s6], $0x5FFFF;
	_ =	strace $0x9000004F  }
0xb2: {  	s29 =	simm.s32 $0x9;
	_ =	strace $0x80000051  }
0xb3: {  	_ =	swait.ge [sflag:s29], $0x1  }
0xb4: {  	[sflag:s29] =	ssyncadd.s32 $0xFFFFFFFF  }
0xb5: {  	_ =	strace $0x90000051  }
0xb6: {  	_ =	sfence  }
0xb7: {  	s30 =	sld [smem:$0x0];
	_ =	sdelay $0x2  }
0xb8: {  	s31 =	sshll.u32 s1, $0xD;
	s1 =	sshrl.u32 s1, $0x2  }
0xb9: {  	s3 =	sand.u32 $0x4000, s31;
	s1 =	sadd.s32 s1, s30  }
0xba: {  	s0 =	sor.u32 s3, s0;
	s1 =	sshll.u32 s1, $0x11  }
0xbb: {  	s0 =	sor.u32 s1, s0  }
0xbc: {  	s0 =	sadd.s32 $0x8F2B, s0  }
0xbd: {  	[sflag:s0] =	ssyncadd.remote.s32 $0x1  }
0xbe: {  	_ =	sfence.sel $0xFFFF  }
0xbf: {  	[dreg:$0x0] =	wrdreg $0xFFFFFFFF;
	(pc) =	sbr.abs _section_cstart, $3  }
0xc0: {  	[dreg:$0x1] =	wrdreg $0xFFFFFFFF  }
0xc1: {  	_ =	task.clear_ibuf [dreg:s6], $0x2FFFF;
	_ =	strace $0x9FFFFFFF  }
0xc2: {  	(tm) =	ssettm $0x7FFFFFFF  }
0xc3: {  	_ =	shalt  }
tec
execute0_lowered:
.L_overlay_start_1:
0x0: {  	(tag) =	ssettag $0x1  }
0x1: {  	s7 =	rddreg [dreg:$0x0]  }
0x2: {  	s1 =	rddreg [dreg:$0x1]  }
0x3: {  	s0 =	rddreg [dreg:$0x2];
	s3 =	simm.s32 $0x0;
	s2 =	stileid.u32  }
0x4: {  	s8 =	srdreg.scid;
	s15 =	simm.s32 $0x2000;
	s16 =	simm.s32 $0x80  }
0x5: {  	s17 =	simm.s32 $0x4000;
	s18 =	simm.s32 $0x1;
	s19 =	simm.s32 $0x8000  }
0x6: {  	s20 =	simm.s32 $0x2;
	s21 =	simm.s32 $0x1D80;
	s22 =	simm.s32 $0x3D00  }
0x7: {  	s23 =	simm.s32 $0x3D80;
	[smem:$0x7FF] =	sst s3;
	s6 =	sshll.u32 s2, $0xA  }
0x8: {  	s4 =	smul.u32 $0x1E00, s2;
	s5 =	sadd.s32 $0xF000, s7;
	s10 =	sand.u32 $0x1, s8  }
0x9: {  	s12 =	smul.u32 $0x3C000, s2;
	s31 =	sshll.u32 s2, $0x6;
	_ =	strace $0x80000050  }
0xa: {  	s11 =	sadd.s32 s6, s7;
	s9 =	ssub.s32 $0x2, s10;
	s6 =	sadd.s32 $0x4B000, s7  }
.Ltmp0:
0xb: {  	p0 =	seq.s32 s10, $0x1;
	s29 =	sadd.s32 s4, s7;
	(pc) =	sbr.rel .LBB2_1-.Ltmp0, $4  }
0xc: {  	s7 =	sadd.s32 $0x69000, s7;
	s13 =	sshrl.u32 s9, $0x1;
	s30 =	sshrl.u32 s12, $0x2  }
0xd: {  	s10 =	sadd.s32 $0x7000, s11;
	s11 =	sadd.s32 $0xB000, s11;
	s13 =	ssub.s32 s9, s13  }
0xe: {  	s14 =	sadd.s32 s30, s1;
	s8 =	sadd.s32 $0x2D000, s29;
	s9 =	sor.u32 $0x1C03, s31  }
0xf: {  	s12 =	smax.u32 s13, $0x1;
	s13 =	sshrl.u32 s14, $0x3;
	s14 =	simm.s32 $0x3  }
.LBB2_7:
0x10: {  	[sflag:s14] =	ssyncadd.s32 $0xFFFFC000;
	s24 =	smov.u32 s7  }
.LBB2_8:
0x11: {  	_ =	swait.ge [sflag:s18], $0x4000  }
0x12: {  	[sflag:s18] =	ssyncset.done $0x0  }
0x13: {  	[sflag:s18] =	ssyncadd.s32 $0xFFFFC000  }
0x14: {  	[tilespmem:s19], [sflag:$0x2] =	stream.indirect.gather [hbm4b:s5+s16], $0x80, s21, s16, $0xb8;
	[tilespmem:$0x1B000] =	vst v63  }
0x15: {  	_ = 	snop  }
0x16: {  	[spmem:s1] =	stream.indirect.scatter.add.f32 [tilespmem:s17], [sflag:$0x3], $0x80, s22, s16, $0xb8;
	[tilespmem:$0x1B000] =	vst v63  }
0x17: {  	_ =	swait.ge [sflag:s14], $0x4000  }
0x18: {  	[sflag:s14] =	ssyncset.done $0x0  }
0x19: {  	[sflag:s14] =	ssyncadd.s32 $0xFFFFC000  }
0x1a: {  	_ =	swait.ge [sflag:s20], $0x4000  }
0x1b: {  	[sflag:s20] =	ssyncset.done $0x0  }
0x1c: {  	[sflag:s20] =	ssyncadd.s32 $0xFFFFC000  }
0x1d: {  	[spmem:s1] =	stream.indirect.scatter.add.f32 [tilespmem:s19], [sflag:$0x3], $0x80, s23, s16, $0xb8;
	[tilespmem:$0x1B000] =	vst v63  }
0x1e: {  	_ =	swait.ge [sflag:s14], $0x4000  }
0x1f: {  	s3 =	sadd.s32 $0x1, s3;
	[sflag:s14] =	ssyncset.done $0x0  }
0x20: {  	p1 =	sne.s32 s3, s12;
	[sflag:s14] =	ssyncadd.s32 $0xFFFFC000  }
.Ltmp1:
0x21: {  	s24 =	sadd.s32 s24, s4;
	[bflag:$0x0] =	sbarrier.arrive $0xFFFF;
	(pc) =	sbr.rel @!p1 .LBB2_9-.Ltmp1, $4  }
0x22: {  	[hbm:s24], [sflag:s9] =	dma.local [spmem:s13], $0x1E00  }
0x23: {  	_ =	swait.ge [sflag:s14], $0x1E00  }
0x24: {  	[sflag:s14] =	ssyncset.done $0x0  }
0x25: {  	[sflag:s14] =	ssyncadd.s32 $0xFFFFE200  }
.LBB2_1:
0x26: {  	[spmem:s13], [sflag:s9] =	dma.local [hbm:s8], $0x1E00  }
.Ltmp2:
0x27: {  	_ =	swait.ge [sflag:s14], $0x1E00;
	(pc) =	sbr.rel @!p0 .LBB2_2-.Ltmp2, $4  }
0x28: {  	[sflag:s14] =	ssyncset.done $0x0  }
0x29: {  	[sflag:s14] =	ssyncadd.s32 $0xFFFFE200  }
0x2a: {  	[bflag:$0x0] =	sbarrier.arrive $0xFFFF  }
0x2b: {  	s24 =	simm.s32 $0x0  }
0x2c: {  	[tilespmem:s24], [sflag:$0x3] =	stream.linear.gather [hbm4b:s11+s24], $0x1E00, $0x38;
	[tilespmem:$0x1B000] =	vst v63  }
0x2d: {  	_ =	swait.ge [sflag:s14], $0x1E00  }
0x2e: {  	[sflag:s14] =	ssyncset.done $0x0  }
0x2f: {  	[sflag:s14] =	ssyncadd.s32 $0xFFFFE200  }
0x30: {  	[tilespmem:s15], [sflag:$0x3] =	stream.linear.gather [hbm4b:s10+s24], $0x1E00, $0x38;
	[tilespmem:$0x1B000] =	vst v63  }
0x31: {  	_ =	swait.ge [sflag:s14], $0x1E00  }
0x32: {  	[sflag:s14] =	ssyncset.done $0x0  }
0x33: {  	[sflag:s14] =	ssyncadd.s32 $0xFFFFE200  }
0x34: {  	[tilespmem:s17], [sflag:$0x1] =	stream.indirect.gather [hbm4b:s5+s16], $0x80, s24, s16, $0xb8;
	[tilespmem:$0x1B000] =	vst v63  }
0x35: {  	_ =	swait.ge [sflag:s18], $0x4000  }
0x36: {  	[sflag:s18] =	ssyncset.done $0x0  }
0x37: {  	s28 =	simm.s32 $0x80;
	[sflag:s18] =	ssyncadd.s32 $0xFFFFC000  }
0x38: {  	[tilespmem:s19], [sflag:$0x2] =	stream.indirect.gather [hbm4b:s5+s16], $0x80, s28, s16, $0xb8;
	[tilespmem:$0x1B000] =	vst v63  }
0x39: {  	s29 =	simm.s32 $0x2000  }
0x3a: {  	[spmem:s1] =	stream.indirect.scatter.add.f32 [tilespmem:s17], [sflag:$0x3], $0x80, s29, s16, $0xb8;
	[tilespmem:$0x1B000] =	vst v63  }
0x3b: {  	_ =	swait.ge [sflag:s14], $0x4000  }
0x3c: {  	[sflag:s14] =	ssyncset.done $0x0  }
0x3d: {  	[sflag:s14] =	ssyncadd.s32 $0xFFFFC000  }
0x3e: {  	_ =	swait.ge [sflag:s20], $0x4000  }
0x3f: {  	[sflag:s20] =	ssyncset.done $0x0  }
0x40: {  	s30 =	simm.s32 $0x100;
	[sflag:s20] =	ssyncadd.s32 $0xFFFFC000  }
0x41: {  	[tilespmem:s17], [sflag:$0x1] =	stream.indirect.gather [hbm4b:s5+s16], $0x80, s30, s16, $0xb8;
	[tilespmem:$0x1B000] =	vst v63  }
0x42: {  	s31 =	simm.s32 $0x2080  }
0x43: {  	[spmem:s1] =	stream.indirect.scatter.add.f32 [tilespmem:s19], [sflag:$0x3], $0x80, s31, s16, $0xb8;
	[tilespmem:$0x1B000] =	vst v63  }
0x44: {  	_ =	swait.ge [sflag:s14], $0x4000  }
0x45: {  	s24 =	simm.s32 $0x400;
	[sflag:s14] =	ssyncset.done $0x0  }
.LBB2_6:
0x46: {  	p1 =	sne.s32 s24, $0x7000  }
0x47: {  	[sflag:s14] =	ssyncadd.s32 $0xFFFFC000;
	s25 =	smov.u32 s24;
	s24 =	sadd.s32 $0x400, s24  }
0x48: {  	_ = 	snop  }
0x49: {  	_ =	swait.ge [sflag:s18], $0x4000  }
0x4a: {  	s25 =	sshra.s32 s25, $0x2;
	[sflag:s18] =	ssyncset.done $0x0  }
0x4b: {  	s26 =	sadd.s32 $0x80, s25;
	[sflag:s18] =	ssyncadd.s32 $0xFFFFC000  }
0x4c: {  	[tilespmem:s19], [sflag:$0x2] =	stream.indirect.gather [hbm4b:s5+s16], $0x80, s26, s16, $0xb8;
	[tilespmem:$0x1B000] =	vst v63  }
0x4d: {  	s26 =	sadd.s32 $0x2000, s25  }
0x4e: {  	[spmem:s1] =	stream.indirect.scatter.add.f32 [tilespmem:s17], [sflag:$0x3], $0x80, s26, s16, $0xb8;
	[tilespmem:$0x1B000] =	vst v63  }
0x4f: {  	_ =	swait.ge [sflag:s14], $0x4000  }
0x50: {  	[sflag:s14] =	ssyncset.done $0x0  }
0x51: {  	[sflag:s14] =	ssyncadd.s32 $0xFFFFC000  }
0x52: {  	_ =	swait.ge [sflag:s20], $0x4000  }
0x53: {  	[sflag:s20] =	ssyncset.done $0x0  }
0x54: {  	s26 =	sadd.s32 $0x100, s25;
	[sflag:s20] =	ssyncadd.s32 $0xFFFFC000  }
0x55: {  	[tilespmem:s17], [sflag:$0x1] =	stream.indirect.gather [hbm4b:s5+s16], $0x80, s26, s16, $0xb8;
	[tilespmem:$0x1B000] =	vst v63  }
.Ltmp3:
0x56: {  	_ = 	snop;
	(pc) =	sbr.rel @p1 .LBB2_6-.Ltmp3, $4  }
0x57: {  	s25 =	sadd.s32 $0x2080, s25  }
0x58: {  	[spmem:s1] =	stream.indirect.scatter.add.f32 [tilespmem:s19], [sflag:$0x3], $0x80, s25, s16, $0xb8;
	[tilespmem:$0x1B000] =	vst v63  }
0x59: {  	_ =	swait.ge [sflag:s14], $0x4000  }
0x5a: {  	[sflag:s14] =	ssyncset.done $0x0  }
.Ltmp4:
0x5b: {  	_ = 	snop;
	(pc) =	sbr.rel .LBB2_7-.Ltmp4, $1  }
0x5c: {  	_ =	sdelay $0x3  }
.LBB2_2:
0x5d: {  	[tilespmem:s24], [sflag:$0x3] =	stream.linear.gather [hbm4b:s10+s24], $0x1E00, $0x38;
	[tilespmem:$0x1B000] =	vst v63  }
0x5e: {  	_ =	swait.ge [sflag:s14], $0x1E00  }
0x5f: {  	[sflag:s14] =	ssyncset.done $0x0  }
0x60: {  	[sflag:s14] =	ssyncadd.s32 $0xFFFFE200  }
0x61: {  	[tilespmem:s15], [sflag:$0x3] =	stream.linear.gather [hbm4b:s11+s24], $0x1E00, $0x38;
	[tilespmem:$0x1B000] =	vst v63  }
0x62: {  	_ =	swait.ge [sflag:s14], $0x1E00  }
0x63: {  	[sflag:s14] =	ssyncset.done $0x0  }
0x64: {  	[sflag:s14] =	ssyncadd.s32 $0xFFFFE200  }
0x65: {  	[tilespmem:s17], [sflag:$0x1] =	stream.indirect.gather [hbm4b:s5+s16], $0x80, s24, s16, $0xb8;
	[tilespmem:$0x1B000] =	vst v63  }
0x66: {  	_ =	swait.ge [sflag:s18], $0x4000  }
0x67: {  	[sflag:s18] =	ssyncset.done $0x0  }
0x68: {  	s28 =	simm.s32 $0x80;
	[sflag:s18] =	ssyncadd.s32 $0xFFFFC000  }
0x69: {  	[tilespmem:s19], [sflag:$0x2] =	stream.indirect.gather [hbm4b:s5+s16], $0x80, s28, s16, $0xb8;
	[tilespmem:$0x1B000] =	vst v63  }
0x6a: {  	s29 =	simm.s32 $0x2000  }
0x6b: {  	[spmem:s1] =	stream.indirect.scatter.add.f32 [tilespmem:s17], [sflag:$0x3], $0x80, s29, s16, $0xb8;
	[tilespmem:$0x1B000] =	vst v63  }
0x6c: {  	_ =	swait.ge [sflag:s14], $0x4000  }
0x6d: {  	[sflag:s14] =	ssyncset.done $0x0  }
0x6e: {  	[sflag:s14] =	ssyncadd.s32 $0xFFFFC000  }
0x6f: {  	_ =	swait.ge [sflag:s20], $0x4000  }
0x70: {  	[sflag:s20] =	ssyncset.done $0x0  }
0x71: {  	s30 =	simm.s32 $0x100;
	[sflag:s20] =	ssyncadd.s32 $0xFFFFC000  }
0x72: {  	[tilespmem:s17], [sflag:$0x1] =	stream.indirect.gather [hbm4b:s5+s16], $0x80, s30, s16, $0xb8;
	[tilespmem:$0x1B000] =	vst v63  }
0x73: {  	s31 =	simm.s32 $0x2080  }
0x74: {  	[spmem:s1] =	stream.indirect.scatter.add.f32 [tilespmem:s19], [sflag:$0x3], $0x80, s31, s16, $0xb8;
	[tilespmem:$0x1B000] =	vst v63  }
0x75: {  	_ =	swait.ge [sflag:s14], $0x4000  }
0x76: {  	s24 =	simm.s32 $0x400;
	[sflag:s14] =	ssyncset.done $0x0  }
.LBB2_3:
0x77: {  	p1 =	seq.s32 s24, $0x7000  }
0x78: {  	[sflag:s14] =	ssyncadd.s32 $0xFFFFC000;
	s25 =	smov.u32 s24;
	s24 =	sadd.s32 $0x400, s24  }
0x79: {  	_ = 	snop  }
0x7a: {  	_ =	swait.ge [sflag:s18], $0x4000  }
0x7b: {  	s25 =	sshra.s32 s25, $0x2;
	[sflag:s18] =	ssyncset.done $0x0  }
0x7c: {  	s26 =	sadd.s32 $0x80, s25;
	[sflag:s18] =	ssyncadd.s32 $0xFFFFC000  }
0x7d: {  	[tilespmem:s19], [sflag:$0x2] =	stream.indirect.gather [hbm4b:s5+s16], $0x80, s26, s16, $0xb8;
	[tilespmem:$0x1B000] =	vst v63  }
0x7e: {  	s26 =	sadd.s32 $0x2000, s25  }
0x7f: {  	[spmem:s1] =	stream.indirect.scatter.add.f32 [tilespmem:s17], [sflag:$0x3], $0x80, s26, s16, $0xb8;
	[tilespmem:$0x1B000] =	vst v63  }
0x80: {  	_ =	swait.ge [sflag:s14], $0x4000  }
0x81: {  	[sflag:s14] =	ssyncset.done $0x0  }
0x82: {  	[sflag:s14] =	ssyncadd.s32 $0xFFFFC000  }
0x83: {  	_ =	swait.ge [sflag:s20], $0x4000  }
0x84: {  	[sflag:s20] =	ssyncset.done $0x0  }
0x85: {  	s26 =	sadd.s32 $0x100, s25;
	[sflag:s20] =	ssyncadd.s32 $0xFFFFC000  }
0x86: {  	[tilespmem:s17], [sflag:$0x1] =	stream.indirect.gather [hbm4b:s5+s16], $0x80, s26, s16, $0xb8;
	[tilespmem:$0x1B000] =	vst v63  }
.Ltmp5:
0x87: {  	_ = 	snop;
	(pc) =	sbr.rel @!p1 .LBB2_3-.Ltmp5, $4  }
0x88: {  	s25 =	sadd.s32 $0x2080, s25  }
0x89: {  	[spmem:s1] =	stream.indirect.scatter.add.f32 [tilespmem:s19], [sflag:$0x3], $0x80, s25, s16, $0xb8;
	[tilespmem:$0x1B000] =	vst v63  }
0x8a: {  	_ =	swait.ge [sflag:s14], $0x4000  }
0x8b: {  	[sflag:s14] =	ssyncset.done $0x0  }
.Ltmp6:
0x8c: {  	(pc) =	sbr.rel .LBB2_8-.Ltmp6, $2  }
0x8d: {  	_ =	sdelay $0x2  }
0x8e: {  	[sflag:s14] =	ssyncadd.s32 $0xFFFFC000;
	s24 =	smov.u32 s6  }
.LBB2_9:
0x8f: {  	_ =	sfence.sel $0x180000  }
0x90: {  	[bflag:$0x0] =	sbarrier.arrive $0xFFFF  }
0x91: {  	p0 =	sne.s32 s2, $0x0;
	_ =	strace $0x90000050  }
0x92: {  	s0 =	sadd.s32 @!p0 $0x100000, s0;
	[bflag:$0x2] =	sbarrier.arrive $0xFFFF  }
0x93: {  	[sflag:s0] =	ssyncadd.tile.s32 @!p0 $0x1;
	_ =	shalt  }
.Lfunc_end2:
_tile_overlayer_lowered:
.L_overlay_start_2:
0x94: {  	(tag) =	ssettag $0x2  }
0x95: {  	s0 =	rddreg [dreg:$0x0];
	s2 =	stileid.u32  }
0x96: {  	s1 =	rddreg [dreg:$0x1];
	p0 =	sne.s32 s2, $0x0  }
0x97: {  	s3 =	rddreg [dreg:$0x2];
	[bflag:$0x3] =	sbarrier.arrive $0xFFFF;
	s2 =	simm.s32 @!p0 $0x1C03  }
0x98: {  	[timem:s3], [sflag:s2] =	dma.local @!p0 [hbm:s0], s1  }
0x99: {  	s0 =	simm.s32 @!p0 $0x3  }
0x9a: {  	_ =	swait.ge @!p0 [sflag:s0], s1  }
0x9b: {  	s1 =	ssub.s32 @!p0 $0x0, s1;
	[sflag:s0] =	ssyncset.done @!p0 $0x0  }
0x9c: {  	[sflag:s0] =	ssyncadd.s32 @!p0 s1  }
0x9d: {  	[bflag:$0x3] =	sbarrier.arrive $0xFFFF  }
0x9e: {  	_ =	shalt  }

</sc_bundles>
